<compile_context>
chip_gen: v7x
topology: tpu7x:2x2x1
jax: 0.10.2.dev20260603
libtpu: 0.0.44.dev20260713+nightly
codegen_flags: <defaults>
</compile_context>

<pallas_src>
import jax
import jax.numpy as jnp
from jax import lax
from jax.experimental import pallas as pl
from jax.experimental.pallas import tpu as pltpu
from jax.experimental.pallas import tpu_sc as plsc

P = 4194304
NC = 2
NS = 16
NW = NC * NS
L = 16
M = 5
SHIFT = 23 - M
NBINS = 255 << M
HSIZE = 256 << M
SEC = 2 * HSIZE
SECLOG = SEC.bit_length() - 1
GBASE = NBINS
SH = P // NW
W = 8192
NWIN = SH // W
CHUNK = HSIZE // NS


def _k1_body(out_hbm, tgt_hbm, hist_out,
             o_v0, o_v1, t_v0, t_v1, cnt_t, sum_t, sem_in):
    o_v = (o_v0, o_v1)
    t_v = (t_v0, t_v1)
    cid = lax.axis_index("c")
    sid = lax.axis_index("s")
    wid = cid * NS + sid
    zero16 = jnp.zeros((L,), jnp.float32)
    one16 = jnp.ones((L,), jnp.float32)

    @pl.loop(0, HSIZE // L)
    def _zero(j):
        cnt_t[pl.ds(j * L, L)] = zero16
        cnt_t[pl.ds(SEC + j * L, L)] = zero16
        sum_t[pl.ds(j * L, L)] = zero16
        sum_t[pl.ds(SEC + j * L, L)] = zero16

    def _issue_in(w, b):
        base = wid * SH + w * W
        pltpu.async_copy(out_hbm.at[pl.ds(base, W)], o_v[b], sem_in.at[b])
        pltpu.async_copy(tgt_hbm.at[pl.ds(base, W)], t_v[b], sem_in.at[b])

    def _drain_in(b):
        pltpu.make_async_copy(out_hbm.at[pl.ds(0, W)], o_v[b],
                              sem_in.at[b]).wait()
        pltpu.make_async_copy(tgt_hbm.at[pl.ds(0, W)], t_v[b],
                              sem_in.at[b]).wait()

    def _compute(b, gacc):
        def _elem(j, acc):
            o = o_v[b][pl.ds(j * L, L)]
            t = t_v[b][pl.ds(j * L, L)]
            tf = t.astype(jnp.float32)
            e = 1.0 - o * (2.0 * tf - 1.0)
            bits = lax.bitcast_convert_type(e, jnp.int32)
            bin_ = lax.shift_right_logical(bits, SHIFT)
            idx = bin_ + lax.shift_left(t, SECLOG)
            plsc.addupdate_scatter(cnt_t, [idx], one16)
            plsc.addupdate_scatter(sum_t, [idx], jnp.maximum(e, 0.0))
            return acc + tf
        return plsc.parallel_loop(0, W // L, unroll=8, carry=gacc)(_elem)

    _issue_in(0, 0)
    _issue_in(1, 1)

    def _pair(k, gacc):
        _drain_in(0)
        gacc = _compute(0, gacc)

        @pl.when(k < NWIN // 2 - 1)
        def _i0():
            _issue_in(2 * k + 2, 0)

        _drain_in(1)
        gacc = _compute(1, gacc)

        @pl.when(k < NWIN // 2 - 1)
        def _i1():
            _issue_in(2 * k + 3, 1)

        return gacc

    gacc = lax.fori_loop(0, NWIN // 2, _pair, zero16)

    cnt_t[pl.ds(SEC + GBASE, L)] = gacc

    pltpu.sync_copy(cnt_t.at[pl.ds(0, HSIZE)], hist_out.at[wid, 0])
    pltpu.sync_copy(cnt_t.at[pl.ds(SEC, HSIZE)], hist_out.at[wid, 1])
    pltpu.sync_copy(sum_t.at[pl.ds(0, HSIZE)], hist_out.at[wid, 2])
    pltpu.sync_copy(sum_t.at[pl.ds(SEC, HSIZE)], hist_out.at[wid, 3])


def _k2_body(hist_hbm, loss_out,
             mn_v, pn_v, sn_v, sp_v,
             sa0, sa1, sa2, sa3, sb0, sb1, sb2, sb3,
             sc0, sc1, sc2, sc3, sd0, sd1, sd2, sd3,
             buf16, exch2_v, out_v, exch_sh, sem_st):
    sid = lax.axis_index("s")
    iota = lax.iota(jnp.int32, L)
    lane0 = iota == 0
    b0 = HSIZE - (sid + 1) * CHUNK
    zero16 = jnp.zeros((L,), jnp.float32)

    dsts = (mn_v, pn_v, sn_v, sp_v)
    stages = ((sa0, sa1, sa2, sa3), (sb0, sb1, sb2, sb3),
              (sc0, sc1, sc2, sc3), (sd0, sd1, sd2, sd3))
    NSET = len(stages)

    @pl.loop(0, CHUNK // L)
    def _zdst(j):
        s = pl.ds(j * L, L)
        for dst in dsts:
            dst[s] = zero16

    def _issue(r, b):
        for c in range(4):
            pltpu.async_copy(hist_hbm.at[r, c, pl.ds(b0, CHUNK)],
                             stages[b][c], sem_st.at[b])

    def _drain_add(b):
        for c in range(4):
            pltpu.make_async_copy(hist_hbm.at[0, c, pl.ds(b0, CHUNK)],
                                  stages[b][c], sem_st.at[b]).wait()

        @pl.loop(0, CHUNK // L, unroll=2)
        def _acc(j):
            s = pl.ds(j * L, L)
            for c, dst in enumerate(dsts):
                dst[s] += stages[b][c][s]

    for b in range(NSET):
        _issue(b, b)

    def _mgroup(k, carry):
        for b in range(NSET):
            _drain_add(b)

            @pl.when(k < NW // NSET - 1)
            def _ia():
                _issue(NSET * k + NSET + b, b)

        return carry

    lax.fori_loop(0, NW // NSET, _mgroup, 0)

    def _pass_a(j, carry):
        accP, accM, accA = carry
        s = pl.ds(j * L, L)
        binv = b0 + j * L + iota
        real = binv < NBINS
        pv = pn_v[s]
        mv = mn_v[s]
        accP += jnp.where(real, pv, 0.0)
        accA += jnp.where(real, 0.0, pv)
        accM += jnp.where(real, mv, 0.0)
        return accP, accM, accA

    accP, accM, accA = lax.fori_loop(0, CHUNK // L, _pass_a,
                                     (zero16, zero16, zero16))
    sumP = jnp.sum(accP)
    sumM = jnp.sum(accM)
    sumA = jnp.sum(accA)

    row = (jnp.where(lane0, sumP, 0.0)
           + jnp.where(iota == 1, sumM, 0.0)
           + jnp.where(iota == 2, sumA, 0.0))
    buf16[...] = row
    pltpu.sync_copy(buf16, exch_sh.at[pl.ds(sid * L, L)])
    plsc.subcore_barrier()
    pltpu.sync_copy(exch_sh, exch2_v)

    tot = zero16
    pre = zero16
    for j in range(NS):
        rj = exch2_v[pl.ds(j * L, L)]
        tot += rj
        pre += jnp.where(j < sid, rj, 0.0)
    G = jnp.sum(jnp.where(iota == 2, tot, 0.0))
    c0_start = jnp.sum(jnp.where(lane0, pre, 0.0))
    n0_start = jnp.sum(jnp.where(iota == 1, pre, 0.0))

    def _pass_b(j, carry):
        c0r, n0r, acc = carry
        jj = CHUNK // L - 1 - j
        s = pl.ds(jj * L, L)
        binv = b0 + jj * L + iota
        real = binv < NBINS
        p = jnp.where(real, pn_v[s], 0.0)
        m = jnp.where(real, mn_v[s], 0.0)
        Sp = jnp.where(real, sp_v[s], 0.0)
        Sn = jnp.where(real, sn_v[s], 0.0)
        p = lax.rev(p, (0,))
        m = lax.rev(m, (0,))
        Sp = lax.rev(Sp, (0,))
        Sn = lax.rev(Sn, (0,))
        cin_p = plsc.cumsum(p)
        cin_m = plsc.cumsum(m)
        c0 = c0r + cin_p - p
        n0 = n0r + cin_m - m
        d1 = jnp.maximum(G + n0, 1.0)
        d2 = jnp.maximum(G + n0 + m, 1.0)
        acc = acc + Sp / d1 + Sn * (G - c0 - p) / (d1 * d2)
        return (c0r + jnp.sum(p), n0r + jnp.sum(m), acc)

    c0r, n0r, acc = lax.fori_loop(0, CHUNK // L, _pass_b,
                                  (c0_start, n0_start, zero16))
    partial = jnp.sum(acc)

    buf16[...] = jnp.where(lane0, partial, 0.0)
    pltpu.sync_copy(buf16, exch_sh.at[pl.ds(sid * L, L)])
    plsc.subcore_barrier()

    @pl.when(sid == 0)
    def _final():
        pltpu.sync_copy(exch_sh, exch2_v)
        total = jnp.zeros((L,), jnp.float32)
        for j in range(NS):
            total += exch2_v[pl.ds(j * L, L)]
        out_v[...] = total
        pltpu.sync_copy(out_v, loss_out)


@jax.jit
def kernel(outputs, targets):
    targets = targets.astype(jnp.int32)

    mesh1 = plsc.VectorSubcoreMesh(
        core_axis_name="c", subcore_axis_name="s",
        num_cores=NC, num_subcores=NS)
    k1 = pl.kernel(
        _k1_body,
        out_type=jax.ShapeDtypeStruct((NW, 4, HSIZE), jnp.float32),
        mesh=mesh1,
        compiler_params=pltpu.CompilerParams(needs_layout_passes=False),
        scratch_types=[
            pltpu.VMEM((W,), jnp.float32),
            pltpu.VMEM((W,), jnp.float32),
            pltpu.VMEM((W,), jnp.int32),
            pltpu.VMEM((W,), jnp.int32),
            pltpu.VMEM((2 * SEC,), jnp.float32),
            pltpu.VMEM((2 * SEC,), jnp.float32),
            pltpu.SemaphoreType.DMA((2,)),
        ],
    )
    hist = k1(outputs, targets)

    mesh2 = plsc.VectorSubcoreMesh(
        core_axis_name="c", subcore_axis_name="s",
        num_cores=1, num_subcores=NS)
    k2 = pl.kernel(
        _k2_body,
        out_type=jax.ShapeDtypeStruct((L,), jnp.float32),
        mesh=mesh2,
        compiler_params=pltpu.CompilerParams(needs_layout_passes=False),
        scratch_types=[
            pltpu.VMEM((CHUNK,), jnp.float32),
            pltpu.VMEM((CHUNK,), jnp.float32),
            pltpu.VMEM((CHUNK,), jnp.float32),
            pltpu.VMEM((CHUNK,), jnp.float32),
            pltpu.VMEM((CHUNK,), jnp.float32),
            pltpu.VMEM((CHUNK,), jnp.float32),
            pltpu.VMEM((CHUNK,), jnp.float32),
            pltpu.VMEM((CHUNK,), jnp.float32),
            pltpu.VMEM((CHUNK,), jnp.float32),
            pltpu.VMEM((CHUNK,), jnp.float32),
            pltpu.VMEM((CHUNK,), jnp.float32),
            pltpu.VMEM((CHUNK,), jnp.float32),
            pltpu.VMEM((CHUNK,), jnp.float32),
            pltpu.VMEM((CHUNK,), jnp.float32),
            pltpu.VMEM((CHUNK,), jnp.float32),
            pltpu.VMEM((CHUNK,), jnp.float32),
            pltpu.VMEM((CHUNK,), jnp.float32),
            pltpu.VMEM((CHUNK,), jnp.float32),
            pltpu.VMEM((CHUNK,), jnp.float32),
            pltpu.VMEM((CHUNK,), jnp.float32),
            pltpu.VMEM((L,), jnp.float32),
            pltpu.VMEM((NS * L,), jnp.float32),
            pltpu.VMEM((L,), jnp.float32),
            pltpu.VMEM_SHARED((NS * L,), jnp.float32),
            pltpu.SemaphoreType.DMA((4,)),
        ],
    )
    loss16 = k2(hist)
    return loss16[0]

# --- scband reference (transcript-rebuilt; emitter-appended) ---
"""Pipeline reference for scband-lovasz-hinge-loss-82411832476255 (READ-ONLY COPY).

The authoritative reference and input builder live on the scoring server;
editing this copy changes nothing except your own understanding.
"""

import jax, jax.numpy as jnp
import numpy as np

P = 4194304

def setup_inputs(seed: int = 0) -> dict:
    key = jax.random.key(seed)
    k1, k2 = jax.random.split(key)
    outputs = jax.random.normal(k1, (P,), dtype=jnp.float32)
    targets = jax.random.randint(k2, (P,), 0, 2, dtype=jnp.int64)
    return {"outputs": outputs, "targets": targets}


def reference(outputs, targets):
    # ignore is None -> no masking. Lovasz hinge on flat logits.
    signs = 2.0 * targets.astype(jnp.float32) - 1.0
    errors = 1.0 - outputs * signs
    # descending sort of errors, track permutation
    perm = jnp.argsort(-errors)
    errors_sorted = errors[perm]
    gt_sorted = targets[perm].astype(jnp.float32)
    # lovasz_grad
    gts = gt_sorted.sum()
    intersection = gts - jnp.cumsum(gt_sorted)
    union = gts + jnp.cumsum(1.0 - gt_sorted)
    jaccard = 1.0 - intersection / union
    jaccard = jnp.concatenate([jaccard[:1], jaccard[1:] - jaccard[:-1]])
    loss = jnp.dot(jax.nn.relu(errors_sorted), jaccard)
    return loss

if __name__ == "__main__":
    import jax
    _d = setup_inputs()
    print(jax.jit(kernel)(*tuple(_d.values())))

</pallas_src>

<mosaic_0001>
#map = affine_map<(d0, d1) -> (0)>
#map1 = affine_map<(d0, d1) -> (0, 0, 0)>
module attributes {stable_mosaic.version = 14 : i64} {
  func.func @_k1_body(%arg0: i32, %arg1: i32, %arg2: memref<4194304xf32, #tpu.memory_space<hbm>>, %arg3: memref<4194304xi32, #tpu.memory_space<hbm>>, %arg4: memref<32x4x8192xf32, #tpu.memory_space<hbm>>, %arg5: memref<8192xf32, #tpu.memory_space<vmem>>, %arg6: memref<8192xf32, #tpu.memory_space<vmem>>, %arg7: memref<8192xi32, #tpu.memory_space<vmem>>, %arg8: memref<8192xi32, #tpu.memory_space<vmem>>, %arg9: memref<32768xf32, #tpu.memory_space<vmem>>, %arg10: memref<32768xf32, #tpu.memory_space<vmem>>, %arg11: memref<2x!tpu.dma_semaphore, #tpu.memory_space<semaphore_mem>>) attributes {dimension_semantics = [#tpu.dimension_semantics<core_parallel>, #tpu.dimension_semantics<subcore_parallel>], iteration_bounds = array<i64: 2, 16>, scalar_prefetch = 0 : i64, scratch_operands = 7 : i64, tpu.core_type = #tpu.core_type<sc_vector_subcore>, window_params = [{transform_indices = #map}, {transform_indices = #map}, {transform_indices = #map1}]} {
    %mul3A = arith.constant 16 : i32
    %mul3A_0 = arith.muli %arg0, %mul3A : i32
    %add3A = arith.addi %mul3A_0, %arg1 : i32
    %broadcast_in_dim3A = arith.constant 0.000000e+00 : f32
    %broadcast_in_dim3A_1 = vector.broadcast %broadcast_in_dim3A : f32 to vector<16xf32>
    %broadcast_in_dim3A_2 = arith.constant 1.000000e+00 : f32
    %broadcast_in_dim3A_3 = vector.broadcast %broadcast_in_dim3A_2 : f32 to vector<16xf32>
    %scan3A = arith.constant 0 : i32
    %scan3A_4 = arith.constant 512 : i32
    %scan3A_5 = arith.addi %scan3A, %scan3A_4 : i32
    %scan3A_6 = arith.constant 1 : i32
    scf.for %scan3A_45 = %scan3A to %scan3A_5 step %scan3A_6  : i32 {
      %mul3A_46 = arith.constant 1 : i32
      %mul3A_47 = arith.muli %scan3A_45, %mul3A_46 : i32
      %add3A_48 = arith.constant 0 : i32
      %add3A_49 = arith.addi %add3A_48, %mul3A_47 : i32
      %mul3A_50 = arith.constant 16 : i32
      %mul3A_51 = arith.muli %add3A_49, %mul3A_50 : i32
      %swap3A_52 = arith.index_cast %mul3A_51 : i32 to index
      %swap3A_53 = tpu.vector_load %arg9[%swap3A_52] {strides = array<i32>} : memref<32768xf32, #tpu.memory_space<vmem>>, vector<16xf32>,
      tpu.vector_store %arg9[%swap3A_52], %broadcast_in_dim3A_1 {strides = array<i32>} : memref<32768xf32, #tpu.memory_space<vmem>>, vector<16xf32>,
      %mul3A_54 = arith.constant 16 : i32
      %mul3A_55 = arith.muli %add3A_49, %mul3A_54 : i32
      %add3A_56 = arith.constant 16384 : i32
      %add3A_57 = arith.addi %add3A_56, %mul3A_55 : i32
      %swap3A_58 = arith.index_cast %add3A_57 : i32 to index
      %swap3A_59 = tpu.vector_load %arg9[%swap3A_58] {strides = array<i32>} : memref<32768xf32, #tpu.memory_space<vmem>>, vector<16xf32>,
      tpu.vector_store %arg9[%swap3A_58], %broadcast_in_dim3A_1 {strides = array<i32>} : memref<32768xf32, #tpu.memory_space<vmem>>, vector<16xf32>,
      %mul3A_60 = arith.constant 16 : i32
      %mul3A_61 = arith.muli %add3A_49, %mul3A_60 : i32
      %swap3A_62 = arith.index_cast %mul3A_61 : i32 to index
      %swap3A_63 = tpu.vector_load %arg10[%swap3A_62] {strides = array<i32>} : memref<32768xf32, #tpu.memory_space<vmem>>, vector<16xf32>,
      tpu.vector_store %arg10[%swap3A_62], %broadcast_in_dim3A_1 {strides = array<i32>} : memref<32768xf32, #tpu.memory_space<vmem>>, vector<16xf32>,
      %mul3A_64 = arith.constant 16 : i32
      %mul3A_65 = arith.muli %add3A_49, %mul3A_64 : i32
      %add3A_66 = arith.constant 16384 : i32
      %add3A_67 = arith.addi %add3A_66, %mul3A_65 : i32
      %swap3A_68 = arith.index_cast %add3A_67 : i32 to index
      %swap3A_69 = tpu.vector_load %arg10[%swap3A_68] {strides = array<i32>} : memref<32768xf32, #tpu.memory_space<vmem>>, vector<16xf32>,
      tpu.vector_store %arg10[%swap3A_68], %broadcast_in_dim3A_1 {strides = array<i32>} : memref<32768xf32, #tpu.memory_space<vmem>>, vector<16xf32>,
    }
    %scan3A_7 = arith.constant 512 : i32
    %mul3A_8 = arith.constant 131072 : i32
    %mul3A_9 = arith.muli %add3A, %mul3A_8 : i32
    %add3A_10 = arith.constant 0 : i32
    %add3A_11 = arith.addi %mul3A_9, %add3A_10 : i32
    %dma_start3A = arith.constant 0 : i32
    %dma_start3A_12 = tpu.memref_slice %arg2[%add3A_11] : memref<4194304xf32, #tpu.memory_space<hbm>> -> memref<8192xf32, #tpu.memory_space<hbm>>
    %dma_start3A_13 = tpu.memref_slice %arg11[%dma_start3A] : memref<2x!tpu.dma_semaphore, #tpu.memory_space<semaphore_mem>> -> memref<1x!tpu.dma_semaphore, #tpu.memory_space<semaphore_mem>>
    %dma_start3A_14 = tpu.memref_squeeze %dma_start3A_13 : memref<1x!tpu.dma_semaphore, #tpu.memory_space<semaphore_mem>> -> memref<!tpu.dma_semaphore, #tpu.memory_space<semaphore_mem>>
    %dma_start3A_15 = tpu.memref_slice %arg2[%add3A_11] : memref<4194304xf32, #tpu.memory_space<hbm>> -> memref<8192xf32, #tpu.memory_space<hbm>>
    tpu.enqueue_dma source(%dma_start3A_15 : memref<8192xf32, #tpu.memory_space<hbm>>) target(%arg5 : memref<8192xf32, #tpu.memory_space<vmem>>) target_semaphore(%dma_start3A_14 : memref<!tpu.dma_semaphore, #tpu.memory_space<semaphore_mem>>)
    %dma_start3A_16 = arith.constant 0 : i32
    %dma_start3A_17 = tpu.memref_slice %arg3[%add3A_11] : memref<4194304xi32, #tpu.memory_space<hbm>> -> memref<8192xi32, #tpu.memory_space<hbm>>
    %dma_start3A_18 = tpu.memref_slice %arg11[%dma_start3A_16] : memref<2x!tpu.dma_semaphore, #tpu.memory_space<semaphore_mem>> -> memref<1x!tpu.dma_semaphore, #tpu.memory_space<semaphore_mem>>
    %dma_start3A_19 = tpu.memref_squeeze %dma_start3A_18 : memref<1x!tpu.dma_semaphore, #tpu.memory_space<semaphore_mem>> -> memref<!tpu.dma_semaphore, #tpu.memory_space<semaphore_mem>>
    %dma_start3A_20 = tpu.memref_slice %arg3[%add3A_11] : memref<4194304xi32, #tpu.memory_space<hbm>> -> memref<8192xi32, #tpu.memory_space<hbm>>
    tpu.enqueue_dma source(%dma_start3A_20 : memref<8192xi32, #tpu.memory_space<hbm>>) target(%arg7 : memref<8192xi32, #tpu.memory_space<vmem>>) target_semaphore(%dma_start3A_19 : memref<!tpu.dma_semaphore, #tpu.memory_space<semaphore_mem>>)
    %mul3A_21 = arith.constant 131072 : i32
    %mul3A_22 = arith.muli %add3A, %mul3A_21 : i32
    %add3A_23 = arith.constant 8192 : i32
    %add3A_24 = arith.addi %mul3A_22, %add3A_23 : i32
    %dma_start3A_25 = arith.constant 1 : i32
    %dma_start3A_26 = tpu.memref_slice %arg2[%add3A_24] : memref<4194304xf32, #tpu.memory_space<hbm>> -> memref<8192xf32, #tpu.memory_space<hbm>>
    %dma_start3A_27 = tpu.memref_slice %arg11[%dma_start3A_25] : memref<2x!tpu.dma_semaphore, #tpu.memory_space<semaphore_mem>> -> memref<1x!tpu.dma_semaphore, #tpu.memory_space<semaphore_mem>>
    %dma_start3A_28 = tpu.memref_squeeze %dma_start3A_27 : memref<1x!tpu.dma_semaphore, #tpu.memory_space<semaphore_mem>> -> memref<!tpu.dma_semaphore, #tpu.memory_space<semaphore_mem>>
    %dma_start3A_29 = tpu.memref_slice %arg2[%add3A_24] : memref<4194304xf32, #tpu.memory_space<hbm>> -> memref<8192xf32, #tpu.memory_space<hbm>>
    tpu.enqueue_dma source(%dma_start3A_29 : memref<8192xf32, #tpu.memory_space<hbm>>) target(%arg6 : memref<8192xf32, #tpu.memory_space<vmem>>) target_semaphore(%dma_start3A_28 : memref<!tpu.dma_semaphore, #tpu.memory_space<semaphore_mem>>)
    %dma_start3A_30 = arith.constant 1 : i32
    %dma_start3A_31 = tpu.memref_slice %arg3[%add3A_24] : memref<4194304xi32, #tpu.memory_space<hbm>> -> memref<8192xi32, #tpu.memory_space<hbm>>
    %dma_start3A_32 = tpu.memref_slice %arg11[%dma_start3A_30] : memref<2x!tpu.dma_semaphore, #tpu.memory_space<semaphore_mem>> -> memref<1x!tpu.dma_semaphore, #tpu.memory_space<semaphore_mem>>
    %dma_start3A_33 = tpu.memref_squeeze %dma_start3A_32 : memref<1x!tpu.dma_semaphore, #tpu.memory_space<semaphore_mem>> -> memref<!tpu.dma_semaphore, #tpu.memory_space<semaphore_mem>>
    %dma_start3A_34 = tpu.memref_slice %arg3[%add3A_24] : memref<4194304xi32, #tpu.memory_space<hbm>> -> memref<8192xi32, #tpu.memory_space<hbm>>
    tpu.enqueue_dma source(%dma_start3A_34 : memref<8192xi32, #tpu.memory_space<hbm>>) target(%arg8 : memref<8192xi32, #tpu.memory_space<vmem>>) target_semaphore(%dma_start3A_33 : memref<!tpu.dma_semaphore, #tpu.memory_space<semaphore_mem>>)
    %scan3A_35 = arith.constant 0 : i32
    %scan3A_36 = arith.constant 8 : i32
    %scan3A_37 = arith.addi %scan3A_35, %scan3A_36 : i32
    %scan3A_38 = arith.constant 1 : i32
    %scan3A_39 = scf.for %scan3A_45 = %scan3A_35 to %scan3A_37 step %scan3A_38 iter_args(%scan3A_46 = %broadcast_in_dim3A_1) -> (vector<16xf32>)  : i32 {
      %dma_wait3A = arith.constant 0 : i32
      %dma_wait3A_47 = arith.constant 0 : i32
      %dma_wait3A_48 = tpu.memref_slice %arg2[%dma_wait3A_47] : memref<4194304xf32, #tpu.memory_space<hbm>> -> memref<8192xf32, #tpu.memory_space<hbm>>
      %dma_wait3A_49 = tpu.memref_slice %arg11[%dma_wait3A] : memref<2x!tpu.dma_semaphore, #tpu.memory_space<semaphore_mem>> -> memref<1x!tpu.dma_semaphore, #tpu.memory_space<semaphore_mem>>
      %dma_wait3A_50 = tpu.memref_squeeze %dma_wait3A_49 : memref<1x!tpu.dma_semaphore, #tpu.memory_space<semaphore_mem>> -> memref<!tpu.dma_semaphore, #tpu.memory_space<semaphore_mem>>
      %dma_wait3A_51 = arith.constant 0 : i32
      %dma_wait3A_52 = tpu.memref_slice %arg2[%dma_wait3A_51] : memref<4194304xf32, #tpu.memory_space<hbm>> -> memref<8192xf32, #tpu.memory_space<hbm>>
      tpu.wait_dma2 semaphore(%dma_wait3A_50 : memref<!tpu.dma_semaphore, #tpu.memory_space<semaphore_mem>>) src(%dma_wait3A_52 : memref<8192xf32, #tpu.memory_space<hbm>>) dst(%arg5 : memref<8192xf32, #tpu.memory_space<vmem>>)
      %dma_wait3A_53 = arith.constant 0 : i32
      %dma_wait3A_54 = arith.constant 0 : i32
      %dma_wait3A_55 = tpu.memref_slice %arg3[%dma_wait3A_54] : memref<4194304xi32, #tpu.memory_space<hbm>> -> memref<8192xi32, #tpu.memory_space<hbm>>
      %dma_wait3A_56 = tpu.memref_slice %arg11[%dma_wait3A_53] : memref<2x!tpu.dma_semaphore, #tpu.memory_space<semaphore_mem>> -> memref<1x!tpu.dma_semaphore, #tpu.memory_space<semaphore_mem>>
      %dma_wait3A_57 = tpu.memref_squeeze %dma_wait3A_56 : memref<1x!tpu.dma_semaphore, #tpu.memory_space<semaphore_mem>> -> memref<!tpu.dma_semaphore, #tpu.memory_space<semaphore_mem>>
      %dma_wait3A_58 = arith.constant 0 : i32
      %dma_wait3A_59 = tpu.memref_slice %arg3[%dma_wait3A_58] : memref<4194304xi32, #tpu.memory_space<hbm>> -> memref<8192xi32, #tpu.memory_space<hbm>>
      tpu.wait_dma2 semaphore(%dma_wait3A_57 : memref<!tpu.dma_semaphore, #tpu.memory_space<semaphore_mem>>) src(%dma_wait3A_59 : memref<8192xi32, #tpu.memory_space<hbm>>) dst(%arg7 : memref<8192xi32, #tpu.memory_space<vmem>>)
      %parallel_loop3A = arith.constant 0 : i32
      %parallel_loop3A_60 = arith.constant 512 : i32
      %parallel_loop3A_61 = arith.constant 1 : i32
      %parallel_loop3A_62 = scf.for %parallel_loop3A_88 = %parallel_loop3A to %parallel_loop3A_60 step %parallel_loop3A_61 iter_args(%parallel_loop3A_89 = %scan3A_46) -> (vector<16xf32>)  : i32 {
        %parallel_loop3A_90 = arith.constant 16 : i32
        %parallel_loop3A_91 = arith.muli %parallel_loop3A_88, %parallel_loop3A_90 : i32
        %parallel_loop3A_92 = arith.index_cast %parallel_loop3A_91 : i32 to index
        %parallel_loop3A_93 = tpu.vector_load %arg5[%parallel_loop3A_92] {strides = array<i32>} : memref<8192xf32, #tpu.memory_space<vmem>>, vector<16xf32>,
        %parallel_loop3A_94 = arith.constant 16 : i32
        %parallel_loop3A_95 = arith.muli %parallel_loop3A_88, %parallel_loop3A_94 : i32
        %parallel_loop3A_96 = arith.index_cast %parallel_loop3A_95 : i32 to index
        %parallel_loop3A_97 = tpu.vector_load %arg7[%parallel_loop3A_96] {strides = array<i32>} : memref<8192xi32, #tpu.memory_space<vmem>>, vector<16xi32>,
        %parallel_loop3A_98 = arith.sitofp %parallel_loop3A_97 : vector<16xi32> to vector<16xf32>
        %parallel_loop3A_99 = arith.constant 2.000000e+00 : f32
        %parallel_loop3A_100 = vector.broadcast %parallel_loop3A_99 : f32 to vector<16xf32>
        %parallel_loop3A_101 = arith.mulf %parallel_loop3A_100, %parallel_loop3A_98 : vector<16xf32>
        %parallel_loop3A_102 = arith.constant 1.000000e+00 : f32
        %parallel_loop3A_103 = vector.broadcast %parallel_loop3A_102 : f32 to vector<16xf32>
        %parallel_loop3A_104 = arith.subf %parallel_loop3A_101, %parallel_loop3A_103 : vector<16xf32>
        %parallel_loop3A_105 = arith.mulf %parallel_loop3A_93, %parallel_loop3A_104 : vector<16xf32>
        %parallel_loop3A_106 = arith.constant 1.000000e+00 : f32
        %parallel_loop3A_107 = vector.broadcast %parallel_loop3A_106 : f32 to vector<16xf32>
        %parallel_loop3A_108 = arith.subf %parallel_loop3A_107, %parallel_loop3A_105 : vector<16xf32>
        %parallel_loop3A_109 = tpu.bitcast %parallel_loop3A_108 : vector<16xf32> -> vector<16xi32>
        %parallel_loop3A_110 = arith.constant 18 : i32
        %parallel_loop3A_111 = vector.broadcast %parallel_loop3A_110 : i32 to vector<16xi32>
        %parallel_loop3A_112 = arith.shrui %parallel_loop3A_109, %parallel_loop3A_111 : vector<16xi32>
        %parallel_loop3A_113 = arith.constant 14 : i32
        %parallel_loop3A_114 = vector.broadcast %parallel_loop3A_113 : i32 to vector<16xi32>
        %parallel_loop3A_115 = arith.shli %parallel_loop3A_97, %parallel_loop3A_114 : vector<16xi32>
        %parallel_loop3A_116 = arith.addi %parallel_loop3A_112, %parallel_loop3A_115 : vector<16xi32>
        tpu.vector_store_idx %arg9[%parallel_loop3A_116], %broadcast_in_dim3A_3 {add = true} : memref<32768xf32, #tpu.memory_space<vmem>>[vector<16xi32>], vector<16xf32>,
        %parallel_loop3A_117 = arith.constant 0.000000e+00 : f32
        %parallel_loop3A_118 = vector.broadcast %parallel_loop3A_117 : f32 to vector<16xf32>
        %parallel_loop3A_119 = arith.maximumf %parallel_loop3A_108, %parallel_loop3A_118 : vector<16xf32>
        tpu.vector_store_idx %arg10[%parallel_loop3A_116], %parallel_loop3A_119 {add = true} : memref<32768xf32, #tpu.memory_space<vmem>>[vector<16xi32>], vector<16xf32>,
        %parallel_loop3A_120 = arith.addf %parallel_loop3A_89, %parallel_loop3A_98 : vector<16xf32>
        scf.yield %parallel_loop3A_120 : vector<16xf32>
      } {sc.loop_unroll_factor = 8 : i64, sc.parallel_access}
      %lt3A = arith.constant 7 : i32
      %lt3A_63 = arith.cmpi slt, %scan3A_45, %lt3A : i32
      %convert_element_type3A = arith.extui %lt3A_63 : i1 to i32
      %cond3A = arith.constant 0 : i32
      %cond3A_64 = arith.cmpi ne, %convert_element_type3A, %cond3A : i32
      scf.if %cond3A_64 {
        %mul3A_88 = arith.constant 2 : i32
        %mul3A_89 = arith.muli %mul3A_88, %scan3A_45 : i32
        %add3A_90 = arith.constant 2 : i32
        %add3A_91 = arith.addi %mul3A_89, %add3A_90 : i32
        %mul3A_92 = arith.constant 131072 : i32
        %mul3A_93 = arith.muli %add3A, %mul3A_92 : i32
        %mul3A_94 = arith.constant 8192 : i32
        %mul3A_95 = arith.muli %add3A_91, %mul3A_94 : i32
        %add3A_96 = arith.addi %mul3A_93, %mul3A_95 : i32
        %dma_start3A_97 = arith.constant 0 : i32
        %dma_start3A_98 = tpu.memref_slice %arg2[%add3A_96] : memref<4194304xf32, #tpu.memory_space<hbm>> -> memref<8192xf32, #tpu.memory_space<hbm>>
        %dma_start3A_99 = tpu.memref_slice %arg11[%dma_start3A_97] : memref<2x!tpu.dma_semaphore, #tpu.memory_space<semaphore_mem>> -> memref<1x!tpu.dma_semaphore, #tpu.memory_space<semaphore_mem>>
        %dma_start3A_100 = tpu.memref_squeeze %dma_start3A_99 : memref<1x!tpu.dma_semaphore, #tpu.memory_space<semaphore_mem>> -> memref<!tpu.dma_semaphore, #tpu.memory_space<semaphore_mem>>
        %dma_start3A_101 = tpu.memref_slice %arg2[%add3A_96] : memref<4194304xf32, #tpu.memory_space<hbm>> -> memref<8192xf32, #tpu.memory_space<hbm>>
        tpu.enqueue_dma source(%dma_start3A_101 : memref<8192xf32, #tpu.memory_space<hbm>>) target(%arg5 : memref<8192xf32, #tpu.memory_space<vmem>>) target_semaphore(%dma_start3A_100 : memref<!tpu.dma_semaphore, #tpu.memory_space<semaphore_mem>>)
        %dma_start3A_102 = arith.constant 0 : i32
        %dma_start3A_103 = tpu.memref_slice %arg3[%add3A_96] : memref<4194304xi32, #tpu.memory_space<hbm>> -> memref<8192xi32, #tpu.memory_space<hbm>>
        %dma_start3A_104 = tpu.memref_slice %arg11[%dma_start3A_102] : memref<2x!tpu.dma_semaphore, #tpu.memory_space<semaphore_mem>> -> memref<1x!tpu.dma_semaphore, #tpu.memory_space<semaphore_mem>>
        %dma_start3A_105 = tpu.memref_squeeze %dma_start3A_104 : memref<1x!tpu.dma_semaphore, #tpu.memory_space<semaphore_mem>> -> memref<!tpu.dma_semaphore, #tpu.memory_space<semaphore_mem>>
        %dma_start3A_106 = tpu.memref_slice %arg3[%add3A_96] : memref<4194304xi32, #tpu.memory_space<hbm>> -> memref<8192xi32, #tpu.memory_space<hbm>>
        tpu.enqueue_dma source(%dma_start3A_106 : memref<8192xi32, #tpu.memory_space<hbm>>) target(%arg7 : memref<8192xi32, #tpu.memory_space<vmem>>) target_semaphore(%dma_start3A_105 : memref<!tpu.dma_semaphore, #tpu.memory_space<semaphore_mem>>)
      } else {
      }
      %dma_wait3A_65 = arith.constant 1 : i32
      %dma_wait3A_66 = arith.constant 0 : i32
      %dma_wait3A_67 = tpu.memref_slice %arg2[%dma_wait3A_66] : memref<4194304xf32, #tpu.memory_space<hbm>> -> memref<8192xf32, #tpu.memory_space<hbm>>
      %dma_wait3A_68 = tpu.memref_slice %arg11[%dma_wait3A_65] : memref<2x!tpu.dma_semaphore, #tpu.memory_space<semaphore_mem>> -> memref<1x!tpu.dma_semaphore, #tpu.memory_space<semaphore_mem>>
      %dma_wait3A_69 = tpu.memref_squeeze %dma_wait3A_68 : memref<1x!tpu.dma_semaphore, #tpu.memory_space<semaphore_mem>> -> memref<!tpu.dma_semaphore, #tpu.memory_space<semaphore_mem>>
      %dma_wait3A_70 = arith.constant 0 : i32
      %dma_wait3A_71 = tpu.memref_slice %arg2[%dma_wait3A_70] : memref<4194304xf32, #tpu.memory_space<hbm>> -> memref<8192xf32, #tpu.memory_space<hbm>>
      tpu.wait_dma2 semaphore(%dma_wait3A_69 : memref<!tpu.dma_semaphore, #tpu.memory_space<semaphore_mem>>) src(%dma_wait3A_71 : memref<8192xf32, #tpu.memory_space<hbm>>) dst(%arg6 : memref<8192xf32, #tpu.memory_space<vmem>>)
      %dma_wait3A_72 = arith.constant 1 : i32
      %dma_wait3A_73 = arith.constant 0 : i32
      %dma_wait3A_74 = tpu.memref_slice %arg3[%dma_wait3A_73] : memref<4194304xi32, #tpu.memory_space<hbm>> -> memref<8192xi32, #tpu.memory_space<hbm>>
      %dma_wait3A_75 = tpu.memref_slice %arg11[%dma_wait3A_72] : memref<2x!tpu.dma_semaphore, #tpu.memory_space<semaphore_mem>> -> memref<1x!tpu.dma_semaphore, #tpu.memory_space<semaphore_mem>>
      %dma_wait3A_76 = tpu.memref_squeeze %dma_wait3A_75 : memref<1x!tpu.dma_semaphore, #tpu.memory_space<semaphore_mem>> -> memref<!tpu.dma_semaphore, #tpu.memory_space<semaphore_mem>>
      %dma_wait3A_77 = arith.constant 0 : i32
      %dma_wait3A_78 = tpu.memref_slice %arg3[%dma_wait3A_77] : memref<4194304xi32, #tpu.memory_space<hbm>> -> memref<8192xi32, #tpu.memory_space<hbm>>
      tpu.wait_dma2 semaphore(%dma_wait3A_76 : memref<!tpu.dma_semaphore, #tpu.memory_space<semaphore_mem>>) src(%dma_wait3A_78 : memref<8192xi32, #tpu.memory_space<hbm>>) dst(%arg8 : memref<8192xi32, #tpu.memory_space<vmem>>)
      %parallel_loop3A_79 = arith.constant 0 : i32
      %parallel_loop3A_80 = arith.constant 512 : i32
      %parallel_loop3A_81 = arith.constant 1 : i32
      %parallel_loop3A_82 = scf.for %parallel_loop3A_88 = %parallel_loop3A_79 to %parallel_loop3A_80 step %parallel_loop3A_81 iter_args(%parallel_loop3A_89 = %parallel_loop3A_62) -> (vector<16xf32>)  : i32 {
        %parallel_loop3A_90 = arith.constant 16 : i32
        %parallel_loop3A_91 = arith.muli %parallel_loop3A_88, %parallel_loop3A_90 : i32
        %parallel_loop3A_92 = arith.index_cast %parallel_loop3A_91 : i32 to index
        %parallel_loop3A_93 = tpu.vector_load %arg6[%parallel_loop3A_92] {strides = array<i32>} : memref<8192xf32, #tpu.memory_space<vmem>>, vector<16xf32>,
        %parallel_loop3A_94 = arith.constant 16 : i32
        %parallel_loop3A_95 = arith.muli %parallel_loop3A_88, %parallel_loop3A_94 : i32
        %parallel_loop3A_96 = arith.index_cast %parallel_loop3A_95 : i32 to index
        %parallel_loop3A_97 = tpu.vector_load %arg8[%parallel_loop3A_96] {strides = array<i32>} : memref<8192xi32, #tpu.memory_space<vmem>>, vector<16xi32>,
        %parallel_loop3A_98 = arith.sitofp %parallel_loop3A_97 : vector<16xi32> to vector<16xf32>
        %parallel_loop3A_99 = arith.constant 2.000000e+00 : f32
        %parallel_loop3A_100 = vector.broadcast %parallel_loop3A_99 : f32 to vector<16xf32>
        %parallel_loop3A_101 = arith.mulf %parallel_loop3A_100, %parallel_loop3A_98 : vector<16xf32>
        %parallel_loop3A_102 = arith.constant 1.000000e+00 : f32
        %parallel_loop3A_103 = vector.broadcast %parallel_loop3A_102 : f32 to vector<16xf32>
        %parallel_loop3A_104 = arith.subf %parallel_loop3A_101, %parallel_loop3A_103 : vector<16xf32>
        %parallel_loop3A_105 = arith.mulf %parallel_loop3A_93, %parallel_loop3A_104 : vector<16xf32>
        %parallel_loop3A_106 = arith.constant 1.000000e+00 : f32
        %parallel_loop3A_107 = vector.broadcast %parallel_loop3A_106 : f32 to vector<16xf32>
        %parallel_loop3A_108 = arith.subf %parallel_loop3A_107, %parallel_loop3A_105 : vector<16xf32>
        %parallel_loop3A_109 = tpu.bitcast %parallel_loop3A_108 : vector<16xf32> -> vector<16xi32>
        %parallel_loop3A_110 = arith.constant 18 : i32
        %parallel_loop3A_111 = vector.broadcast %parallel_loop3A_110 : i32 to vector<16xi32>
        %parallel_loop3A_112 = arith.shrui %parallel_loop3A_109, %parallel_loop3A_111 : vector<16xi32>
        %parallel_loop3A_113 = arith.constant 14 : i32
        %parallel_loop3A_114 = vector.broadcast %parallel_loop3A_113 : i32 to vector<16xi32>
        %parallel_loop3A_115 = arith.shli %parallel_loop3A_97, %parallel_loop3A_114 : vector<16xi32>
        %parallel_loop3A_116 = arith.addi %parallel_loop3A_112, %parallel_loop3A_115 : vector<16xi32>
        tpu.vector_store_idx %arg9[%parallel_loop3A_116], %broadcast_in_dim3A_3 {add = true} : memref<32768xf32, #tpu.memory_space<vmem>>[vector<16xi32>], vector<16xf32>,
        %parallel_loop3A_117 = arith.constant 0.000000e+00 : f32
        %parallel_loop3A_118 = vector.broadcast %parallel_loop3A_117 : f32 to vector<16xf32>
        %parallel_loop3A_119 = arith.maximumf %parallel_loop3A_108, %parallel_loop3A_118 : vector<16xf32>
        tpu.vector_store_idx %arg10[%parallel_loop3A_116], %parallel_loop3A_119 {add = true} : memref<32768xf32, #tpu.memory_space<vmem>>[vector<16xi32>], vector<16xf32>,
        %parallel_loop3A_120 = arith.addf %parallel_loop3A_89, %parallel_loop3A_98 : vector<16xf32>
        scf.yield %parallel_loop3A_120 : vector<16xf32>
      } {sc.loop_unroll_factor = 8 : i64, sc.parallel_access}
      %lt3A_83 = arith.constant 7 : i32
      %lt3A_84 = arith.cmpi slt, %scan3A_45, %lt3A_83 : i32
      %convert_element_type3A_85 = arith.extui %lt3A_84 : i1 to i32
      %cond3A_86 = arith.constant 0 : i32
      %cond3A_87 = arith.cmpi ne, %convert_element_type3A_85, %cond3A_86 : i32
      scf.if %cond3A_87 {
        %mul3A_88 = arith.constant 2 : i32
        %mul3A_89 = arith.muli %mul3A_88, %scan3A_45 : i32
        %add3A_90 = arith.constant 3 : i32
        %add3A_91 = arith.addi %mul3A_89, %add3A_90 : i32
        %mul3A_92 = arith.constant 131072 : i32
        %mul3A_93 = arith.muli %add3A, %mul3A_92 : i32
        %mul3A_94 = arith.constant 8192 : i32
        %mul3A_95 = arith.muli %add3A_91, %mul3A_94 : i32
        %add3A_96 = arith.addi %mul3A_93, %mul3A_95 : i32
        %dma_start3A_97 = arith.constant 1 : i32
        %dma_start3A_98 = tpu.memref_slice %arg2[%add3A_96] : memref<4194304xf32, #tpu.memory_space<hbm>> -> memref<8192xf32, #tpu.memory_space<hbm>>
        %dma_start3A_99 = tpu.memref_slice %arg11[%dma_start3A_97] : memref<2x!tpu.dma_semaphore, #tpu.memory_space<semaphore_mem>> -> memref<1x!tpu.dma_semaphore, #tpu.memory_space<semaphore_mem>>
        %dma_start3A_100 = tpu.memref_squeeze %dma_start3A_99 : memref<1x!tpu.dma_semaphore, #tpu.memory_space<semaphore_mem>> -> memref<!tpu.dma_semaphore, #tpu.memory_space<semaphore_mem>>
        %dma_start3A_101 = tpu.memref_slice %arg2[%add3A_96] : memref<4194304xf32, #tpu.memory_space<hbm>> -> memref<8192xf32, #tpu.memory_space<hbm>>
        tpu.enqueue_dma source(%dma_start3A_101 : memref<8192xf32, #tpu.memory_space<hbm>>) target(%arg6 : memref<8192xf32, #tpu.memory_space<vmem>>) target_semaphore(%dma_start3A_100 : memref<!tpu.dma_semaphore, #tpu.memory_space<semaphore_mem>>)
        %dma_start3A_102 = arith.constant 1 : i32
        %dma_start3A_103 = tpu.memref_slice %arg3[%add3A_96] : memref<4194304xi32, #tpu.memory_space<hbm>> -> memref<8192xi32, #tpu.memory_space<hbm>>
        %dma_start3A_104 = tpu.memref_slice %arg11[%dma_start3A_102] : memref<2x!tpu.dma_semaphore, #tpu.memory_space<semaphore_mem>> -> memref<1x!tpu.dma_semaphore, #tpu.memory_space<semaphore_mem>>
        %dma_start3A_105 = tpu.memref_squeeze %dma_start3A_104 : memref<1x!tpu.dma_semaphore, #tpu.memory_space<semaphore_mem>> -> memref<!tpu.dma_semaphore, #tpu.memory_space<semaphore_mem>>
        %dma_start3A_106 = tpu.memref_slice %arg3[%add3A_96] : memref<4194304xi32, #tpu.memory_space<hbm>> -> memref<8192xi32, #tpu.memory_space<hbm>>
        tpu.enqueue_dma source(%dma_start3A_106 : memref<8192xi32, #tpu.memory_space<hbm>>) target(%arg8 : memref<8192xi32, #tpu.memory_space<vmem>>) target_semaphore(%dma_start3A_105 : memref<!tpu.dma_semaphore, #tpu.memory_space<semaphore_mem>>)
      } else {
      }
      scf.yield %parallel_loop3A_82 : vector<16xf32>
    }
    %scan3A_40 = arith.constant 8 : i32
    %swap3A = arith.constant 24544 : index
    %swap3A_41 = tpu.vector_load %arg9[%swap3A] {strides = array<i32>} : memref<32768xf32, #tpu.memory_space<vmem>>, vector<16xf32>,
    tpu.vector_store %arg9[%swap3A], %scan3A_39 {strides = array<i32>} : memref<32768xf32, #tpu.memory_space<vmem>>, vector<16xf32>,
    %run_scoped3A = arith.constant 0 : i32
    "tpu.region"() ({
      %run_scoped3A_45 = tpu.sem_alloc : memref<!tpu.dma_semaphore, #tpu.memory_space<semaphore_mem>>
      %dma_start3A_46 = arith.constant 0 : i32
      %dma_start3A_47 = tpu.memref_slice %arg9[%dma_start3A_46] : memref<32768xf32, #tpu.memory_space<vmem>> -> memref<8192xf32, #tpu.memory_space<vmem>>
      %dma_start3A_48 = arith.constant 0 : i32
      %dma_start3A_49 = tpu.memref_slice %arg4[%add3A, %run_scoped3A, %dma_start3A_48] : memref<32x4x8192xf32, #tpu.memory_space<hbm>> -> memref<1x1x8192xf32, #tpu.memory_space<hbm>>
      %dma_start3A_50 = tpu.memref_squeeze %dma_start3A_49 : memref<1x1x8192xf32, #tpu.memory_space<hbm>> -> memref<8192xf32, #tpu.memory_space<hbm>>
      %dma_start3A_51 = arith.constant 0 : i32
      %dma_start3A_52 = tpu.memref_slice %arg4[%add3A, %run_scoped3A, %dma_start3A_51] : memref<32x4x8192xf32, #tpu.memory_space<hbm>> -> memref<1x1x8192xf32, #tpu.memory_space<hbm>>
      %dma_start3A_53 = tpu.memref_squeeze %dma_start3A_52 : memref<1x1x8192xf32, #tpu.memory_space<hbm>> -> memref<8192xf32, #tpu.memory_space<hbm>>
      %dma_start3A_54 = arith.constant 0 : i32
      %dma_start3A_55 = tpu.memref_slice %arg9[%dma_start3A_54] : memref<32768xf32, #tpu.memory_space<vmem>> -> memref<8192xf32, #tpu.memory_space<vmem>>
      tpu.enqueue_dma source(%dma_start3A_55 : memref<8192xf32, #tpu.memory_space<vmem>>) target(%dma_start3A_53 : memref<8192xf32, #tpu.memory_space<hbm>>) target_semaphore(%run_scoped3A_45 : memref<!tpu.dma_semaphore, #tpu.memory_space<semaphore_mem>>)
      %dma_wait3A = arith.constant 0 : i32
      %dma_wait3A_56 = tpu.memref_slice %arg9[%dma_wait3A] : memref<32768xf32, #tpu.memory_space<vmem>> -> memref<8192xf32, #tpu.memory_space<vmem>>
      %dma_wait3A_57 = arith.constant 0 : i32
      %dma_wait3A_58 = tpu.memref_slice %arg4[%add3A, %run_scoped3A, %dma_wait3A_57] : memref<32x4x8192xf32, #tpu.memory_space<hbm>> -> memref<1x1x8192xf32, #tpu.memory_space<hbm>>
      %dma_wait3A_59 = tpu.memref_squeeze %dma_wait3A_58 : memref<1x1x8192xf32, #tpu.memory_space<hbm>> -> memref<8192xf32, #tpu.memory_space<hbm>>
      %dma_wait3A_60 = arith.constant 0 : i32
      %dma_wait3A_61 = tpu.memref_slice %arg4[%add3A, %run_scoped3A, %dma_wait3A_60] : memref<32x4x8192xf32, #tpu.memory_space<hbm>> -> memref<1x1x8192xf32, #tpu.memory_space<hbm>>
      %dma_wait3A_62 = tpu.memref_squeeze %dma_wait3A_61 : memref<1x1x8192xf32, #tpu.memory_space<hbm>> -> memref<8192xf32, #tpu.memory_space<hbm>>
      %dma_wait3A_63 = arith.constant 0 : i32
      %dma_wait3A_64 = tpu.memref_slice %arg9[%dma_wait3A_63] : memref<32768xf32, #tpu.memory_space<vmem>> -> memref<8192xf32, #tpu.memory_space<vmem>>
      tpu.wait_dma2 semaphore(%run_scoped3A_45 : memref<!tpu.dma_semaphore, #tpu.memory_space<semaphore_mem>>) src(%dma_wait3A_64 : memref<8192xf32, #tpu.memory_space<vmem>>) dst(%dma_wait3A_62 : memref<8192xf32, #tpu.memory_space<hbm>>)
      tpu.yield
    }) : () -> ()
    %run_scoped3A_42 = arith.constant 1 : i32
    "tpu.region"() ({
      %run_scoped3A_45 = tpu.sem_alloc : memref<!tpu.dma_semaphore, #tpu.memory_space<semaphore_mem>>
      %dma_start3A_46 = arith.constant 16384 : i32
      %dma_start3A_47 = tpu.memref_slice %arg9[%dma_start3A_46] : memref<32768xf32, #tpu.memory_space<vmem>> -> memref<8192xf32, #tpu.memory_space<vmem>>
      %dma_start3A_48 = arith.constant 0 : i32
      %dma_start3A_49 = tpu.memref_slice %arg4[%add3A, %run_scoped3A_42, %dma_start3A_48] : memref<32x4x8192xf32, #tpu.memory_space<hbm>> -> memref<1x1x8192xf32, #tpu.memory_space<hbm>>
      %dma_start3A_50 = tpu.memref_squeeze %dma_start3A_49 : memref<1x1x8192xf32, #tpu.memory_space<hbm>> -> memref<8192xf32, #tpu.memory_space<hbm>>
      %dma_start3A_51 = arith.constant 0 : i32
      %dma_start3A_52 = tpu.memref_slice %arg4[%add3A, %run_scoped3A_42, %dma_start3A_51] : memref<32x4x8192xf32, #tpu.memory_space<hbm>> -> memref<1x1x8192xf32, #tpu.memory_space<hbm>>
      %dma_start3A_53 = tpu.memref_squeeze %dma_start3A_52 : memref<1x1x8192xf32, #tpu.memory_space<hbm>> -> memref<8192xf32, #tpu.memory_space<hbm>>
      %dma_start3A_54 = arith.constant 16384 : i32
      %dma_start3A_55 = tpu.memref_slice %arg9[%dma_start3A_54] : memref<32768xf32, #tpu.memory_space<vmem>> -> memref<8192xf32, #tpu.memory_space<vmem>>
      tpu.enqueue_dma source(%dma_start3A_55 : memref<8192xf32, #tpu.memory_space<vmem>>) target(%dma_start3A_53 : memref<8192xf32, #tpu.memory_space<hbm>>) target_semaphore(%run_scoped3A_45 : memref<!tpu.dma_semaphore, #tpu.memory_space<semaphore_mem>>)
      %dma_wait3A = arith.constant 16384 : i32
      %dma_wait3A_56 = tpu.memref_slice %arg9[%dma_wait3A] : memref<32768xf32, #tpu.memory_space<vmem>> -> memref<8192xf32, #tpu.memory_space<vmem>>
      %dma_wait3A_57 = arith.constant 0 : i32
      %dma_wait3A_58 = tpu.memref_slice %arg4[%add3A, %run_scoped3A_42, %dma_wait3A_57] : memref<32x4x8192xf32, #tpu.memory_space<hbm>> -> memref<1x1x8192xf32, #tpu.memory_space<hbm>>
      %dma_wait3A_59 = tpu.memref_squeeze %dma_wait3A_58 : memref<1x1x8192xf32, #tpu.memory_space<hbm>> -> memref<8192xf32, #tpu.memory_space<hbm>>
      %dma_wait3A_60 = arith.constant 0 : i32
      %dma_wait3A_61 = tpu.memref_slice %arg4[%add3A, %run_scoped3A_42, %dma_wait3A_60] : memref<32x4x8192xf32, #tpu.memory_space<hbm>> -> memref<1x1x8192xf32, #tpu.memory_space<hbm>>
      %dma_wait3A_62 = tpu.memref_squeeze %dma_wait3A_61 : memref<1x1x8192xf32, #tpu.memory_space<hbm>> -> memref<8192xf32, #tpu.memory_space<hbm>>
      %dma_wait3A_63 = arith.constant 16384 : i32
      %dma_wait3A_64 = tpu.memref_slice %arg9[%dma_wait3A_63] : memref<32768xf32, #tpu.memory_space<vmem>> -> memref<8192xf32, #tpu.memory_space<vmem>>
      tpu.wait_dma2 semaphore(%run_scoped3A_45 : memref<!tpu.dma_semaphore, #tpu.memory_space<semaphore_mem>>) src(%dma_wait3A_64 : memref<8192xf32, #tpu.memory_space<vmem>>) dst(%dma_wait3A_62 : memref<8192xf32, #tpu.memory_space<hbm>>)
      tpu.yield
    }) : () -> ()
    %run_scoped3A_43 = arith.constant 2 : i32
    "tpu.region"() ({
      %run_scoped3A_45 = tpu.sem_alloc : memref<!tpu.dma_semaphore, #tpu.memory_space<semaphore_mem>>
      %dma_start3A_46 = arith.constant 0 : i32
      %dma_start3A_47 = tpu.memref_slice %arg10[%dma_start3A_46] : memref<32768xf32, #tpu.memory_space<vmem>> -> memref<8192xf32, #tpu.memory_space<vmem>>
      %dma_start3A_48 = arith.constant 0 : i32
      %dma_start3A_49 = tpu.memref_slice %arg4[%add3A, %run_scoped3A_43, %dma_start3A_48] : memref<32x4x8192xf32, #tpu.memory_space<hbm>> -> memref<1x1x8192xf32, #tpu.memory_space<hbm>>
      %dma_start3A_50 = tpu.memref_squeeze %dma_start3A_49 : memref<1x1x8192xf32, #tpu.memory_space<hbm>> -> memref<8192xf32, #tpu.memory_space<hbm>>
      %dma_start3A_51 = arith.constant 0 : i32
      %dma_start3A_52 = tpu.memref_slice %arg4[%add3A, %run_scoped3A_43, %dma_start3A_51] : memref<32x4x8192xf32, #tpu.memory_space<hbm>> -> memref<1x1x8192xf32, #tpu.memory_space<hbm>>
      %dma_start3A_53 = tpu.memref_squeeze %dma_start3A_52 : memref<1x1x8192xf32, #tpu.memory_space<hbm>> -> memref<8192xf32, #tpu.memory_space<hbm>>
      %dma_start3A_54 = arith.constant 0 : i32
      %dma_start3A_55 = tpu.memref_slice %arg10[%dma_start3A_54] : memref<32768xf32, #tpu.memory_space<vmem>> -> memref<8192xf32, #tpu.memory_space<vmem>>
      tpu.enqueue_dma source(%dma_start3A_55 : memref<8192xf32, #tpu.memory_space<vmem>>) target(%dma_start3A_53 : memref<8192xf32, #tpu.memory_space<hbm>>) target_semaphore(%run_scoped3A_45 : memref<!tpu.dma_semaphore, #tpu.memory_space<semaphore_mem>>)
      %dma_wait3A = arith.constant 0 : i32
      %dma_wait3A_56 = tpu.memref_slice %arg10[%dma_wait3A] : memref<32768xf32, #tpu.memory_space<vmem>> -> memref<8192xf32, #tpu.memory_space<vmem>>
      %dma_wait3A_57 = arith.constant 0 : i32
      %dma_wait3A_58 = tpu.memref_slice %arg4[%add3A, %run_scoped3A_43, %dma_wait3A_57] : memref<32x4x8192xf32, #tpu.memory_space<hbm>> -> memref<1x1x8192xf32, #tpu.memory_space<hbm>>
      %dma_wait3A_59 = tpu.memref_squeeze %dma_wait3A_58 : memref<1x1x8192xf32, #tpu.memory_space<hbm>> -> memref<8192xf32, #tpu.memory_space<hbm>>
      %dma_wait3A_60 = arith.constant 0 : i32
      %dma_wait3A_61 = tpu.memref_slice %arg4[%add3A, %run_scoped3A_43, %dma_wait3A_60] : memref<32x4x8192xf32, #tpu.memory_space<hbm>> -> memref<1x1x8192xf32, #tpu.memory_space<hbm>>
      %dma_wait3A_62 = tpu.memref_squeeze %dma_wait3A_61 : memref<1x1x8192xf32, #tpu.memory_space<hbm>> -> memref<8192xf32, #tpu.memory_space<hbm>>
      %dma_wait3A_63 = arith.constant 0 : i32
      %dma_wait3A_64 = tpu.memref_slice %arg10[%dma_wait3A_63] : memref<32768xf32, #tpu.memory_space<vmem>> -> memref<8192xf32, #tpu.memory_space<vmem>>
      tpu.wait_dma2 semaphore(%run_scoped3A_45 : memref<!tpu.dma_semaphore, #tpu.memory_space<semaphore_mem>>) src(%dma_wait3A_64 : memref<8192xf32, #tpu.memory_space<vmem>>) dst(%dma_wait3A_62 : memref<8192xf32, #tpu.memory_space<hbm>>)
      tpu.yield
    }) : () -> ()
    %run_scoped3A_44 = arith.constant 3 : i32
    "tpu.region"() ({
      %run_scoped3A_45 = tpu.sem_alloc : memref<!tpu.dma_semaphore, #tpu.memory_space<semaphore_mem>>
      %dma_start3A_46 = arith.constant 16384 : i32
      %dma_start3A_47 = tpu.memref_slice %arg10[%dma_start3A_46] : memref<32768xf32, #tpu.memory_space<vmem>> -> memref<8192xf32, #tpu.memory_space<vmem>>
      %dma_start3A_48 = arith.constant 0 : i32
      %dma_start3A_49 = tpu.memref_slice %arg4[%add3A, %run_scoped3A_44, %dma_start3A_48] : memref<32x4x8192xf32, #tpu.memory_space<hbm>> -> memref<1x1x8192xf32, #tpu.memory_space<hbm>>
      %dma_start3A_50 = tpu.memref_squeeze %dma_start3A_49 : memref<1x1x8192xf32, #tpu.memory_space<hbm>> -> memref<8192xf32, #tpu.memory_space<hbm>>
      %dma_start3A_51 = arith.constant 0 : i32
      %dma_start3A_52 = tpu.memref_slice %arg4[%add3A, %run_scoped3A_44, %dma_start3A_51] : memref<32x4x8192xf32, #tpu.memory_space<hbm>> -> memref<1x1x8192xf32, #tpu.memory_space<hbm>>
      %dma_start3A_53 = tpu.memref_squeeze %dma_start3A_52 : memref<1x1x8192xf32, #tpu.memory_space<hbm>> -> memref<8192xf32, #tpu.memory_space<hbm>>
      %dma_start3A_54 = arith.constant 16384 : i32
      %dma_start3A_55 = tpu.memref_slice %arg10[%dma_start3A_54] : memref<32768xf32, #tpu.memory_space<vmem>> -> memref<8192xf32, #tpu.memory_space<vmem>>
      tpu.enqueue_dma source(%dma_start3A_55 : memref<8192xf32, #tpu.memory_space<vmem>>) target(%dma_start3A_53 : memref<8192xf32, #tpu.memory_space<hbm>>) target_semaphore(%run_scoped3A_45 : memref<!tpu.dma_semaphore, #tpu.memory_space<semaphore_mem>>)
      %dma_wait3A = arith.constant 16384 : i32
      %dma_wait3A_56 = tpu.memref_slice %arg10[%dma_wait3A] : memref<32768xf32, #tpu.memory_space<vmem>> -> memref<8192xf32, #tpu.memory_space<vmem>>
      %dma_wait3A_57 = arith.constant 0 : i32
      %dma_wait3A_58 = tpu.memref_slice %arg4[%add3A, %run_scoped3A_44, %dma_wait3A_57] : memref<32x4x8192xf32, #tpu.memory_space<hbm>> -> memref<1x1x8192xf32, #tpu.memory_space<hbm>>
      %dma_wait3A_59 = tpu.memref_squeeze %dma_wait3A_58 : memref<1x1x8192xf32, #tpu.memory_space<hbm>> -> memref<8192xf32, #tpu.memory_space<hbm>>
      %dma_wait3A_60 = arith.constant 0 : i32
      %dma_wait3A_61 = tpu.memref_slice %arg4[%add3A, %run_scoped3A_44, %dma_wait3A_60] : memref<32x4x8192xf32, #tpu.memory_space<hbm>> -> memref<1x1x8192xf32, #tpu.memory_space<hbm>>
      %dma_wait3A_62 = tpu.memref_squeeze %dma_wait3A_61 : memref<1x1x8192xf32, #tpu.memory_space<hbm>> -> memref<8192xf32, #tpu.memory_space<hbm>>
      %dma_wait3A_63 = arith.constant 16384 : i32
      %dma_wait3A_64 = tpu.memref_slice %arg10[%dma_wait3A_63] : memref<32768xf32, #tpu.memory_space<vmem>> -> memref<8192xf32, #tpu.memory_space<vmem>>
      tpu.wait_dma2 semaphore(%run_scoped3A_45 : memref<!tpu.dma_semaphore, #tpu.memory_space<semaphore_mem>>) src(%dma_wait3A_64 : memref<8192xf32, #tpu.memory_space<vmem>>) dst(%dma_wait3A_62 : memref<8192xf32, #tpu.memory_space<hbm>>)
      tpu.yield
    }) : () -> ()
    return
  }
}

#map = affine_map<(d0, d1) -> (0, 0, 0)>
#map1 = affine_map<(d0, d1) -> (0)>
module attributes {stable_mosaic.version = 14 : i64} {
  func.func @_k2_body(%arg0: i32, %arg1: i32, %arg2: memref<32x4x8192xf32, #tpu.memory_space<hbm>>, %arg3: memref<16xf32, #tpu.memory_space<hbm>>, %arg4: memref<512xf32, #tpu.memory_space<vmem>>, %arg5: memref<512xf32, #tpu.memory_space<vmem>>, %arg6: memref<512xf32, #tpu.memory_space<vmem>>, %arg7: memref<512xf32, #tpu.memory_space<vmem>>, %arg8: memref<512xf32, #tpu.memory_space<vmem>>, %arg9: memref<512xf32, #tpu.memory_space<vmem>>, %arg10: memref<512xf32, #tpu.memory_space<vmem>>, %arg11: memref<512xf32, #tpu.memory_space<vmem>>, %arg12: memref<512xf32, #tpu.memory_space<vmem>>, %arg13: memref<512xf32, #tpu.memory_space<vmem>>, %arg14: memref<512xf32, #tpu.memory_space<vmem>>, %arg15: memref<512xf32, #tpu.memory_space<vmem>>, %arg16: memref<512xf32, #tpu.memory_space<vmem>>, %arg17: memref<512xf32, #tpu.memory_space<vmem>>, %arg18: memref<512xf32, #tpu.memory_space<vmem>>, %arg19: memref<512xf32, #tpu.memory_space<vmem>>, %arg20: memref<512xf32, #tpu.memory_space<vmem>>, %arg21: memref<512xf32, #tpu.memory_space<vmem>>, %arg22: memref<512xf32, #tpu.memory_space<vmem>>, %arg23: memref<512xf32, #tpu.memory_space<vmem>>, %arg24: memref<16xf32, #tpu.memory_space<vmem>>, %arg25: memref<256xf32, #tpu.memory_space<vmem>>, %arg26: memref<16xf32, #tpu.memory_space<vmem>>, %arg27: memref<256xf32, #tpu.memory_space<vmem_shared>>, %arg28: memref<4x!tpu.dma_semaphore, #tpu.memory_space<semaphore_mem>>) attributes {dimension_semantics = [#tpu.dimension_semantics<core_parallel>, #tpu.dimension_semantics<subcore_parallel>], iteration_bounds = array<i64: 1, 16>, scalar_prefetch = 0 : i64, scratch_operands = 25 : i64, tpu.core_type = #tpu.core_type<sc_vector_subcore>, window_params = [{transform_indices = #map}, {transform_indices = #map1}]} {
    %iota3A = tpu.iota {dimensions = array<i32: 0>} : vector<16xi32>
    %eq3A = arith.constant 0 : i32
    %eq3A_0 = vector.broadcast %eq3A : i32 to vector<16xi32>
    %eq3A_1 = arith.cmpi eq, %iota3A, %eq3A_0 : vector<16xi32>
    %add3A = arith.constant 1 : i32
    %add3A_2 = arith.addi %arg1, %add3A : i32
    %mul3A = arith.constant 512 : i32
    %mul3A_3 = arith.muli %add3A_2, %mul3A : i32
    %sub3A = arith.constant 8192 : i32
    %sub3A_4 = arith.subi %sub3A, %mul3A_3 : i32
    %broadcast_in_dim3A = arith.constant 0.000000e+00 : f32
    %broadcast_in_dim3A_5 = vector.broadcast %broadcast_in_dim3A : f32 to vector<16xf32>
    %scan3A = arith.constant 0 : i32
    %scan3A_6 = arith.constant 32 : i32
    %scan3A_7 = arith.addi %scan3A, %scan3A_6 : i32
    %scan3A_8 = arith.constant 1 : i32
    scf.for %scan3A_388 = %scan3A to %scan3A_7 step %scan3A_8  : i32 {
      %mul3A_389 = arith.constant 1 : i32
      %mul3A_390 = arith.muli %scan3A_388, %mul3A_389 : i32
      %add3A_391 = arith.constant 0 : i32
      %add3A_392 = arith.addi %add3A_391, %mul3A_390 : i32
      %mul3A_393 = arith.constant 16 : i32
      %mul3A_394 = arith.muli %add3A_392, %mul3A_393 : i32
      %swap3A_395 = arith.index_cast %mul3A_394 : i32 to index
      %swap3A_396 = tpu.vector_load %arg4[%swap3A_395] {strides = array<i32>} : memref<512xf32, #tpu.memory_space<vmem>>, vector<16xf32>,
      tpu.vector_store %arg4[%swap3A_395], %broadcast_in_dim3A_5 {strides = array<i32>} : memref<512xf32, #tpu.memory_space<vmem>>, vector<16xf32>,
      %swap3A_397 = arith.index_cast %mul3A_394 : i32 to index
      %swap3A_398 = tpu.vector_load %arg5[%swap3A_397] {strides = array<i32>} : memref<512xf32, #tpu.memory_space<vmem>>, vector<16xf32>,
      tpu.vector_store %arg5[%swap3A_397], %broadcast_in_dim3A_5 {strides = array<i32>} : memref<512xf32, #tpu.memory_space<vmem>>, vector<16xf32>,
      %swap3A_399 = arith.index_cast %mul3A_394 : i32 to index
      %swap3A_400 = tpu.vector_load %arg6[%swap3A_399] {strides = array<i32>} : memref<512xf32, #tpu.memory_space<vmem>>, vector<16xf32>,
      tpu.vector_store %arg6[%swap3A_399], %broadcast_in_dim3A_5 {strides = array<i32>} : memref<512xf32, #tpu.memory_space<vmem>>, vector<16xf32>,
      %swap3A_401 = arith.index_cast %mul3A_394 : i32 to index
      %swap3A_402 = tpu.vector_load %arg7[%swap3A_401] {strides = array<i32>} : memref<512xf32, #tpu.memory_space<vmem>>, vector<16xf32>,
      tpu.vector_store %arg7[%swap3A_401], %broadcast_in_dim3A_5 {strides = array<i32>} : memref<512xf32, #tpu.memory_space<vmem>>, vector<16xf32>,
    }
    %scan3A_9 = arith.constant 32 : i32
    %dma_start3A = arith.constant 0 : i32
    %dma_start3A_10 = arith.constant 0 : i32
    %dma_start3A_11 = arith.constant 0 : i32
    %dma_start3A_12 = tpu.memref_slice %arg2[%dma_start3A, %dma_start3A_10, %sub3A_4] : memref<32x4x8192xf32, #tpu.memory_space<hbm>> -> memref<1x1x512xf32, #tpu.memory_space<hbm>>
    %dma_start3A_13 = tpu.memref_squeeze %dma_start3A_12 : memref<1x1x512xf32, #tpu.memory_space<hbm>> -> memref<512xf32, #tpu.memory_space<hbm>>
    %dma_start3A_14 = tpu.memref_slice %arg28[%dma_start3A_11] : memref<4x!tpu.dma_semaphore, #tpu.memory_space<semaphore_mem>> -> memref<1x!tpu.dma_semaphore, #tpu.memory_space<semaphore_mem>>
    %dma_start3A_15 = tpu.memref_squeeze %dma_start3A_14 : memref<1x!tpu.dma_semaphore, #tpu.memory_space<semaphore_mem>> -> memref<!tpu.dma_semaphore, #tpu.memory_space<semaphore_mem>>
    %dma_start3A_16 = tpu.memref_slice %arg2[%dma_start3A, %dma_start3A_10, %sub3A_4] : memref<32x4x8192xf32, #tpu.memory_space<hbm>> -> memref<1x1x512xf32, #tpu.memory_space<hbm>>
    %dma_start3A_17 = tpu.memref_squeeze %dma_start3A_16 : memref<1x1x512xf32, #tpu.memory_space<hbm>> -> memref<512xf32, #tpu.memory_space<hbm>>
    tpu.enqueue_dma source(%dma_start3A_17 : memref<512xf32, #tpu.memory_space<hbm>>) target(%arg8 : memref<512xf32, #tpu.memory_space<vmem>>) target_semaphore(%dma_start3A_15 : memref<!tpu.dma_semaphore, #tpu.memory_space<semaphore_mem>>)
    %dma_start3A_18 = arith.constant 0 : i32
    %dma_start3A_19 = arith.constant 1 : i32
    %dma_start3A_20 = arith.constant 0 : i32
    %dma_start3A_21 = tpu.memref_slice %arg2[%dma_start3A_18, %dma_start3A_19, %sub3A_4] : memref<32x4x8192xf32, #tpu.memory_space<hbm>> -> memref<1x1x512xf32, #tpu.memory_space<hbm>>
    %dma_start3A_22 = tpu.memref_squeeze %dma_start3A_21 : memref<1x1x512xf32, #tpu.memory_space<hbm>> -> memref<512xf32, #tpu.memory_space<hbm>>
    %dma_start3A_23 = tpu.memref_slice %arg28[%dma_start3A_20] : memref<4x!tpu.dma_semaphore, #tpu.memory_space<semaphore_mem>> -> memref<1x!tpu.dma_semaphore, #tpu.memory_space<semaphore_mem>>
    %dma_start3A_24 = tpu.memref_squeeze %dma_start3A_23 : memref<1x!tpu.dma_semaphore, #tpu.memory_space<semaphore_mem>> -> memref<!tpu.dma_semaphore, #tpu.memory_space<semaphore_mem>>
    %dma_start3A_25 = tpu.memref_slice %arg2[%dma_start3A_18, %dma_start3A_19, %sub3A_4] : memref<32x4x8192xf32, #tpu.memory_space<hbm>> -> memref<1x1x512xf32, #tpu.memory_space<hbm>>
    %dma_start3A_26 = tpu.memref_squeeze %dma_start3A_25 : memref<1x1x512xf32, #tpu.memory_space<hbm>> -> memref<512xf32, #tpu.memory_space<hbm>>
    tpu.enqueue_dma source(%dma_start3A_26 : memref<512xf32, #tpu.memory_space<hbm>>) target(%arg9 : memref<512xf32, #tpu.memory_space<vmem>>) target_semaphore(%dma_start3A_24 : memref<!tpu.dma_semaphore, #tpu.memory_space<semaphore_mem>>)
    %dma_start3A_27 = arith.constant 0 : i32
    %dma_start3A_28 = arith.constant 2 : i32
    %dma_start3A_29 = arith.constant 0 : i32
    %dma_start3A_30 = tpu.memref_slice %arg2[%dma_start3A_27, %dma_start3A_28, %sub3A_4] : memref<32x4x8192xf32, #tpu.memory_space<hbm>> -> memref<1x1x512xf32, #tpu.memory_space<hbm>>
    %dma_start3A_31 = tpu.memref_squeeze %dma_start3A_30 : memref<1x1x512xf32, #tpu.memory_space<hbm>> -> memref<512xf32, #tpu.memory_space<hbm>>
    %dma_start3A_32 = tpu.memref_slice %arg28[%dma_start3A_29] : memref<4x!tpu.dma_semaphore, #tpu.memory_space<semaphore_mem>> -> memref<1x!tpu.dma_semaphore, #tpu.memory_space<semaphore_mem>>
    %dma_start3A_33 = tpu.memref_squeeze %dma_start3A_32 : memref<1x!tpu.dma_semaphore, #tpu.memory_space<semaphore_mem>> -> memref<!tpu.dma_semaphore, #tpu.memory_space<semaphore_mem>>
    %dma_start3A_34 = tpu.memref_slice %arg2[%dma_start3A_27, %dma_start3A_28, %sub3A_4] : memref<32x4x8192xf32, #tpu.memory_space<hbm>> -> memref<1x1x512xf32, #tpu.memory_space<hbm>>
    %dma_start3A_35 = tpu.memref_squeeze %dma_start3A_34 : memref<1x1x512xf32, #tpu.memory_space<hbm>> -> memref<512xf32, #tpu.memory_space<hbm>>
    tpu.enqueue_dma source(%dma_start3A_35 : memref<512xf32, #tpu.memory_space<hbm>>) target(%arg10 : memref<512xf32, #tpu.memory_space<vmem>>) target_semaphore(%dma_start3A_33 : memref<!tpu.dma_semaphore, #tpu.memory_space<semaphore_mem>>)
    %dma_start3A_36 = arith.constant 0 : i32
    %dma_start3A_37 = arith.constant 3 : i32
    %dma_start3A_38 = arith.constant 0 : i32
    %dma_start3A_39 = tpu.memref_slice %arg2[%dma_start3A_36, %dma_start3A_37, %sub3A_4] : memref<32x4x8192xf32, #tpu.memory_space<hbm>> -> memref<1x1x512xf32, #tpu.memory_space<hbm>>
    %dma_start3A_40 = tpu.memref_squeeze %dma_start3A_39 : memref<1x1x512xf32, #tpu.memory_space<hbm>> -> memref<512xf32, #tpu.memory_space<hbm>>
    %dma_start3A_41 = tpu.memref_slice %arg28[%dma_start3A_38] : memref<4x!tpu.dma_semaphore, #tpu.memory_space<semaphore_mem>> -> memref<1x!tpu.dma_semaphore, #tpu.memory_space<semaphore_mem>>
    %dma_start3A_42 = tpu.memref_squeeze %dma_start3A_41 : memref<1x!tpu.dma_semaphore, #tpu.memory_space<semaphore_mem>> -> memref<!tpu.dma_semaphore, #tpu.memory_space<semaphore_mem>>
    %dma_start3A_43 = tpu.memref_slice %arg2[%dma_start3A_36, %dma_start3A_37, %sub3A_4] : memref<32x4x8192xf32, #tpu.memory_space<hbm>> -> memref<1x1x512xf32, #tpu.memory_space<hbm>>
    %dma_start3A_44 = tpu.memref_squeeze %dma_start3A_43 : memref<1x1x512xf32, #tpu.memory_space<hbm>> -> memref<512xf32, #tpu.memory_space<hbm>>
    tpu.enqueue_dma source(%dma_start3A_44 : memref<512xf32, #tpu.memory_space<hbm>>) target(%arg11 : memref<512xf32, #tpu.memory_space<vmem>>) target_semaphore(%dma_start3A_42 : memref<!tpu.dma_semaphore, #tpu.memory_space<semaphore_mem>>)
    %dma_start3A_45 = arith.constant 1 : i32
    %dma_start3A_46 = arith.constant 0 : i32
    %dma_start3A_47 = arith.constant 1 : i32
    %dma_start3A_48 = tpu.memref_slice %arg2[%dma_start3A_45, %dma_start3A_46, %sub3A_4] : memref<32x4x8192xf32, #tpu.memory_space<hbm>> -> memref<1x1x512xf32, #tpu.memory_space<hbm>>
    %dma_start3A_49 = tpu.memref_squeeze %dma_start3A_48 : memref<1x1x512xf32, #tpu.memory_space<hbm>> -> memref<512xf32, #tpu.memory_space<hbm>>
    %dma_start3A_50 = tpu.memref_slice %arg28[%dma_start3A_47] : memref<4x!tpu.dma_semaphore, #tpu.memory_space<semaphore_mem>> -> memref<1x!tpu.dma_semaphore, #tpu.memory_space<semaphore_mem>>
    %dma_start3A_51 = tpu.memref_squeeze %dma_start3A_50 : memref<1x!tpu.dma_semaphore, #tpu.memory_space<semaphore_mem>> -> memref<!tpu.dma_semaphore, #tpu.memory_space<semaphore_mem>>
    %dma_start3A_52 = tpu.memref_slice %arg2[%dma_start3A_45, %dma_start3A_46, %sub3A_4] : memref<32x4x8192xf32, #tpu.memory_space<hbm>> -> memref<1x1x512xf32, #tpu.memory_space<hbm>>
    %dma_start3A_53 = tpu.memref_squeeze %dma_start3A_52 : memref<1x1x512xf32, #tpu.memory_space<hbm>> -> memref<512xf32, #tpu.memory_space<hbm>>
    tpu.enqueue_dma source(%dma_start3A_53 : memref<512xf32, #tpu.memory_space<hbm>>) target(%arg12 : memref<512xf32, #tpu.memory_space<vmem>>) target_semaphore(%dma_start3A_51 : memref<!tpu.dma_semaphore, #tpu.memory_space<semaphore_mem>>)
    %dma_start3A_54 = arith.constant 1 : i32
    %dma_start3A_55 = arith.constant 1 : i32
    %dma_start3A_56 = arith.constant 1 : i32
    %dma_start3A_57 = tpu.memref_slice %arg2[%dma_start3A_54, %dma_start3A_55, %sub3A_4] : memref<32x4x8192xf32, #tpu.memory_space<hbm>> -> memref<1x1x512xf32, #tpu.memory_space<hbm>>
    %dma_start3A_58 = tpu.memref_squeeze %dma_start3A_57 : memref<1x1x512xf32, #tpu.memory_space<hbm>> -> memref<512xf32, #tpu.memory_space<hbm>>
    %dma_start3A_59 = tpu.memref_slice %arg28[%dma_start3A_56] : memref<4x!tpu.dma_semaphore, #tpu.memory_space<semaphore_mem>> -> memref<1x!tpu.dma_semaphore, #tpu.memory_space<semaphore_mem>>
    %dma_start3A_60 = tpu.memref_squeeze %dma_start3A_59 : memref<1x!tpu.dma_semaphore, #tpu.memory_space<semaphore_mem>> -> memref<!tpu.dma_semaphore, #tpu.memory_space<semaphore_mem>>
    %dma_start3A_61 = tpu.memref_slice %arg2[%dma_start3A_54, %dma_start3A_55, %sub3A_4] : memref<32x4x8192xf32, #tpu.memory_space<hbm>> -> memref<1x1x512xf32, #tpu.memory_space<hbm>>
    %dma_start3A_62 = tpu.memref_squeeze %dma_start3A_61 : memref<1x1x512xf32, #tpu.memory_space<hbm>> -> memref<512xf32, #tpu.memory_space<hbm>>
    tpu.enqueue_dma source(%dma_start3A_62 : memref<512xf32, #tpu.memory_space<hbm>>) target(%arg13 : memref<512xf32, #tpu.memory_space<vmem>>) target_semaphore(%dma_start3A_60 : memref<!tpu.dma_semaphore, #tpu.memory_space<semaphore_mem>>)
    %dma_start3A_63 = arith.constant 1 : i32
    %dma_start3A_64 = arith.constant 2 : i32
    %dma_start3A_65 = arith.constant 1 : i32
    %dma_start3A_66 = tpu.memref_slice %arg2[%dma_start3A_63, %dma_start3A_64, %sub3A_4] : memref<32x4x8192xf32, #tpu.memory_space<hbm>> -> memref<1x1x512xf32, #tpu.memory_space<hbm>>
    %dma_start3A_67 = tpu.memref_squeeze %dma_start3A_66 : memref<1x1x512xf32, #tpu.memory_space<hbm>> -> memref<512xf32, #tpu.memory_space<hbm>>
    %dma_start3A_68 = tpu.memref_slice %arg28[%dma_start3A_65] : memref<4x!tpu.dma_semaphore, #tpu.memory_space<semaphore_mem>> -> memref<1x!tpu.dma_semaphore, #tpu.memory_space<semaphore_mem>>
    %dma_start3A_69 = tpu.memref_squeeze %dma_start3A_68 : memref<1x!tpu.dma_semaphore, #tpu.memory_space<semaphore_mem>> -> memref<!tpu.dma_semaphore, #tpu.memory_space<semaphore_mem>>
    %dma_start3A_70 = tpu.memref_slice %arg2[%dma_start3A_63, %dma_start3A_64, %sub3A_4] : memref<32x4x8192xf32, #tpu.memory_space<hbm>> -> memref<1x1x512xf32, #tpu.memory_space<hbm>>
    %dma_start3A_71 = tpu.memref_squeeze %dma_start3A_70 : memref<1x1x512xf32, #tpu.memory_space<hbm>> -> memref<512xf32, #tpu.memory_space<hbm>>
    tpu.enqueue_dma source(%dma_start3A_71 : memref<512xf32, #tpu.memory_space<hbm>>) target(%arg14 : memref<512xf32, #tpu.memory_space<vmem>>) target_semaphore(%dma_start3A_69 : memref<!tpu.dma_semaphore, #tpu.memory_space<semaphore_mem>>)
    %dma_start3A_72 = arith.constant 1 : i32
    %dma_start3A_73 = arith.constant 3 : i32
    %dma_start3A_74 = arith.constant 1 : i32
    %dma_start3A_75 = tpu.memref_slice %arg2[%dma_start3A_72, %dma_start3A_73, %sub3A_4] : memref<32x4x8192xf32, #tpu.memory_space<hbm>> -> memref<1x1x512xf32, #tpu.memory_space<hbm>>
    %dma_start3A_76 = tpu.memref_squeeze %dma_start3A_75 : memref<1x1x512xf32, #tpu.memory_space<hbm>> -> memref<512xf32, #tpu.memory_space<hbm>>
    %dma_start3A_77 = tpu.memref_slice %arg28[%dma_start3A_74] : memref<4x!tpu.dma_semaphore, #tpu.memory_space<semaphore_mem>> -> memref<1x!tpu.dma_semaphore, #tpu.memory_space<semaphore_mem>>
    %dma_start3A_78 = tpu.memref_squeeze %dma_start3A_77 : memref<1x!tpu.dma_semaphore, #tpu.memory_space<semaphore_mem>> -> memref<!tpu.dma_semaphore, #tpu.memory_space<semaphore_mem>>
    %dma_start3A_79 = tpu.memref_slice %arg2[%dma_start3A_72, %dma_start3A_73, %sub3A_4] : memref<32x4x8192xf32, #tpu.memory_space<hbm>> -> memref<1x1x512xf32, #tpu.memory_space<hbm>>
    %dma_start3A_80 = tpu.memref_squeeze %dma_start3A_79 : memref<1x1x512xf32, #tpu.memory_space<hbm>> -> memref<512xf32, #tpu.memory_space<hbm>>
    tpu.enqueue_dma source(%dma_start3A_80 : memref<512xf32, #tpu.memory_space<hbm>>) target(%arg15 : memref<512xf32, #tpu.memory_space<vmem>>) target_semaphore(%dma_start3A_78 : memref<!tpu.dma_semaphore, #tpu.memory_space<semaphore_mem>>)
    %dma_start3A_81 = arith.constant 2 : i32
    %dma_start3A_82 = arith.constant 0 : i32
    %dma_start3A_83 = arith.constant 2 : i32
    %dma_start3A_84 = tpu.memref_slice %arg2[%dma_start3A_81, %dma_start3A_82, %sub3A_4] : memref<32x4x8192xf32, #tpu.memory_space<hbm>> -> memref<1x1x512xf32, #tpu.memory_space<hbm>>
    %dma_start3A_85 = tpu.memref_squeeze %dma_start3A_84 : memref<1x1x512xf32, #tpu.memory_space<hbm>> -> memref<512xf32, #tpu.memory_space<hbm>>
    %dma_start3A_86 = tpu.memref_slice %arg28[%dma_start3A_83] : memref<4x!tpu.dma_semaphore, #tpu.memory_space<semaphore_mem>> -> memref<1x!tpu.dma_semaphore, #tpu.memory_space<semaphore_mem>>
    %dma_start3A_87 = tpu.memref_squeeze %dma_start3A_86 : memref<1x!tpu.dma_semaphore, #tpu.memory_space<semaphore_mem>> -> memref<!tpu.dma_semaphore, #tpu.memory_space<semaphore_mem>>
    %dma_start3A_88 = tpu.memref_slice %arg2[%dma_start3A_81, %dma_start3A_82, %sub3A_4] : memref<32x4x8192xf32, #tpu.memory_space<hbm>> -> memref<1x1x512xf32, #tpu.memory_space<hbm>>
    %dma_start3A_89 = tpu.memref_squeeze %dma_start3A_88 : memref<1x1x512xf32, #tpu.memory_space<hbm>> -> memref<512xf32, #tpu.memory_space<hbm>>
    tpu.enqueue_dma source(%dma_start3A_89 : memref<512xf32, #tpu.memory_space<hbm>>) target(%arg16 : memref<512xf32, #tpu.memory_space<vmem>>) target_semaphore(%dma_start3A_87 : memref<!tpu.dma_semaphore, #tpu.memory_space<semaphore_mem>>)
    %dma_start3A_90 = arith.constant 2 : i32
    %dma_start3A_91 = arith.constant 1 : i32
    %dma_start3A_92 = arith.constant 2 : i32
    %dma_start3A_93 = tpu.memref_slice %arg2[%dma_start3A_90, %dma_start3A_91, %sub3A_4] : memref<32x4x8192xf32, #tpu.memory_space<hbm>> -> memref<1x1x512xf32, #tpu.memory_space<hbm>>
    %dma_start3A_94 = tpu.memref_squeeze %dma_start3A_93 : memref<1x1x512xf32, #tpu.memory_space<hbm>> -> memref<512xf32, #tpu.memory_space<hbm>>
    %dma_start3A_95 = tpu.memref_slice %arg28[%dma_start3A_92] : memref<4x!tpu.dma_semaphore, #tpu.memory_space<semaphore_mem>> -> memref<1x!tpu.dma_semaphore, #tpu.memory_space<semaphore_mem>>
    %dma_start3A_96 = tpu.memref_squeeze %dma_start3A_95 : memref<1x!tpu.dma_semaphore, #tpu.memory_space<semaphore_mem>> -> memref<!tpu.dma_semaphore, #tpu.memory_space<semaphore_mem>>
    %dma_start3A_97 = tpu.memref_slice %arg2[%dma_start3A_90, %dma_start3A_91, %sub3A_4] : memref<32x4x8192xf32, #tpu.memory_space<hbm>> -> memref<1x1x512xf32, #tpu.memory_space<hbm>>
    %dma_start3A_98 = tpu.memref_squeeze %dma_start3A_97 : memref<1x1x512xf32, #tpu.memory_space<hbm>> -> memref<512xf32, #tpu.memory_space<hbm>>
    tpu.enqueue_dma source(%dma_start3A_98 : memref<512xf32, #tpu.memory_space<hbm>>) target(%arg17 : memref<512xf32, #tpu.memory_space<vmem>>) target_semaphore(%dma_start3A_96 : memref<!tpu.dma_semaphore, #tpu.memory_space<semaphore_mem>>)
    %dma_start3A_99 = arith.constant 2 : i32
    %dma_start3A_100 = arith.constant 2 : i32
    %dma_start3A_101 = arith.constant 2 : i32
    %dma_start3A_102 = tpu.memref_slice %arg2[%dma_start3A_99, %dma_start3A_100, %sub3A_4] : memref<32x4x8192xf32, #tpu.memory_space<hbm>> -> memref<1x1x512xf32, #tpu.memory_space<hbm>>
    %dma_start3A_103 = tpu.memref_squeeze %dma_start3A_102 : memref<1x1x512xf32, #tpu.memory_space<hbm>> -> memref<512xf32, #tpu.memory_space<hbm>>
    %dma_start3A_104 = tpu.memref_slice %arg28[%dma_start3A_101] : memref<4x!tpu.dma_semaphore, #tpu.memory_space<semaphore_mem>> -> memref<1x!tpu.dma_semaphore, #tpu.memory_space<semaphore_mem>>
    %dma_start3A_105 = tpu.memref_squeeze %dma_start3A_104 : memref<1x!tpu.dma_semaphore, #tpu.memory_space<semaphore_mem>> -> memref<!tpu.dma_semaphore, #tpu.memory_space<semaphore_mem>>
    %dma_start3A_106 = tpu.memref_slice %arg2[%dma_start3A_99, %dma_start3A_100, %sub3A_4] : memref<32x4x8192xf32, #tpu.memory_space<hbm>> -> memref<1x1x512xf32, #tpu.memory_space<hbm>>
    %dma_start3A_107 = tpu.memref_squeeze %dma_start3A_106 : memref<1x1x512xf32, #tpu.memory_space<hbm>> -> memref<512xf32, #tpu.memory_space<hbm>>
    tpu.enqueue_dma source(%dma_start3A_107 : memref<512xf32, #tpu.memory_space<hbm>>) target(%arg18 : memref<512xf32, #tpu.memory_space<vmem>>) target_semaphore(%dma_start3A_105 : memref<!tpu.dma_semaphore, #tpu.memory_space<semaphore_mem>>)
    %dma_start3A_108 = arith.constant 2 : i32
    %dma_start3A_109 = arith.constant 3 : i32
    %dma_start3A_110 = arith.constant 2 : i32
    %dma_start3A_111 = tpu.memref_slice %arg2[%dma_start3A_108, %dma_start3A_109, %sub3A_4] : memref<32x4x8192xf32, #tpu.memory_space<hbm>> -> memref<1x1x512xf32, #tpu.memory_space<hbm>>
    %dma_start3A_112 = tpu.memref_squeeze %dma_start3A_111 : memref<1x1x512xf32, #tpu.memory_space<hbm>> -> memref<512xf32, #tpu.memory_space<hbm>>
    %dma_start3A_113 = tpu.memref_slice %arg28[%dma_start3A_110] : memref<4x!tpu.dma_semaphore, #tpu.memory_space<semaphore_mem>> -> memref<1x!tpu.dma_semaphore, #tpu.memory_space<semaphore_mem>>
    %dma_start3A_114 = tpu.memref_squeeze %dma_start3A_113 : memref<1x!tpu.dma_semaphore, #tpu.memory_space<semaphore_mem>> -> memref<!tpu.dma_semaphore, #tpu.memory_space<semaphore_mem>>
    %dma_start3A_115 = tpu.memref_slice %arg2[%dma_start3A_108, %dma_start3A_109, %sub3A_4] : memref<32x4x8192xf32, #tpu.memory_space<hbm>> -> memref<1x1x512xf32, #tpu.memory_space<hbm>>
    %dma_start3A_116 = tpu.memref_squeeze %dma_start3A_115 : memref<1x1x512xf32, #tpu.memory_space<hbm>> -> memref<512xf32, #tpu.memory_space<hbm>>
    tpu.enqueue_dma source(%dma_start3A_116 : memref<512xf32, #tpu.memory_space<hbm>>) target(%arg19 : memref<512xf32, #tpu.memory_space<vmem>>) target_semaphore(%dma_start3A_114 : memref<!tpu.dma_semaphore, #tpu.memory_space<semaphore_mem>>)
    %dma_start3A_117 = arith.constant 3 : i32
    %dma_start3A_118 = arith.constant 0 : i32
    %dma_start3A_119 = arith.constant 3 : i32
    %dma_start3A_120 = tpu.memref_slice %arg2[%dma_start3A_117, %dma_start3A_118, %sub3A_4] : memref<32x4x8192xf32, #tpu.memory_space<hbm>> -> memref<1x1x512xf32, #tpu.memory_space<hbm>>
    %dma_start3A_121 = tpu.memref_squeeze %dma_start3A_120 : memref<1x1x512xf32, #tpu.memory_space<hbm>> -> memref<512xf32, #tpu.memory_space<hbm>>
    %dma_start3A_122 = tpu.memref_slice %arg28[%dma_start3A_119] : memref<4x!tpu.dma_semaphore, #tpu.memory_space<semaphore_mem>> -> memref<1x!tpu.dma_semaphore, #tpu.memory_space<semaphore_mem>>
    %dma_start3A_123 = tpu.memref_squeeze %dma_start3A_122 : memref<1x!tpu.dma_semaphore, #tpu.memory_space<semaphore_mem>> -> memref<!tpu.dma_semaphore, #tpu.memory_space<semaphore_mem>>
    %dma_start3A_124 = tpu.memref_slice %arg2[%dma_start3A_117, %dma_start3A_118, %sub3A_4] : memref<32x4x8192xf32, #tpu.memory_space<hbm>> -> memref<1x1x512xf32, #tpu.memory_space<hbm>>
    %dma_start3A_125 = tpu.memref_squeeze %dma_start3A_124 : memref<1x1x512xf32, #tpu.memory_space<hbm>> -> memref<512xf32, #tpu.memory_space<hbm>>
    tpu.enqueue_dma source(%dma_start3A_125 : memref<512xf32, #tpu.memory_space<hbm>>) target(%arg20 : memref<512xf32, #tpu.memory_space<vmem>>) target_semaphore(%dma_start3A_123 : memref<!tpu.dma_semaphore, #tpu.memory_space<semaphore_mem>>)
    %dma_start3A_126 = arith.constant 3 : i32
    %dma_start3A_127 = arith.constant 1 : i32
    %dma_start3A_128 = arith.constant 3 : i32
    %dma_start3A_129 = tpu.memref_slice %arg2[%dma_start3A_126, %dma_start3A_127, %sub3A_4] : memref<32x4x8192xf32, #tpu.memory_space<hbm>> -> memref<1x1x512xf32, #tpu.memory_space<hbm>>
    %dma_start3A_130 = tpu.memref_squeeze %dma_start3A_129 : memref<1x1x512xf32, #tpu.memory_space<hbm>> -> memref<512xf32, #tpu.memory_space<hbm>>
    %dma_start3A_131 = tpu.memref_slice %arg28[%dma_start3A_128] : memref<4x!tpu.dma_semaphore, #tpu.memory_space<semaphore_mem>> -> memref<1x!tpu.dma_semaphore, #tpu.memory_space<semaphore_mem>>
    %dma_start3A_132 = tpu.memref_squeeze %dma_start3A_131 : memref<1x!tpu.dma_semaphore, #tpu.memory_space<semaphore_mem>> -> memref<!tpu.dma_semaphore, #tpu.memory_space<semaphore_mem>>
    %dma_start3A_133 = tpu.memref_slice %arg2[%dma_start3A_126, %dma_start3A_127, %sub3A_4] : memref<32x4x8192xf32, #tpu.memory_space<hbm>> -> memref<1x1x512xf32, #tpu.memory_space<hbm>>
    %dma_start3A_134 = tpu.memref_squeeze %dma_start3A_133 : memref<1x1x512xf32, #tpu.memory_space<hbm>> -> memref<512xf32, #tpu.memory_space<hbm>>
    tpu.enqueue_dma source(%dma_start3A_134 : memref<512xf32, #tpu.memory_space<hbm>>) target(%arg21 : memref<512xf32, #tpu.memory_space<vmem>>) target_semaphore(%dma_start3A_132 : memref<!tpu.dma_semaphore, #tpu.memory_space<semaphore_mem>>)
    %dma_start3A_135 = arith.constant 3 : i32
    %dma_start3A_136 = arith.constant 2 : i32
    %dma_start3A_137 = arith.constant 3 : i32
    %dma_start3A_138 = tpu.memref_slice %arg2[%dma_start3A_135, %dma_start3A_136, %sub3A_4] : memref<32x4x8192xf32, #tpu.memory_space<hbm>> -> memref<1x1x512xf32, #tpu.memory_space<hbm>>
    %dma_start3A_139 = tpu.memref_squeeze %dma_start3A_138 : memref<1x1x512xf32, #tpu.memory_space<hbm>> -> memref<512xf32, #tpu.memory_space<hbm>>
    %dma_start3A_140 = tpu.memref_slice %arg28[%dma_start3A_137] : memref<4x!tpu.dma_semaphore, #tpu.memory_space<semaphore_mem>> -> memref<1x!tpu.dma_semaphore, #tpu.memory_space<semaphore_mem>>
    %dma_start3A_141 = tpu.memref_squeeze %dma_start3A_140 : memref<1x!tpu.dma_semaphore, #tpu.memory_space<semaphore_mem>> -> memref<!tpu.dma_semaphore, #tpu.memory_space<semaphore_mem>>
    %dma_start3A_142 = tpu.memref_slice %arg2[%dma_start3A_135, %dma_start3A_136, %sub3A_4] : memref<32x4x8192xf32, #tpu.memory_space<hbm>> -> memref<1x1x512xf32, #tpu.memory_space<hbm>>
    %dma_start3A_143 = tpu.memref_squeeze %dma_start3A_142 : memref<1x1x512xf32, #tpu.memory_space<hbm>> -> memref<512xf32, #tpu.memory_space<hbm>>
    tpu.enqueue_dma source(%dma_start3A_143 : memref<512xf32, #tpu.memory_space<hbm>>) target(%arg22 : memref<512xf32, #tpu.memory_space<vmem>>) target_semaphore(%dma_start3A_141 : memref<!tpu.dma_semaphore, #tpu.memory_space<semaphore_mem>>)
    %dma_start3A_144 = arith.constant 3 : i32
    %dma_start3A_145 = arith.constant 3 : i32
    %dma_start3A_146 = arith.constant 3 : i32
    %dma_start3A_147 = tpu.memref_slice %arg2[%dma_start3A_144, %dma_start3A_145, %sub3A_4] : memref<32x4x8192xf32, #tpu.memory_space<hbm>> -> memref<1x1x512xf32, #tpu.memory_space<hbm>>
    %dma_start3A_148 = tpu.memref_squeeze %dma_start3A_147 : memref<1x1x512xf32, #tpu.memory_space<hbm>> -> memref<512xf32, #tpu.memory_space<hbm>>
    %dma_start3A_149 = tpu.memref_slice %arg28[%dma_start3A_146] : memref<4x!tpu.dma_semaphore, #tpu.memory_space<semaphore_mem>> -> memref<1x!tpu.dma_semaphore, #tpu.memory_space<semaphore_mem>>
    %dma_start3A_150 = tpu.memref_squeeze %dma_start3A_149 : memref<1x!tpu.dma_semaphore, #tpu.memory_space<semaphore_mem>> -> memref<!tpu.dma_semaphore, #tpu.memory_space<semaphore_mem>>
    %dma_start3A_151 = tpu.memref_slice %arg2[%dma_start3A_144, %dma_start3A_145, %sub3A_4] : memref<32x4x8192xf32, #tpu.memory_space<hbm>> -> memref<1x1x512xf32, #tpu.memory_space<hbm>>
    %dma_start3A_152 = tpu.memref_squeeze %dma_start3A_151 : memref<1x1x512xf32, #tpu.memory_space<hbm>> -> memref<512xf32, #tpu.memory_space<hbm>>
    tpu.enqueue_dma source(%dma_start3A_152 : memref<512xf32, #tpu.memory_space<hbm>>) target(%arg23 : memref<512xf32, #tpu.memory_space<vmem>>) target_semaphore(%dma_start3A_150 : memref<!tpu.dma_semaphore, #tpu.memory_space<semaphore_mem>>)
    %scan3A_153 = arith.constant 0 : i32
    %scan3A_154 = arith.constant 0 : i32
    %scan3A_155 = arith.constant 8 : i32
    %scan3A_156 = arith.addi %scan3A_154, %scan3A_155 : i32
    %scan3A_157 = arith.constant 1 : i32
    scf.for %scan3A_388 = %scan3A_154 to %scan3A_156 step %scan3A_157  : i32 {
      %dma_wait3A = arith.constant 0 : i32
      %dma_wait3A_389 = arith.constant 0 : i32
      %dma_wait3A_390 = arith.constant 0 : i32
      %dma_wait3A_391 = tpu.memref_slice %arg2[%dma_wait3A, %dma_wait3A_389, %sub3A_4] : memref<32x4x8192xf32, #tpu.memory_space<hbm>> -> memref<1x1x512xf32, #tpu.memory_space<hbm>>
      %dma_wait3A_392 = tpu.memref_squeeze %dma_wait3A_391 : memref<1x1x512xf32, #tpu.memory_space<hbm>> -> memref<512xf32, #tpu.memory_space<hbm>>
      %dma_wait3A_393 = tpu.memref_slice %arg28[%dma_wait3A_390] : memref<4x!tpu.dma_semaphore, #tpu.memory_space<semaphore_mem>> -> memref<1x!tpu.dma_semaphore, #tpu.memory_space<semaphore_mem>>
      %dma_wait3A_394 = tpu.memref_squeeze %dma_wait3A_393 : memref<1x!tpu.dma_semaphore, #tpu.memory_space<semaphore_mem>> -> memref<!tpu.dma_semaphore, #tpu.memory_space<semaphore_mem>>
      %dma_wait3A_395 = tpu.memref_slice %arg2[%dma_wait3A, %dma_wait3A_389, %sub3A_4] : memref<32x4x8192xf32, #tpu.memory_space<hbm>> -> memref<1x1x512xf32, #tpu.memory_space<hbm>>
      %dma_wait3A_396 = tpu.memref_squeeze %dma_wait3A_395 : memref<1x1x512xf32, #tpu.memory_space<hbm>> -> memref<512xf32, #tpu.memory_space<hbm>>
      tpu.wait_dma2 semaphore(%dma_wait3A_394 : memref<!tpu.dma_semaphore, #tpu.memory_space<semaphore_mem>>) src(%dma_wait3A_396 : memref<512xf32, #tpu.memory_space<hbm>>) dst(%arg8 : memref<512xf32, #tpu.memory_space<vmem>>)
      %dma_wait3A_397 = arith.constant 0 : i32
      %dma_wait3A_398 = arith.constant 1 : i32
      %dma_wait3A_399 = arith.constant 0 : i32
      %dma_wait3A_400 = tpu.memref_slice %arg2[%dma_wait3A_397, %dma_wait3A_398, %sub3A_4] : memref<32x4x8192xf32, #tpu.memory_space<hbm>> -> memref<1x1x512xf32, #tpu.memory_space<hbm>>
      %dma_wait3A_401 = tpu.memref_squeeze %dma_wait3A_400 : memref<1x1x512xf32, #tpu.memory_space<hbm>> -> memref<512xf32, #tpu.memory_space<hbm>>
      %dma_wait3A_402 = tpu.memref_slice %arg28[%dma_wait3A_399] : memref<4x!tpu.dma_semaphore, #tpu.memory_space<semaphore_mem>> -> memref<1x!tpu.dma_semaphore, #tpu.memory_space<semaphore_mem>>
      %dma_wait3A_403 = tpu.memref_squeeze %dma_wait3A_402 : memref<1x!tpu.dma_semaphore, #tpu.memory_space<semaphore_mem>> -> memref<!tpu.dma_semaphore, #tpu.memory_space<semaphore_mem>>
      %dma_wait3A_404 = tpu.memref_slice %arg2[%dma_wait3A_397, %dma_wait3A_398, %sub3A_4] : memref<32x4x8192xf32, #tpu.memory_space<hbm>> -> memref<1x1x512xf32, #tpu.memory_space<hbm>>
      %dma_wait3A_405 = tpu.memref_squeeze %dma_wait3A_404 : memref<1x1x512xf32, #tpu.memory_space<hbm>> -> memref<512xf32, #tpu.memory_space<hbm>>
      tpu.wait_dma2 semaphore(%dma_wait3A_403 : memref<!tpu.dma_semaphore, #tpu.memory_space<semaphore_mem>>) src(%dma_wait3A_405 : memref<512xf32, #tpu.memory_space<hbm>>) dst(%arg9 : memref<512xf32, #tpu.memory_space<vmem>>)
      %dma_wait3A_406 = arith.constant 0 : i32
      %dma_wait3A_407 = arith.constant 2 : i32
      %dma_wait3A_408 = arith.constant 0 : i32
      %dma_wait3A_409 = tpu.memref_slice %arg2[%dma_wait3A_406, %dma_wait3A_407, %sub3A_4] : memref<32x4x8192xf32, #tpu.memory_space<hbm>> -> memref<1x1x512xf32, #tpu.memory_space<hbm>>
      %dma_wait3A_410 = tpu.memref_squeeze %dma_wait3A_409 : memref<1x1x512xf32, #tpu.memory_space<hbm>> -> memref<512xf32, #tpu.memory_space<hbm>>
      %dma_wait3A_411 = tpu.memref_slice %arg28[%dma_wait3A_408] : memref<4x!tpu.dma_semaphore, #tpu.memory_space<semaphore_mem>> -> memref<1x!tpu.dma_semaphore, #tpu.memory_space<semaphore_mem>>
      %dma_wait3A_412 = tpu.memref_squeeze %dma_wait3A_411 : memref<1x!tpu.dma_semaphore, #tpu.memory_space<semaphore_mem>> -> memref<!tpu.dma_semaphore, #tpu.memory_space<semaphore_mem>>
      %dma_wait3A_413 = tpu.memref_slice %arg2[%dma_wait3A_406, %dma_wait3A_407, %sub3A_4] : memref<32x4x8192xf32, #tpu.memory_space<hbm>> -> memref<1x1x512xf32, #tpu.memory_space<hbm>>
      %dma_wait3A_414 = tpu.memref_squeeze %dma_wait3A_413 : memref<1x1x512xf32, #tpu.memory_space<hbm>> -> memref<512xf32, #tpu.memory_space<hbm>>
      tpu.wait_dma2 semaphore(%dma_wait3A_412 : memref<!tpu.dma_semaphore, #tpu.memory_space<semaphore_mem>>) src(%dma_wait3A_414 : memref<512xf32, #tpu.memory_space<hbm>>) dst(%arg10 : memref<512xf32, #tpu.memory_space<vmem>>)
      %dma_wait3A_415 = arith.constant 0 : i32
      %dma_wait3A_416 = arith.constant 3 : i32
      %dma_wait3A_417 = arith.constant 0 : i32
      %dma_wait3A_418 = tpu.memref_slice %arg2[%dma_wait3A_415, %dma_wait3A_416, %sub3A_4] : memref<32x4x8192xf32, #tpu.memory_space<hbm>> -> memref<1x1x512xf32, #tpu.memory_space<hbm>>
      %dma_wait3A_419 = tpu.memref_squeeze %dma_wait3A_418 : memref<1x1x512xf32, #tpu.memory_space<hbm>> -> memref<512xf32, #tpu.memory_space<hbm>>
      %dma_wait3A_420 = tpu.memref_slice %arg28[%dma_wait3A_417] : memref<4x!tpu.dma_semaphore, #tpu.memory_space<semaphore_mem>> -> memref<1x!tpu.dma_semaphore, #tpu.memory_space<semaphore_mem>>
      %dma_wait3A_421 = tpu.memref_squeeze %dma_wait3A_420 : memref<1x!tpu.dma_semaphore, #tpu.memory_space<semaphore_mem>> -> memref<!tpu.dma_semaphore, #tpu.memory_space<semaphore_mem>>
      %dma_wait3A_422 = tpu.memref_slice %arg2[%dma_wait3A_415, %dma_wait3A_416, %sub3A_4] : memref<32x4x8192xf32, #tpu.memory_space<hbm>> -> memref<1x1x512xf32, #tpu.memory_space<hbm>>
      %dma_wait3A_423 = tpu.memref_squeeze %dma_wait3A_422 : memref<1x1x512xf32, #tpu.memory_space<hbm>> -> memref<512xf32, #tpu.memory_space<hbm>>
      tpu.wait_dma2 semaphore(%dma_wait3A_421 : memref<!tpu.dma_semaphore, #tpu.memory_space<semaphore_mem>>) src(%dma_wait3A_423 : memref<512xf32, #tpu.memory_space<hbm>>) dst(%arg11 : memref<512xf32, #tpu.memory_space<vmem>>)
      %scan3A_424 = arith.constant 0 : i32
      %scan3A_425 = arith.constant 32 : i32
      %scan3A_426 = arith.addi %scan3A_424, %scan3A_425 : i32
      %scan3A_427 = arith.constant 2 : i32
      scf.for %scan3A_571 = %scan3A_424 to %scan3A_426 step %scan3A_427  : i32 {
        %mul3A_572 = arith.constant 1 : i32
        %mul3A_573 = arith.muli %scan3A_571, %mul3A_572 : i32
        %add3A_574 = arith.constant 0 : i32
        %add3A_575 = arith.addi %add3A_574, %mul3A_573 : i32
        %mul3A_576 = arith.constant 16 : i32
        %mul3A_577 = arith.muli %add3A_575, %mul3A_576 : i32
        %get3A_578 = arith.index_cast %mul3A_577 : i32 to index
        %get3A_579 = tpu.vector_load %arg4[%get3A_578] {strides = array<i32>} : memref<512xf32, #tpu.memory_space<vmem>>, vector<16xf32>,
        %get3A_580 = arith.index_cast %mul3A_577 : i32 to index
        %get3A_581 = tpu.vector_load %arg8[%get3A_580] {strides = array<i32>} : memref<512xf32, #tpu.memory_space<vmem>>, vector<16xf32>,
        %add3A_582 = arith.addf %get3A_579, %get3A_581 : vector<16xf32>
        %swap3A_583 = arith.index_cast %mul3A_577 : i32 to index
        %swap3A_584 = tpu.vector_load %arg4[%swap3A_583] {strides = array<i32>} : memref<512xf32, #tpu.memory_space<vmem>>, vector<16xf32>,
        tpu.vector_store %arg4[%swap3A_583], %add3A_582 {strides = array<i32>} : memref<512xf32, #tpu.memory_space<vmem>>, vector<16xf32>,
        %get3A_585 = arith.index_cast %mul3A_577 : i32 to index
        %get3A_586 = tpu.vector_load %arg5[%get3A_585] {strides = array<i32>} : memref<512xf32, #tpu.memory_space<vmem>>, vector<16xf32>,
        %get3A_587 = arith.index_cast %mul3A_577 : i32 to index
        %get3A_588 = tpu.vector_load %arg9[%get3A_587] {strides = array<i32>} : memref<512xf32, #tpu.memory_space<vmem>>, vector<16xf32>,
        %add3A_589 = arith.addf %get3A_586, %get3A_588 : vector<16xf32>
        %swap3A_590 = arith.index_cast %mul3A_577 : i32 to index
        %swap3A_591 = tpu.vector_load %arg5[%swap3A_590] {strides = array<i32>} : memref<512xf32, #tpu.memory_space<vmem>>, vector<16xf32>,
        tpu.vector_store %arg5[%swap3A_590], %add3A_589 {strides = array<i32>} : memref<512xf32, #tpu.memory_space<vmem>>, vector<16xf32>,
        %get3A_592 = arith.index_cast %mul3A_577 : i32 to index
        %get3A_593 = tpu.vector_load %arg6[%get3A_592] {strides = array<i32>} : memref<512xf32, #tpu.memory_space<vmem>>, vector<16xf32>,
        %get3A_594 = arith.index_cast %mul3A_577 : i32 to index
        %get3A_595 = tpu.vector_load %arg10[%get3A_594] {strides = array<i32>} : memref<512xf32, #tpu.memory_space<vmem>>, vector<16xf32>,
        %add3A_596 = arith.addf %get3A_593, %get3A_595 : vector<16xf32>
        %swap3A_597 = arith.index_cast %mul3A_577 : i32 to index
        %swap3A_598 = tpu.vector_load %arg6[%swap3A_597] {strides = array<i32>} : memref<512xf32, #tpu.memory_space<vmem>>, vector<16xf32>,
        tpu.vector_store %arg6[%swap3A_597], %add3A_596 {strides = array<i32>} : memref<512xf32, #tpu.memory_space<vmem>>, vector<16xf32>,
        %get3A_599 = arith.index_cast %mul3A_577 : i32 to index
        %get3A_600 = tpu.vector_load %arg7[%get3A_599] {strides = array<i32>} : memref<512xf32, #tpu.memory_space<vmem>>, vector<16xf32>,
        %get3A_601 = arith.index_cast %mul3A_577 : i32 to index
        %get3A_602 = tpu.vector_load %arg11[%get3A_601] {strides = array<i32>} : memref<512xf32, #tpu.memory_space<vmem>>, vector<16xf32>,
        %add3A_603 = arith.addf %get3A_600, %get3A_602 : vector<16xf32>
        %swap3A_604 = arith.index_cast %mul3A_577 : i32 to index
        %swap3A_605 = tpu.vector_load %arg7[%swap3A_604] {strides = array<i32>} : memref<512xf32, #tpu.memory_space<vmem>>, vector<16xf32>,
        tpu.vector_store %arg7[%swap3A_604], %add3A_603 {strides = array<i32>} : memref<512xf32, #tpu.memory_space<vmem>>, vector<16xf32>,
        %scan3A_606 = arith.constant 1 : i32
        %scan3A_607 = arith.addi %scan3A_571, %scan3A_606 : i32
        %mul3A_608 = arith.constant 1 : i32
        %mul3A_609 = arith.muli %scan3A_607, %mul3A_608 : i32
        %add3A_610 = arith.constant 0 : i32
        %add3A_611 = arith.addi %add3A_610, %mul3A_609 : i32
        %mul3A_612 = arith.constant 16 : i32
        %mul3A_613 = arith.muli %add3A_611, %mul3A_612 : i32
        %get3A_614 = arith.index_cast %mul3A_613 : i32 to index
        %get3A_615 = tpu.vector_load %arg4[%get3A_614] {strides = array<i32>} : memref<512xf32, #tpu.memory_space<vmem>>, vector<16xf32>,
        %get3A_616 = arith.index_cast %mul3A_613 : i32 to index
        %get3A_617 = tpu.vector_load %arg8[%get3A_616] {strides = array<i32>} : memref<512xf32, #tpu.memory_space<vmem>>, vector<16xf32>,
        %add3A_618 = arith.addf %get3A_615, %get3A_617 : vector<16xf32>
        %swap3A_619 = arith.index_cast %mul3A_613 : i32 to index
        %swap3A_620 = tpu.vector_load %arg4[%swap3A_619] {strides = array<i32>} : memref<512xf32, #tpu.memory_space<vmem>>, vector<16xf32>,
        tpu.vector_store %arg4[%swap3A_619], %add3A_618 {strides = array<i32>} : memref<512xf32, #tpu.memory_space<vmem>>, vector<16xf32>,
        %get3A_621 = arith.index_cast %mul3A_613 : i32 to index
        %get3A_622 = tpu.vector_load %arg5[%get3A_621] {strides = array<i32>} : memref<512xf32, #tpu.memory_space<vmem>>, vector<16xf32>,
        %get3A_623 = arith.index_cast %mul3A_613 : i32 to index
        %get3A_624 = tpu.vector_load %arg9[%get3A_623] {strides = array<i32>} : memref<512xf32, #tpu.memory_space<vmem>>, vector<16xf32>,
        %add3A_625 = arith.addf %get3A_622, %get3A_624 : vector<16xf32>
        %swap3A_626 = arith.index_cast %mul3A_613 : i32 to index
        %swap3A_627 = tpu.vector_load %arg5[%swap3A_626] {strides = array<i32>} : memref<512xf32, #tpu.memory_space<vmem>>, vector<16xf32>,
        tpu.vector_store %arg5[%swap3A_626], %add3A_625 {strides = array<i32>} : memref<512xf32, #tpu.memory_space<vmem>>, vector<16xf32>,
        %get3A_628 = arith.index_cast %mul3A_613 : i32 to index
        %get3A_629 = tpu.vector_load %arg6[%get3A_628] {strides = array<i32>} : memref<512xf32, #tpu.memory_space<vmem>>, vector<16xf32>,
        %get3A_630 = arith.index_cast %mul3A_613 : i32 to index
        %get3A_631 = tpu.vector_load %arg10[%get3A_630] {strides = array<i32>} : memref<512xf32, #tpu.memory_space<vmem>>, vector<16xf32>,
        %add3A_632 = arith.addf %get3A_629, %get3A_631 : vector<16xf32>
        %swap3A_633 = arith.index_cast %mul3A_613 : i32 to index
        %swap3A_634 = tpu.vector_load %arg6[%swap3A_633] {strides = array<i32>} : memref<512xf32, #tpu.memory_space<vmem>>, vector<16xf32>,
        tpu.vector_store %arg6[%swap3A_633], %add3A_632 {strides = array<i32>} : memref<512xf32, #tpu.memory_space<vmem>>, vector<16xf32>,
        %get3A_635 = arith.index_cast %mul3A_613 : i32 to index
        %get3A_636 = tpu.vector_load %arg7[%get3A_635] {strides = array<i32>} : memref<512xf32, #tpu.memory_space<vmem>>, vector<16xf32>,
        %get3A_637 = arith.index_cast %mul3A_613 : i32 to index
        %get3A_638 = tpu.vector_load %arg11[%get3A_637] {strides = array<i32>} : memref<512xf32, #tpu.memory_space<vmem>>, vector<16xf32>,
        %add3A_639 = arith.addf %get3A_636, %get3A_638 : vector<16xf32>
        %swap3A_640 = arith.index_cast %mul3A_613 : i32 to index
        %swap3A_641 = tpu.vector_load %arg7[%swap3A_640] {strides = array<i32>} : memref<512xf32, #tpu.memory_space<vmem>>, vector<16xf32>,
        tpu.vector_store %arg7[%swap3A_640], %add3A_639 {strides = array<i32>} : memref<512xf32, #tpu.memory_space<vmem>>, vector<16xf32>,
      }
      %scan3A_428 = arith.constant 32 : i32
      %lt3A = arith.constant 7 : i32
      %lt3A_429 = arith.cmpi slt, %scan3A_388, %lt3A : i32
      %convert_element_type3A_430 = arith.extui %lt3A_429 : i1 to i32
      %cond3A_431 = arith.constant 0 : i32
      %cond3A_432 = arith.cmpi ne, %convert_element_type3A_430, %cond3A_431 : i32
      scf.if %cond3A_432 {
        %mul3A_571 = arith.constant 4 : i32
        %mul3A_572 = arith.muli %mul3A_571, %scan3A_388 : i32
        %add3A_573 = arith.constant 4 : i32
        %add3A_574 = arith.addi %mul3A_572, %add3A_573 : i32
        %add3A_575 = arith.constant 0 : i32
        %add3A_576 = arith.addi %add3A_574, %add3A_575 : i32
        %dma_start3A_577 = arith.constant 0 : i32
        %dma_start3A_578 = arith.constant 0 : i32
        %dma_start3A_579 = tpu.memref_slice %arg2[%add3A_576, %dma_start3A_577, %sub3A_4] : memref<32x4x8192xf32, #tpu.memory_space<hbm>> -> memref<1x1x512xf32, #tpu.memory_space<hbm>>
        %dma_start3A_580 = tpu.memref_squeeze %dma_start3A_579 : memref<1x1x512xf32, #tpu.memory_space<hbm>> -> memref<512xf32, #tpu.memory_space<hbm>>
        %dma_start3A_581 = tpu.memref_slice %arg28[%dma_start3A_578] : memref<4x!tpu.dma_semaphore, #tpu.memory_space<semaphore_mem>> -> memref<1x!tpu.dma_semaphore, #tpu.memory_space<semaphore_mem>>
        %dma_start3A_582 = tpu.memref_squeeze %dma_start3A_581 : memref<1x!tpu.dma_semaphore, #tpu.memory_space<semaphore_mem>> -> memref<!tpu.dma_semaphore, #tpu.memory_space<semaphore_mem>>
        %dma_start3A_583 = tpu.memref_slice %arg2[%add3A_576, %dma_start3A_577, %sub3A_4] : memref<32x4x8192xf32, #tpu.memory_space<hbm>> -> memref<1x1x512xf32, #tpu.memory_space<hbm>>
        %dma_start3A_584 = tpu.memref_squeeze %dma_start3A_583 : memref<1x1x512xf32, #tpu.memory_space<hbm>> -> memref<512xf32, #tpu.memory_space<hbm>>
        tpu.enqueue_dma source(%dma_start3A_584 : memref<512xf32, #tpu.memory_space<hbm>>) target(%arg8 : memref<512xf32, #tpu.memory_space<vmem>>) target_semaphore(%dma_start3A_582 : memref<!tpu.dma_semaphore, #tpu.memory_space<semaphore_mem>>)
        %dma_start3A_585 = arith.constant 1 : i32
        %dma_start3A_586 = arith.constant 0 : i32
        %dma_start3A_587 = tpu.memref_slice %arg2[%add3A_576, %dma_start3A_585, %sub3A_4] : memref<32x4x8192xf32, #tpu.memory_space<hbm>> -> memref<1x1x512xf32, #tpu.memory_space<hbm>>
        %dma_start3A_588 = tpu.memref_squeeze %dma_start3A_587 : memref<1x1x512xf32, #tpu.memory_space<hbm>> -> memref<512xf32, #tpu.memory_space<hbm>>
        %dma_start3A_589 = tpu.memref_slice %arg28[%dma_start3A_586] : memref<4x!tpu.dma_semaphore, #tpu.memory_space<semaphore_mem>> -> memref<1x!tpu.dma_semaphore, #tpu.memory_space<semaphore_mem>>
        %dma_start3A_590 = tpu.memref_squeeze %dma_start3A_589 : memref<1x!tpu.dma_semaphore, #tpu.memory_space<semaphore_mem>> -> memref<!tpu.dma_semaphore, #tpu.memory_space<semaphore_mem>>
        %dma_start3A_591 = tpu.memref_slice %arg2[%add3A_576, %dma_start3A_585, %sub3A_4] : memref<32x4x8192xf32, #tpu.memory_space<hbm>> -> memref<1x1x512xf32, #tpu.memory_space<hbm>>
        %dma_start3A_592 = tpu.memref_squeeze %dma_start3A_591 : memref<1x1x512xf32, #tpu.memory_space<hbm>> -> memref<512xf32, #tpu.memory_space<hbm>>
        tpu.enqueue_dma source(%dma_start3A_592 : memref<512xf32, #tpu.memory_space<hbm>>) target(%arg9 : memref<512xf32, #tpu.memory_space<vmem>>) target_semaphore(%dma_start3A_590 : memref<!tpu.dma_semaphore, #tpu.memory_space<semaphore_mem>>)
        %dma_start3A_593 = arith.constant 2 : i32
        %dma_start3A_594 = arith.constant 0 : i32
        %dma_start3A_595 = tpu.memref_slice %arg2[%add3A_576, %dma_start3A_593, %sub3A_4] : memref<32x4x8192xf32, #tpu.memory_space<hbm>> -> memref<1x1x512xf32, #tpu.memory_space<hbm>>
        %dma_start3A_596 = tpu.memref_squeeze %dma_start3A_595 : memref<1x1x512xf32, #tpu.memory_space<hbm>> -> memref<512xf32, #tpu.memory_space<hbm>>
        %dma_start3A_597 = tpu.memref_slice %arg28[%dma_start3A_594] : memref<4x!tpu.dma_semaphore, #tpu.memory_space<semaphore_mem>> -> memref<1x!tpu.dma_semaphore, #tpu.memory_space<semaphore_mem>>
        %dma_start3A_598 = tpu.memref_squeeze %dma_start3A_597 : memref<1x!tpu.dma_semaphore, #tpu.memory_space<semaphore_mem>> -> memref<!tpu.dma_semaphore, #tpu.memory_space<semaphore_mem>>
        %dma_start3A_599 = tpu.memref_slice %arg2[%add3A_576, %dma_start3A_593, %sub3A_4] : memref<32x4x8192xf32, #tpu.memory_space<hbm>> -> memref<1x1x512xf32, #tpu.memory_space<hbm>>
        %dma_start3A_600 = tpu.memref_squeeze %dma_start3A_599 : memref<1x1x512xf32, #tpu.memory_space<hbm>> -> memref<512xf32, #tpu.memory_space<hbm>>
        tpu.enqueue_dma source(%dma_start3A_600 : memref<512xf32, #tpu.memory_space<hbm>>) target(%arg10 : memref<512xf32, #tpu.memory_space<vmem>>) target_semaphore(%dma_start3A_598 : memref<!tpu.dma_semaphore, #tpu.memory_space<semaphore_mem>>)
        %dma_start3A_601 = arith.constant 3 : i32
        %dma_start3A_602 = arith.constant 0 : i32
        %dma_start3A_603 = tpu.memref_slice %arg2[%add3A_576, %dma_start3A_601, %sub3A_4] : memref<32x4x8192xf32, #tpu.memory_space<hbm>> -> memref<1x1x512xf32, #tpu.memory_space<hbm>>
        %dma_start3A_604 = tpu.memref_squeeze %dma_start3A_603 : memref<1x1x512xf32, #tpu.memory_space<hbm>> -> memref<512xf32, #tpu.memory_space<hbm>>
        %dma_start3A_605 = tpu.memref_slice %arg28[%dma_start3A_602] : memref<4x!tpu.dma_semaphore, #tpu.memory_space<semaphore_mem>> -> memref<1x!tpu.dma_semaphore, #tpu.memory_space<semaphore_mem>>
        %dma_start3A_606 = tpu.memref_squeeze %dma_start3A_605 : memref<1x!tpu.dma_semaphore, #tpu.memory_space<semaphore_mem>> -> memref<!tpu.dma_semaphore, #tpu.memory_space<semaphore_mem>>
        %dma_start3A_607 = tpu.memref_slice %arg2[%add3A_576, %dma_start3A_601, %sub3A_4] : memref<32x4x8192xf32, #tpu.memory_space<hbm>> -> memref<1x1x512xf32, #tpu.memory_space<hbm>>
        %dma_start3A_608 = tpu.memref_squeeze %dma_start3A_607 : memref<1x1x512xf32, #tpu.memory_space<hbm>> -> memref<512xf32, #tpu.memory_space<hbm>>
        tpu.enqueue_dma source(%dma_start3A_608 : memref<512xf32, #tpu.memory_space<hbm>>) target(%arg11 : memref<512xf32, #tpu.memory_space<vmem>>) target_semaphore(%dma_start3A_606 : memref<!tpu.dma_semaphore, #tpu.memory_space<semaphore_mem>>)
      } else {
      }
      %dma_wait3A_433 = arith.constant 0 : i32
      %dma_wait3A_434 = arith.constant 0 : i32
      %dma_wait3A_435 = arith.constant 1 : i32
      %dma_wait3A_436 = tpu.memref_slice %arg2[%dma_wait3A_433, %dma_wait3A_434, %sub3A_4] : memref<32x4x8192xf32, #tpu.memory_space<hbm>> -> memref<1x1x512xf32, #tpu.memory_space<hbm>>
      %dma_wait3A_437 = tpu.memref_squeeze %dma_wait3A_436 : memref<1x1x512xf32, #tpu.memory_space<hbm>> -> memref<512xf32, #tpu.memory_space<hbm>>
      %dma_wait3A_438 = tpu.memref_slice %arg28[%dma_wait3A_435] : memref<4x!tpu.dma_semaphore, #tpu.memory_space<semaphore_mem>> -> memref<1x!tpu.dma_semaphore, #tpu.memory_space<semaphore_mem>>
      %dma_wait3A_439 = tpu.memref_squeeze %dma_wait3A_438 : memref<1x!tpu.dma_semaphore, #tpu.memory_space<semaphore_mem>> -> memref<!tpu.dma_semaphore, #tpu.memory_space<semaphore_mem>>
      %dma_wait3A_440 = tpu.memref_slice %arg2[%dma_wait3A_433, %dma_wait3A_434, %sub3A_4] : memref<32x4x8192xf32, #tpu.memory_space<hbm>> -> memref<1x1x512xf32, #tpu.memory_space<hbm>>
      %dma_wait3A_441 = tpu.memref_squeeze %dma_wait3A_440 : memref<1x1x512xf32, #tpu.memory_space<hbm>> -> memref<512xf32, #tpu.memory_space<hbm>>
      tpu.wait_dma2 semaphore(%dma_wait3A_439 : memref<!tpu.dma_semaphore, #tpu.memory_space<semaphore_mem>>) src(%dma_wait3A_441 : memref<512xf32, #tpu.memory_space<hbm>>) dst(%arg12 : memref<512xf32, #tpu.memory_space<vmem>>)
      %dma_wait3A_442 = arith.constant 0 : i32
      %dma_wait3A_443 = arith.constant 1 : i32
      %dma_wait3A_444 = arith.constant 1 : i32
      %dma_wait3A_445 = tpu.memref_slice %arg2[%dma_wait3A_442, %dma_wait3A_443, %sub3A_4] : memref<32x4x8192xf32, #tpu.memory_space<hbm>> -> memref<1x1x512xf32, #tpu.memory_space<hbm>>
      %dma_wait3A_446 = tpu.memref_squeeze %dma_wait3A_445 : memref<1x1x512xf32, #tpu.memory_space<hbm>> -> memref<512xf32, #tpu.memory_space<hbm>>
      %dma_wait3A_447 = tpu.memref_slice %arg28[%dma_wait3A_444] : memref<4x!tpu.dma_semaphore, #tpu.memory_space<semaphore_mem>> -> memref<1x!tpu.dma_semaphore, #tpu.memory_space<semaphore_mem>>
      %dma_wait3A_448 = tpu.memref_squeeze %dma_wait3A_447 : memref<1x!tpu.dma_semaphore, #tpu.memory_space<semaphore_mem>> -> memref<!tpu.dma_semaphore, #tpu.memory_space<semaphore_mem>>
      %dma_wait3A_449 = tpu.memref_slice %arg2[%dma_wait3A_442, %dma_wait3A_443, %sub3A_4] : memref<32x4x8192xf32, #tpu.memory_space<hbm>> -> memref<1x1x512xf32, #tpu.memory_space<hbm>>
      %dma_wait3A_450 = tpu.memref_squeeze %dma_wait3A_449 : memref<1x1x512xf32, #tpu.memory_space<hbm>> -> memref<512xf32, #tpu.memory_space<hbm>>
      tpu.wait_dma2 semaphore(%dma_wait3A_448 : memref<!tpu.dma_semaphore, #tpu.memory_space<semaphore_mem>>) src(%dma_wait3A_450 : memref<512xf32, #tpu.memory_space<hbm>>) dst(%arg13 : memref<512xf32, #tpu.memory_space<vmem>>)
      %dma_wait3A_451 = arith.constant 0 : i32
      %dma_wait3A_452 = arith.constant 2 : i32
      %dma_wait3A_453 = arith.constant 1 : i32
      %dma_wait3A_454 = tpu.memref_slice %arg2[%dma_wait3A_451, %dma_wait3A_452, %sub3A_4] : memref<32x4x8192xf32, #tpu.memory_space<hbm>> -> memref<1x1x512xf32, #tpu.memory_space<hbm>>
      %dma_wait3A_455 = tpu.memref_squeeze %dma_wait3A_454 : memref<1x1x512xf32, #tpu.memory_space<hbm>> -> memref<512xf32, #tpu.memory_space<hbm>>
      %dma_wait3A_456 = tpu.memref_slice %arg28[%dma_wait3A_453] : memref<4x!tpu.dma_semaphore, #tpu.memory_space<semaphore_mem>> -> memref<1x!tpu.dma_semaphore, #tpu.memory_space<semaphore_mem>>
      %dma_wait3A_457 = tpu.memref_squeeze %dma_wait3A_456 : memref<1x!tpu.dma_semaphore, #tpu.memory_space<semaphore_mem>> -> memref<!tpu.dma_semaphore, #tpu.memory_space<semaphore_mem>>
      %dma_wait3A_458 = tpu.memref_slice %arg2[%dma_wait3A_451, %dma_wait3A_452, %sub3A_4] : memref<32x4x8192xf32, #tpu.memory_space<hbm>> -> memref<1x1x512xf32, #tpu.memory_space<hbm>>
      %dma_wait3A_459 = tpu.memref_squeeze %dma_wait3A_458 : memref<1x1x512xf32, #tpu.memory_space<hbm>> -> memref<512xf32, #tpu.memory_space<hbm>>
      tpu.wait_dma2 semaphore(%dma_wait3A_457 : memref<!tpu.dma_semaphore, #tpu.memory_space<semaphore_mem>>) src(%dma_wait3A_459 : memref<512xf32, #tpu.memory_space<hbm>>) dst(%arg14 : memref<512xf32, #tpu.memory_space<vmem>>)
      %dma_wait3A_460 = arith.constant 0 : i32
      %dma_wait3A_461 = arith.constant 3 : i32
      %dma_wait3A_462 = arith.constant 1 : i32
      %dma_wait3A_463 = tpu.memref_slice %arg2[%dma_wait3A_460, %dma_wait3A_461, %sub3A_4] : memref<32x4x8192xf32, #tpu.memory_space<hbm>> -> memref<1x1x512xf32, #tpu.memory_space<hbm>>
      %dma_wait3A_464 = tpu.memref_squeeze %dma_wait3A_463 : memref<1x1x512xf32, #tpu.memory_space<hbm>> -> memref<512xf32, #tpu.memory_space<hbm>>
      %dma_wait3A_465 = tpu.memref_slice %arg28[%dma_wait3A_462] : memref<4x!tpu.dma_semaphore, #tpu.memory_space<semaphore_mem>> -> memref<1x!tpu.dma_semaphore, #tpu.memory_space<semaphore_mem>>
      %dma_wait3A_466 = tpu.memref_squeeze %dma_wait3A_465 : memref<1x!tpu.dma_semaphore, #tpu.memory_space<semaphore_mem>> -> memref<!tpu.dma_semaphore, #tpu.memory_space<semaphore_mem>>
      %dma_wait3A_467 = tpu.memref_slice %arg2[%dma_wait3A_460, %dma_wait3A_461, %sub3A_4] : memref<32x4x8192xf32, #tpu.memory_space<hbm>> -> memref<1x1x512xf32, #tpu.memory_space<hbm>>
      %dma_wait3A_468 = tpu.memref_squeeze %dma_wait3A_467 : memref<1x1x512xf32, #tpu.memory_space<hbm>> -> memref<512xf32, #tpu.memory_space<hbm>>
      tpu.wait_dma2 semaphore(%dma_wait3A_466 : memref<!tpu.dma_semaphore, #tpu.memory_space<semaphore_mem>>) src(%dma_wait3A_468 : memref<512xf32, #tpu.memory_space<hbm>>) dst(%arg15 : memref<512xf32, #tpu.memory_space<vmem>>)
      %scan3A_469 = arith.constant 0 : i32
      %scan3A_470 = arith.constant 32 : i32
      %scan3A_471 = arith.addi %scan3A_469, %scan3A_470 : i32
      %scan3A_472 = arith.constant 2 : i32
      scf.for %scan3A_571 = %scan3A_469 to %scan3A_471 step %scan3A_472  : i32 {
        %mul3A_572 = arith.constant 1 : i32
        %mul3A_573 = arith.muli %scan3A_571, %mul3A_572 : i32
        %add3A_574 = arith.constant 0 : i32
        %add3A_575 = arith.addi %add3A_574, %mul3A_573 : i32
        %mul3A_576 = arith.constant 16 : i32
        %mul3A_577 = arith.muli %add3A_575, %mul3A_576 : i32
        %get3A_578 = arith.index_cast %mul3A_577 : i32 to index
        %get3A_579 = tpu.vector_load %arg4[%get3A_578] {strides = array<i32>} : memref<512xf32, #tpu.memory_space<vmem>>, vector<16xf32>,
        %get3A_580 = arith.index_cast %mul3A_577 : i32 to index
        %get3A_581 = tpu.vector_load %arg12[%get3A_580] {strides = array<i32>} : memref<512xf32, #tpu.memory_space<vmem>>, vector<16xf32>,
        %add3A_582 = arith.addf %get3A_579, %get3A_581 : vector<16xf32>
        %swap3A_583 = arith.index_cast %mul3A_577 : i32 to index
        %swap3A_584 = tpu.vector_load %arg4[%swap3A_583] {strides = array<i32>} : memref<512xf32, #tpu.memory_space<vmem>>, vector<16xf32>,
        tpu.vector_store %arg4[%swap3A_583], %add3A_582 {strides = array<i32>} : memref<512xf32, #tpu.memory_space<vmem>>, vector<16xf32>,
        %get3A_585 = arith.index_cast %mul3A_577 : i32 to index
        %get3A_586 = tpu.vector_load %arg5[%get3A_585] {strides = array<i32>} : memref<512xf32, #tpu.memory_space<vmem>>, vector<16xf32>,
        %get3A_587 = arith.index_cast %mul3A_577 : i32 to index
        %get3A_588 = tpu.vector_load %arg13[%get3A_587] {strides = array<i32>} : memref<512xf32, #tpu.memory_space<vmem>>, vector<16xf32>,
        %add3A_589 = arith.addf %get3A_586, %get3A_588 : vector<16xf32>
        %swap3A_590 = arith.index_cast %mul3A_577 : i32 to index
        %swap3A_591 = tpu.vector_load %arg5[%swap3A_590] {strides = array<i32>} : memref<512xf32, #tpu.memory_space<vmem>>, vector<16xf32>,
        tpu.vector_store %arg5[%swap3A_590], %add3A_589 {strides = array<i32>} : memref<512xf32, #tpu.memory_space<vmem>>, vector<16xf32>,
        %get3A_592 = arith.index_cast %mul3A_577 : i32 to index
        %get3A_593 = tpu.vector_load %arg6[%get3A_592] {strides = array<i32>} : memref<512xf32, #tpu.memory_space<vmem>>, vector<16xf32>,
        %get3A_594 = arith.index_cast %mul3A_577 : i32 to index
        %get3A_595 = tpu.vector_load %arg14[%get3A_594] {strides = array<i32>} : memref<512xf32, #tpu.memory_space<vmem>>, vector<16xf32>,
        %add3A_596 = arith.addf %get3A_593, %get3A_595 : vector<16xf32>
        %swap3A_597 = arith.index_cast %mul3A_577 : i32 to index
        %swap3A_598 = tpu.vector_load %arg6[%swap3A_597] {strides = array<i32>} : memref<512xf32, #tpu.memory_space<vmem>>, vector<16xf32>,
        tpu.vector_store %arg6[%swap3A_597], %add3A_596 {strides = array<i32>} : memref<512xf32, #tpu.memory_space<vmem>>, vector<16xf32>,
        %get3A_599 = arith.index_cast %mul3A_577 : i32 to index
        %get3A_600 = tpu.vector_load %arg7[%get3A_599] {strides = array<i32>} : memref<512xf32, #tpu.memory_space<vmem>>, vector<16xf32>,
        %get3A_601 = arith.index_cast %mul3A_577 : i32 to index
        %get3A_602 = tpu.vector_load %arg15[%get3A_601] {strides = array<i32>} : memref<512xf32, #tpu.memory_space<vmem>>, vector<16xf32>,
        %add3A_603 = arith.addf %get3A_600, %get3A_602 : vector<16xf32>
        %swap3A_604 = arith.index_cast %mul3A_577 : i32 to index
        %swap3A_605 = tpu.vector_load %arg7[%swap3A_604] {strides = array<i32>} : memref<512xf32, #tpu.memory_space<vmem>>, vector<16xf32>,
        tpu.vector_store %arg7[%swap3A_604], %add3A_603 {strides = array<i32>} : memref<512xf32, #tpu.memory_space<vmem>>, vector<16xf32>,
        %scan3A_606 = arith.constant 1 : i32
        %scan3A_607 = arith.addi %scan3A_571, %scan3A_606 : i32
        %mul3A_608 = arith.constant 1 : i32
        %mul3A_609 = arith.muli %scan3A_607, %mul3A_608 : i32
        %add3A_610 = arith.constant 0 : i32
        %add3A_611 = arith.addi %add3A_610, %mul3A_609 : i32
        %mul3A_612 = arith.constant 16 : i32
        %mul3A_613 = arith.muli %add3A_611, %mul3A_612 : i32
        %get3A_614 = arith.index_cast %mul3A_613 : i32 to index
        %get3A_615 = tpu.vector_load %arg4[%get3A_614] {strides = array<i32>} : memref<512xf32, #tpu.memory_space<vmem>>, vector<16xf32>,
        %get3A_616 = arith.index_cast %mul3A_613 : i32 to index
        %get3A_617 = tpu.vector_load %arg12[%get3A_616] {strides = array<i32>} : memref<512xf32, #tpu.memory_space<vmem>>, vector<16xf32>,
        %add3A_618 = arith.addf %get3A_615, %get3A_617 : vector<16xf32>
        %swap3A_619 = arith.index_cast %mul3A_613 : i32 to index
        %swap3A_620 = tpu.vector_load %arg4[%swap3A_619] {strides = array<i32>} : memref<512xf32, #tpu.memory_space<vmem>>, vector<16xf32>,
        tpu.vector_store %arg4[%swap3A_619], %add3A_618 {strides = array<i32>} : memref<512xf32, #tpu.memory_space<vmem>>, vector<16xf32>,
        %get3A_621 = arith.index_cast %mul3A_613 : i32 to index
        %get3A_622 = tpu.vector_load %arg5[%get3A_621] {strides = array<i32>} : memref<512xf32, #tpu.memory_space<vmem>>, vector<16xf32>,
        %get3A_623 = arith.index_cast %mul3A_613 : i32 to index
        %get3A_624 = tpu.vector_load %arg13[%get3A_623] {strides = array<i32>} : memref<512xf32, #tpu.memory_space<vmem>>, vector<16xf32>,
        %add3A_625 = arith.addf %get3A_622, %get3A_624 : vector<16xf32>
        %swap3A_626 = arith.index_cast %mul3A_613 : i32 to index
        %swap3A_627 = tpu.vector_load %arg5[%swap3A_626] {strides = array<i32>} : memref<512xf32, #tpu.memory_space<vmem>>, vector<16xf32>,
        tpu.vector_store %arg5[%swap3A_626], %add3A_625 {strides = array<i32>} : memref<512xf32, #tpu.memory_space<vmem>>, vector<16xf32>,
        %get3A_628 = arith.index_cast %mul3A_613 : i32 to index
        %get3A_629 = tpu.vector_load %arg6[%get3A_628] {strides = array<i32>} : memref<512xf32, #tpu.memory_space<vmem>>, vector<16xf32>,
        %get3A_630 = arith.index_cast %mul3A_613 : i32 to index
        %get3A_631 = tpu.vector_load %arg14[%get3A_630] {strides = array<i32>} : memref<512xf32, #tpu.memory_space<vmem>>, vector<16xf32>,
        %add3A_632 = arith.addf %get3A_629, %get3A_631 : vector<16xf32>
        %swap3A_633 = arith.index_cast %mul3A_613 : i32 to index
        %swap3A_634 = tpu.vector_load %arg6[%swap3A_633] {strides = array<i32>} : memref<512xf32, #tpu.memory_space<vmem>>, vector<16xf32>,
        tpu.vector_store %arg6[%swap3A_633], %add3A_632 {strides = array<i32>} : memref<512xf32, #tpu.memory_space<vmem>>, vector<16xf32>,
        %get3A_635 = arith.index_cast %mul3A_613 : i32 to index
        %get3A_636 = tpu.vector_load %arg7[%get3A_635] {strides = array<i32>} : memref<512xf32, #tpu.memory_space<vmem>>, vector<16xf32>,
        %get3A_637 = arith.index_cast %mul3A_613 : i32 to index
        %get3A_638 = tpu.vector_load %arg15[%get3A_637] {strides = array<i32>} : memref<512xf32, #tpu.memory_space<vmem>>, vector<16xf32>,
        %add3A_639 = arith.addf %get3A_636, %get3A_638 : vector<16xf32>
        %swap3A_640 = arith.index_cast %mul3A_613 : i32 to index
        %swap3A_641 = tpu.vector_load %arg7[%swap3A_640] {strides = array<i32>} : memref<512xf32, #tpu.memory_space<vmem>>, vector<16xf32>,
        tpu.vector_store %arg7[%swap3A_640], %add3A_639 {strides = array<i32>} : memref<512xf32, #tpu.memory_space<vmem>>, vector<16xf32>,
      }
      %scan3A_473 = arith.constant 32 : i32
      %lt3A_474 = arith.constant 7 : i32
      %lt3A_475 = arith.cmpi slt, %scan3A_388, %lt3A_474 : i32
      %convert_element_type3A_476 = arith.extui %lt3A_475 : i1 to i32
      %cond3A_477 = arith.constant 0 : i32
      %cond3A_478 = arith.cmpi ne, %convert_element_type3A_476, %cond3A_477 : i32
      scf.if %cond3A_478 {
        %mul3A_571 = arith.constant 4 : i32
        %mul3A_572 = arith.muli %mul3A_571, %scan3A_388 : i32
        %add3A_573 = arith.constant 4 : i32
        %add3A_574 = arith.addi %mul3A_572, %add3A_573 : i32
        %add3A_575 = arith.constant 1 : i32
        %add3A_576 = arith.addi %add3A_574, %add3A_575 : i32
        %dma_start3A_577 = arith.constant 0 : i32
        %dma_start3A_578 = arith.constant 1 : i32
        %dma_start3A_579 = tpu.memref_slice %arg2[%add3A_576, %dma_start3A_577, %sub3A_4] : memref<32x4x8192xf32, #tpu.memory_space<hbm>> -> memref<1x1x512xf32, #tpu.memory_space<hbm>>
        %dma_start3A_580 = tpu.memref_squeeze %dma_start3A_579 : memref<1x1x512xf32, #tpu.memory_space<hbm>> -> memref<512xf32, #tpu.memory_space<hbm>>
        %dma_start3A_581 = tpu.memref_slice %arg28[%dma_start3A_578] : memref<4x!tpu.dma_semaphore, #tpu.memory_space<semaphore_mem>> -> memref<1x!tpu.dma_semaphore, #tpu.memory_space<semaphore_mem>>
        %dma_start3A_582 = tpu.memref_squeeze %dma_start3A_581 : memref<1x!tpu.dma_semaphore, #tpu.memory_space<semaphore_mem>> -> memref<!tpu.dma_semaphore, #tpu.memory_space<semaphore_mem>>
        %dma_start3A_583 = tpu.memref_slice %arg2[%add3A_576, %dma_start3A_577, %sub3A_4] : memref<32x4x8192xf32, #tpu.memory_space<hbm>> -> memref<1x1x512xf32, #tpu.memory_space<hbm>>
        %dma_start3A_584 = tpu.memref_squeeze %dma_start3A_583 : memref<1x1x512xf32, #tpu.memory_space<hbm>> -> memref<512xf32, #tpu.memory_space<hbm>>
        tpu.enqueue_dma source(%dma_start3A_584 : memref<512xf32, #tpu.memory_space<hbm>>) target(%arg12 : memref<512xf32, #tpu.memory_space<vmem>>) target_semaphore(%dma_start3A_582 : memref<!tpu.dma_semaphore, #tpu.memory_space<semaphore_mem>>)
        %dma_start3A_585 = arith.constant 1 : i32
        %dma_start3A_586 = arith.constant 1 : i32
        %dma_start3A_587 = tpu.memref_slice %arg2[%add3A_576, %dma_start3A_585, %sub3A_4] : memref<32x4x8192xf32, #tpu.memory_space<hbm>> -> memref<1x1x512xf32, #tpu.memory_space<hbm>>
        %dma_start3A_588 = tpu.memref_squeeze %dma_start3A_587 : memref<1x1x512xf32, #tpu.memory_space<hbm>> -> memref<512xf32, #tpu.memory_space<hbm>>
        %dma_start3A_589 = tpu.memref_slice %arg28[%dma_start3A_586] : memref<4x!tpu.dma_semaphore, #tpu.memory_space<semaphore_mem>> -> memref<1x!tpu.dma_semaphore, #tpu.memory_space<semaphore_mem>>
        %dma_start3A_590 = tpu.memref_squeeze %dma_start3A_589 : memref<1x!tpu.dma_semaphore, #tpu.memory_space<semaphore_mem>> -> memref<!tpu.dma_semaphore, #tpu.memory_space<semaphore_mem>>
        %dma_start3A_591 = tpu.memref_slice %arg2[%add3A_576, %dma_start3A_585, %sub3A_4] : memref<32x4x8192xf32, #tpu.memory_space<hbm>> -> memref<1x1x512xf32, #tpu.memory_space<hbm>>
        %dma_start3A_592 = tpu.memref_squeeze %dma_start3A_591 : memref<1x1x512xf32, #tpu.memory_space<hbm>> -> memref<512xf32, #tpu.memory_space<hbm>>
        tpu.enqueue_dma source(%dma_start3A_592 : memref<512xf32, #tpu.memory_space<hbm>>) target(%arg13 : memref<512xf32, #tpu.memory_space<vmem>>) target_semaphore(%dma_start3A_590 : memref<!tpu.dma_semaphore, #tpu.memory_space<semaphore_mem>>)
        %dma_start3A_593 = arith.constant 2 : i32
        %dma_start3A_594 = arith.constant 1 : i32
        %dma_start3A_595 = tpu.memref_slice %arg2[%add3A_576, %dma_start3A_593, %sub3A_4] : memref<32x4x8192xf32, #tpu.memory_space<hbm>> -> memref<1x1x512xf32, #tpu.memory_space<hbm>>
        %dma_start3A_596 = tpu.memref_squeeze %dma_start3A_595 : memref<1x1x512xf32, #tpu.memory_space<hbm>> -> memref<512xf32, #tpu.memory_space<hbm>>
        %dma_start3A_597 = tpu.memref_slice %arg28[%dma_start3A_594] : memref<4x!tpu.dma_semaphore, #tpu.memory_space<semaphore_mem>> -> memref<1x!tpu.dma_semaphore, #tpu.memory_space<semaphore_mem>>
        %dma_start3A_598 = tpu.memref_squeeze %dma_start3A_597 : memref<1x!tpu.dma_semaphore, #tpu.memory_space<semaphore_mem>> -> memref<!tpu.dma_semaphore, #tpu.memory_space<semaphore_mem>>
        %dma_start3A_599 = tpu.memref_slice %arg2[%add3A_576, %dma_start3A_593, %sub3A_4] : memref<32x4x8192xf32, #tpu.memory_space<hbm>> -> memref<1x1x512xf32, #tpu.memory_space<hbm>>
        %dma_start3A_600 = tpu.memref_squeeze %dma_start3A_599 : memref<1x1x512xf32, #tpu.memory_space<hbm>> -> memref<512xf32, #tpu.memory_space<hbm>>
        tpu.enqueue_dma source(%dma_start3A_600 : memref<512xf32, #tpu.memory_space<hbm>>) target(%arg14 : memref<512xf32, #tpu.memory_space<vmem>>) target_semaphore(%dma_start3A_598 : memref<!tpu.dma_semaphore, #tpu.memory_space<semaphore_mem>>)
        %dma_start3A_601 = arith.constant 3 : i32
        %dma_start3A_602 = arith.constant 1 : i32
        %dma_start3A_603 = tpu.memref_slice %arg2[%add3A_576, %dma_start3A_601, %sub3A_4] : memref<32x4x8192xf32, #tpu.memory_space<hbm>> -> memref<1x1x512xf32, #tpu.memory_space<hbm>>
        %dma_start3A_604 = tpu.memref_squeeze %dma_start3A_603 : memref<1x1x512xf32, #tpu.memory_space<hbm>> -> memref<512xf32, #tpu.memory_space<hbm>>
        %dma_start3A_605 = tpu.memref_slice %arg28[%dma_start3A_602] : memref<4x!tpu.dma_semaphore, #tpu.memory_space<semaphore_mem>> -> memref<1x!tpu.dma_semaphore, #tpu.memory_space<semaphore_mem>>
        %dma_start3A_606 = tpu.memref_squeeze %dma_start3A_605 : memref<1x!tpu.dma_semaphore, #tpu.memory_space<semaphore_mem>> -> memref<!tpu.dma_semaphore, #tpu.memory_space<semaphore_mem>>
        %dma_start3A_607 = tpu.memref_slice %arg2[%add3A_576, %dma_start3A_601, %sub3A_4] : memref<32x4x8192xf32, #tpu.memory_space<hbm>> -> memref<1x1x512xf32, #tpu.memory_space<hbm>>
        %dma_start3A_608 = tpu.memref_squeeze %dma_start3A_607 : memref<1x1x512xf32, #tpu.memory_space<hbm>> -> memref<512xf32, #tpu.memory_space<hbm>>
        tpu.enqueue_dma source(%dma_start3A_608 : memref<512xf32, #tpu.memory_space<hbm>>) target(%arg15 : memref<512xf32, #tpu.memory_space<vmem>>) target_semaphore(%dma_start3A_606 : memref<!tpu.dma_semaphore, #tpu.memory_space<semaphore_mem>>)
      } else {
      }
      %dma_wait3A_479 = arith.constant 0 : i32
      %dma_wait3A_480 = arith.constant 0 : i32
      %dma_wait3A_481 = arith.constant 2 : i32
      %dma_wait3A_482 = tpu.memref_slice %arg2[%dma_wait3A_479, %dma_wait3A_480, %sub3A_4] : memref<32x4x8192xf32, #tpu.memory_space<hbm>> -> memref<1x1x512xf32, #tpu.memory_space<hbm>>
      %dma_wait3A_483 = tpu.memref_squeeze %dma_wait3A_482 : memref<1x1x512xf32, #tpu.memory_space<hbm>> -> memref<512xf32, #tpu.memory_space<hbm>>
      %dma_wait3A_484 = tpu.memref_slice %arg28[%dma_wait3A_481] : memref<4x!tpu.dma_semaphore, #tpu.memory_space<semaphore_mem>> -> memref<1x!tpu.dma_semaphore, #tpu.memory_space<semaphore_mem>>
      %dma_wait3A_485 = tpu.memref_squeeze %dma_wait3A_484 : memref<1x!tpu.dma_semaphore, #tpu.memory_space<semaphore_mem>> -> memref<!tpu.dma_semaphore, #tpu.memory_space<semaphore_mem>>
      %dma_wait3A_486 = tpu.memref_slice %arg2[%dma_wait3A_479, %dma_wait3A_480, %sub3A_4] : memref<32x4x8192xf32, #tpu.memory_space<hbm>> -> memref<1x1x512xf32, #tpu.memory_space<hbm>>
      %dma_wait3A_487 = tpu.memref_squeeze %dma_wait3A_486 : memref<1x1x512xf32, #tpu.memory_space<hbm>> -> memref<512xf32, #tpu.memory_space<hbm>>
      tpu.wait_dma2 semaphore(%dma_wait3A_485 : memref<!tpu.dma_semaphore, #tpu.memory_space<semaphore_mem>>) src(%dma_wait3A_487 : memref<512xf32, #tpu.memory_space<hbm>>) dst(%arg16 : memref<512xf32, #tpu.memory_space<vmem>>)
      %dma_wait3A_488 = arith.constant 0 : i32
      %dma_wait3A_489 = arith.constant 1 : i32
      %dma_wait3A_490 = arith.constant 2 : i32
      %dma_wait3A_491 = tpu.memref_slice %arg2[%dma_wait3A_488, %dma_wait3A_489, %sub3A_4] : memref<32x4x8192xf32, #tpu.memory_space<hbm>> -> memref<1x1x512xf32, #tpu.memory_space<hbm>>
      %dma_wait3A_492 = tpu.memref_squeeze %dma_wait3A_491 : memref<1x1x512xf32, #tpu.memory_space<hbm>> -> memref<512xf32, #tpu.memory_space<hbm>>
      %dma_wait3A_493 = tpu.memref_slice %arg28[%dma_wait3A_490] : memref<4x!tpu.dma_semaphore, #tpu.memory_space<semaphore_mem>> -> memref<1x!tpu.dma_semaphore, #tpu.memory_space<semaphore_mem>>
      %dma_wait3A_494 = tpu.memref_squeeze %dma_wait3A_493 : memref<1x!tpu.dma_semaphore, #tpu.memory_space<semaphore_mem>> -> memref<!tpu.dma_semaphore, #tpu.memory_space<semaphore_mem>>
      %dma_wait3A_495 = tpu.memref_slice %arg2[%dma_wait3A_488, %dma_wait3A_489, %sub3A_4] : memref<32x4x8192xf32, #tpu.memory_space<hbm>> -> memref<1x1x512xf32, #tpu.memory_space<hbm>>
      %dma_wait3A_496 = tpu.memref_squeeze %dma_wait3A_495 : memref<1x1x512xf32, #tpu.memory_space<hbm>> -> memref<512xf32, #tpu.memory_space<hbm>>
      tpu.wait_dma2 semaphore(%dma_wait3A_494 : memref<!tpu.dma_semaphore, #tpu.memory_space<semaphore_mem>>) src(%dma_wait3A_496 : memref<512xf32, #tpu.memory_space<hbm>>) dst(%arg17 : memref<512xf32, #tpu.memory_space<vmem>>)
      %dma_wait3A_497 = arith.constant 0 : i32
      %dma_wait3A_498 = arith.constant 2 : i32
      %dma_wait3A_499 = arith.constant 2 : i32
      %dma_wait3A_500 = tpu.memref_slice %arg2[%dma_wait3A_497, %dma_wait3A_498, %sub3A_4] : memref<32x4x8192xf32, #tpu.memory_space<hbm>> -> memref<1x1x512xf32, #tpu.memory_space<hbm>>
      %dma_wait3A_501 = tpu.memref_squeeze %dma_wait3A_500 : memref<1x1x512xf32, #tpu.memory_space<hbm>> -> memref<512xf32, #tpu.memory_space<hbm>>
      %dma_wait3A_502 = tpu.memref_slice %arg28[%dma_wait3A_499] : memref<4x!tpu.dma_semaphore, #tpu.memory_space<semaphore_mem>> -> memref<1x!tpu.dma_semaphore, #tpu.memory_space<semaphore_mem>>
      %dma_wait3A_503 = tpu.memref_squeeze %dma_wait3A_502 : memref<1x!tpu.dma_semaphore, #tpu.memory_space<semaphore_mem>> -> memref<!tpu.dma_semaphore, #tpu.memory_space<semaphore_mem>>
      %dma_wait3A_504 = tpu.memref_slice %arg2[%dma_wait3A_497, %dma_wait3A_498, %sub3A_4] : memref<32x4x8192xf32, #tpu.memory_space<hbm>> -> memref<1x1x512xf32, #tpu.memory_space<hbm>>
      %dma_wait3A_505 = tpu.memref_squeeze %dma_wait3A_504 : memref<1x1x512xf32, #tpu.memory_space<hbm>> -> memref<512xf32, #tpu.memory_space<hbm>>
      tpu.wait_dma2 semaphore(%dma_wait3A_503 : memref<!tpu.dma_semaphore, #tpu.memory_space<semaphore_mem>>) src(%dma_wait3A_505 : memref<512xf32, #tpu.memory_space<hbm>>) dst(%arg18 : memref<512xf32, #tpu.memory_space<vmem>>)
      %dma_wait3A_506 = arith.constant 0 : i32
      %dma_wait3A_507 = arith.constant 3 : i32
      %dma_wait3A_508 = arith.constant 2 : i32
      %dma_wait3A_509 = tpu.memref_slice %arg2[%dma_wait3A_506, %dma_wait3A_507, %sub3A_4] : memref<32x4x8192xf32, #tpu.memory_space<hbm>> -> memref<1x1x512xf32, #tpu.memory_space<hbm>>
      %dma_wait3A_510 = tpu.memref_squeeze %dma_wait3A_509 : memref<1x1x512xf32, #tpu.memory_space<hbm>> -> memref<512xf32, #tpu.memory_space<hbm>>
      %dma_wait3A_511 = tpu.memref_slice %arg28[%dma_wait3A_508] : memref<4x!tpu.dma_semaphore, #tpu.memory_space<semaphore_mem>> -> memref<1x!tpu.dma_semaphore, #tpu.memory_space<semaphore_mem>>
      %dma_wait3A_512 = tpu.memref_squeeze %dma_wait3A_511 : memref<1x!tpu.dma_semaphore, #tpu.memory_space<semaphore_mem>> -> memref<!tpu.dma_semaphore, #tpu.memory_space<semaphore_mem>>
      %dma_wait3A_513 = tpu.memref_slice %arg2[%dma_wait3A_506, %dma_wait3A_507, %sub3A_4] : memref<32x4x8192xf32, #tpu.memory_space<hbm>> -> memref<1x1x512xf32, #tpu.memory_space<hbm>>
      %dma_wait3A_514 = tpu.memref_squeeze %dma_wait3A_513 : memref<1x1x512xf32, #tpu.memory_space<hbm>> -> memref<512xf32, #tpu.memory_space<hbm>>
      tpu.wait_dma2 semaphore(%dma_wait3A_512 : memref<!tpu.dma_semaphore, #tpu.memory_space<semaphore_mem>>) src(%dma_wait3A_514 : memref<512xf32, #tpu.memory_space<hbm>>) dst(%arg19 : memref<512xf32, #tpu.memory_space<vmem>>)
      %scan3A_515 = arith.constant 0 : i32
      %scan3A_516 = arith.constant 32 : i32
      %scan3A_517 = arith.addi %scan3A_515, %scan3A_516 : i32
      %scan3A_518 = arith.constant 2 : i32
      scf.for %scan3A_571 = %scan3A_515 to %scan3A_517 step %scan3A_518  : i32 {
        %mul3A_572 = arith.constant 1 : i32
        %mul3A_573 = arith.muli %scan3A_571, %mul3A_572 : i32
        %add3A_574 = arith.constant 0 : i32
        %add3A_575 = arith.addi %add3A_574, %mul3A_573 : i32
        %mul3A_576 = arith.constant 16 : i32
        %mul3A_577 = arith.muli %add3A_575, %mul3A_576 : i32
        %get3A_578 = arith.index_cast %mul3A_577 : i32 to index
        %get3A_579 = tpu.vector_load %arg4[%get3A_578] {strides = array<i32>} : memref<512xf32, #tpu.memory_space<vmem>>, vector<16xf32>,
        %get3A_580 = arith.index_cast %mul3A_577 : i32 to index
        %get3A_581 = tpu.vector_load %arg16[%get3A_580] {strides = array<i32>} : memref<512xf32, #tpu.memory_space<vmem>>, vector<16xf32>,
        %add3A_582 = arith.addf %get3A_579, %get3A_581 : vector<16xf32>
        %swap3A_583 = arith.index_cast %mul3A_577 : i32 to index
        %swap3A_584 = tpu.vector_load %arg4[%swap3A_583] {strides = array<i32>} : memref<512xf32, #tpu.memory_space<vmem>>, vector<16xf32>,
        tpu.vector_store %arg4[%swap3A_583], %add3A_582 {strides = array<i32>} : memref<512xf32, #tpu.memory_space<vmem>>, vector<16xf32>,
        %get3A_585 = arith.index_cast %mul3A_577 : i32 to index
        %get3A_586 = tpu.vector_load %arg5[%get3A_585] {strides = array<i32>} : memref<512xf32, #tpu.memory_space<vmem>>, vector<16xf32>,
        %get3A_587 = arith.index_cast %mul3A_577 : i32 to index
        %get3A_588 = tpu.vector_load %arg17[%get3A_587] {strides = array<i32>} : memref<512xf32, #tpu.memory_space<vmem>>, vector<16xf32>,
        %add3A_589 = arith.addf %get3A_586, %get3A_588 : vector<16xf32>
        %swap3A_590 = arith.index_cast %mul3A_577 : i32 to index
        %swap3A_591 = tpu.vector_load %arg5[%swap3A_590] {strides = array<i32>} : memref<512xf32, #tpu.memory_space<vmem>>, vector<16xf32>,
        tpu.vector_store %arg5[%swap3A_590], %add3A_589 {strides = array<i32>} : memref<512xf32, #tpu.memory_space<vmem>>, vector<16xf32>,
        %get3A_592 = arith.index_cast %mul3A_577 : i32 to index
        %get3A_593 = tpu.vector_load %arg6[%get3A_592] {strides = array<i32>} : memref<512xf32, #tpu.memory_space<vmem>>, vector<16xf32>,
        %get3A_594 = arith.index_cast %mul3A_577 : i32 to index
        %get3A_595 = tpu.vector_load %arg18[%get3A_594] {strides = array<i32>} : memref<512xf32, #tpu.memory_space<vmem>>, vector<16xf32>,
        %add3A_596 = arith.addf %get3A_593, %get3A_595 : vector<16xf32>
        %swap3A_597 = arith.index_cast %mul3A_577 : i32 to index
        %swap3A_598 = tpu.vector_load %arg6[%swap3A_597] {strides = array<i32>} : memref<512xf32, #tpu.memory_space<vmem>>, vector<16xf32>,
        tpu.vector_store %arg6[%swap3A_597], %add3A_596 {strides = array<i32>} : memref<512xf32, #tpu.memory_space<vmem>>, vector<16xf32>,
        %get3A_599 = arith.index_cast %mul3A_577 : i32 to index
        %get3A_600 = tpu.vector_load %arg7[%get3A_599] {strides = array<i32>} : memref<512xf32, #tpu.memory_space<vmem>>, vector<16xf32>,
        %get3A_601 = arith.index_cast %mul3A_577 : i32 to index
        %get3A_602 = tpu.vector_load %arg19[%get3A_601] {strides = array<i32>} : memref<512xf32, #tpu.memory_space<vmem>>, vector<16xf32>,
        %add3A_603 = arith.addf %get3A_600, %get3A_602 : vector<16xf32>
        %swap3A_604 = arith.index_cast %mul3A_577 : i32 to index
        %swap3A_605 = tpu.vector_load %arg7[%swap3A_604] {strides = array<i32>} : memref<512xf32, #tpu.memory_space<vmem>>, vector<16xf32>,
        tpu.vector_store %arg7[%swap3A_604], %add3A_603 {strides = array<i32>} : memref<512xf32, #tpu.memory_space<vmem>>, vector<16xf32>,
        %scan3A_606 = arith.constant 1 : i32
        %scan3A_607 = arith.addi %scan3A_571, %scan3A_606 : i32
        %mul3A_608 = arith.constant 1 : i32
        %mul3A_609 = arith.muli %scan3A_607, %mul3A_608 : i32
        %add3A_610 = arith.constant 0 : i32
        %add3A_611 = arith.addi %add3A_610, %mul3A_609 : i32
        %mul3A_612 = arith.constant 16 : i32
        %mul3A_613 = arith.muli %add3A_611, %mul3A_612 : i32
        %get3A_614 = arith.index_cast %mul3A_613 : i32 to index
        %get3A_615 = tpu.vector_load %arg4[%get3A_614] {strides = array<i32>} : memref<512xf32, #tpu.memory_space<vmem>>, vector<16xf32>,
        %get3A_616 = arith.index_cast %mul3A_613 : i32 to index
        %get3A_617 = tpu.vector_load %arg16[%get3A_616] {strides = array<i32>} : memref<512xf32, #tpu.memory_space<vmem>>, vector<16xf32>,
        %add3A_618 = arith.addf %get3A_615, %get3A_617 : vector<16xf32>
        %swap3A_619 = arith.index_cast %mul3A_613 : i32 to index
        %swap3A_620 = tpu.vector_load %arg4[%swap3A_619] {strides = array<i32>} : memref<512xf32, #tpu.memory_space<vmem>>, vector<16xf32>,
        tpu.vector_store %arg4[%swap3A_619], %add3A_618 {strides = array<i32>} : memref<512xf32, #tpu.memory_space<vmem>>, vector<16xf32>,
        %get3A_621 = arith.index_cast %mul3A_613 : i32 to index
        %get3A_622 = tpu.vector_load %arg5[%get3A_621] {strides = array<i32>} : memref<512xf32, #tpu.memory_space<vmem>>, vector<16xf32>,
        %get3A_623 = arith.index_cast %mul3A_613 : i32 to index
        %get3A_624 = tpu.vector_load %arg17[%get3A_623] {strides = array<i32>} : memref<512xf32, #tpu.memory_space<vmem>>, vector<16xf32>,
        %add3A_625 = arith.addf %get3A_622, %get3A_624 : vector<16xf32>
        %swap3A_626 = arith.index_cast %mul3A_613 : i32 to index
        %swap3A_627 = tpu.vector_load %arg5[%swap3A_626] {strides = array<i32>} : memref<512xf32, #tpu.memory_space<vmem>>, vector<16xf32>,
        tpu.vector_store %arg5[%swap3A_626], %add3A_625 {strides = array<i32>} : memref<512xf32, #tpu.memory_space<vmem>>, vector<16xf32>,
        %get3A_628 = arith.index_cast %mul3A_613 : i32 to index
        %get3A_629 = tpu.vector_load %arg6[%get3A_628] {strides = array<i32>} : memref<512xf32, #tpu.memory_space<vmem>>, vector<16xf32>,
        %get3A_630 = arith.index_cast %mul3A_613 : i32 to index
        %get3A_631 = tpu.vector_load %arg18[%get3A_630] {strides = array<i32>} : memref<512xf32, #tpu.memory_space<vmem>>, vector<16xf32>,
        %add3A_632 = arith.addf %get3A_629, %get3A_631 : vector<16xf32>
        %swap3A_633 = arith.index_cast %mul3A_613 : i32 to index
        %swap3A_634 = tpu.vector_load %arg6[%swap3A_633] {strides = array<i32>} : memref<512xf32, #tpu.memory_space<vmem>>, vector<16xf32>,
        tpu.vector_store %arg6[%swap3A_633], %add3A_632 {strides = array<i32>} : memref<512xf32, #tpu.memory_space<vmem>>, vector<16xf32>,
        %get3A_635 = arith.index_cast %mul3A_613 : i32 to index
        %get3A_636 = tpu.vector_load %arg7[%get3A_635] {strides = array<i32>} : memref<512xf32, #tpu.memory_space<vmem>>, vector<16xf32>,
        %get3A_637 = arith.index_cast %mul3A_613 : i32 to index
        %get3A_638 = tpu.vector_load %arg19[%get3A_637] {strides = array<i32>} : memref<512xf32, #tpu.memory_space<vmem>>, vector<16xf32>,
        %add3A_639 = arith.addf %get3A_636, %get3A_638 : vector<16xf32>
        %swap3A_640 = arith.index_cast %mul3A_613 : i32 to index
        %swap3A_641 = tpu.vector_load %arg7[%swap3A_640] {strides = array<i32>} : memref<512xf32, #tpu.memory_space<vmem>>, vector<16xf32>,
        tpu.vector_store %arg7[%swap3A_640], %add3A_639 {strides = array<i32>} : memref<512xf32, #tpu.memory_space<vmem>>, vector<16xf32>,
      }
      %scan3A_519 = arith.constant 32 : i32
      %lt3A_520 = arith.constant 7 : i32
      %lt3A_521 = arith.cmpi slt, %scan3A_388, %lt3A_520 : i32
      %convert_element_type3A_522 = arith.extui %lt3A_521 : i1 to i32
      %cond3A_523 = arith.constant 0 : i32
      %cond3A_524 = arith.cmpi ne, %convert_element_type3A_522, %cond3A_523 : i32
      scf.if %cond3A_524 {
        %mul3A_571 = arith.constant 4 : i32
        %mul3A_572 = arith.muli %mul3A_571, %scan3A_388 : i32
        %add3A_573 = arith.constant 4 : i32
        %add3A_574 = arith.addi %mul3A_572, %add3A_573 : i32
        %add3A_575 = arith.constant 2 : i32
        %add3A_576 = arith.addi %add3A_574, %add3A_575 : i32
        %dma_start3A_577 = arith.constant 0 : i32
        %dma_start3A_578 = arith.constant 2 : i32
        %dma_start3A_579 = tpu.memref_slice %arg2[%add3A_576, %dma_start3A_577, %sub3A_4] : memref<32x4x8192xf32, #tpu.memory_space<hbm>> -> memref<1x1x512xf32, #tpu.memory_space<hbm>>
        %dma_start3A_580 = tpu.memref_squeeze %dma_start3A_579 : memref<1x1x512xf32, #tpu.memory_space<hbm>> -> memref<512xf32, #tpu.memory_space<hbm>>
        %dma_start3A_581 = tpu.memref_slice %arg28[%dma_start3A_578] : memref<4x!tpu.dma_semaphore, #tpu.memory_space<semaphore_mem>> -> memref<1x!tpu.dma_semaphore, #tpu.memory_space<semaphore_mem>>
        %dma_start3A_582 = tpu.memref_squeeze %dma_start3A_581 : memref<1x!tpu.dma_semaphore, #tpu.memory_space<semaphore_mem>> -> memref<!tpu.dma_semaphore, #tpu.memory_space<semaphore_mem>>
        %dma_start3A_583 = tpu.memref_slice %arg2[%add3A_576, %dma_start3A_577, %sub3A_4] : memref<32x4x8192xf32, #tpu.memory_space<hbm>> -> memref<1x1x512xf32, #tpu.memory_space<hbm>>
        %dma_start3A_584 = tpu.memref_squeeze %dma_start3A_583 : memref<1x1x512xf32, #tpu.memory_space<hbm>> -> memref<512xf32, #tpu.memory_space<hbm>>
        tpu.enqueue_dma source(%dma_start3A_584 : memref<512xf32, #tpu.memory_space<hbm>>) target(%arg16 : memref<512xf32, #tpu.memory_space<vmem>>) target_semaphore(%dma_start3A_582 : memref<!tpu.dma_semaphore, #tpu.memory_space<semaphore_mem>>)
        %dma_start3A_585 = arith.constant 1 : i32
        %dma_start3A_586 = arith.constant 2 : i32
        %dma_start3A_587 = tpu.memref_slice %arg2[%add3A_576, %dma_start3A_585, %sub3A_4] : memref<32x4x8192xf32, #tpu.memory_space<hbm>> -> memref<1x1x512xf32, #tpu.memory_space<hbm>>
        %dma_start3A_588 = tpu.memref_squeeze %dma_start3A_587 : memref<1x1x512xf32, #tpu.memory_space<hbm>> -> memref<512xf32, #tpu.memory_space<hbm>>
        %dma_start3A_589 = tpu.memref_slice %arg28[%dma_start3A_586] : memref<4x!tpu.dma_semaphore, #tpu.memory_space<semaphore_mem>> -> memref<1x!tpu.dma_semaphore, #tpu.memory_space<semaphore_mem>>
        %dma_start3A_590 = tpu.memref_squeeze %dma_start3A_589 : memref<1x!tpu.dma_semaphore, #tpu.memory_space<semaphore_mem>> -> memref<!tpu.dma_semaphore, #tpu.memory_space<semaphore_mem>>
        %dma_start3A_591 = tpu.memref_slice %arg2[%add3A_576, %dma_start3A_585, %sub3A_4] : memref<32x4x8192xf32, #tpu.memory_space<hbm>> -> memref<1x1x512xf32, #tpu.memory_space<hbm>>
        %dma_start3A_592 = tpu.memref_squeeze %dma_start3A_591 : memref<1x1x512xf32, #tpu.memory_space<hbm>> -> memref<512xf32, #tpu.memory_space<hbm>>
        tpu.enqueue_dma source(%dma_start3A_592 : memref<512xf32, #tpu.memory_space<hbm>>) target(%arg17 : memref<512xf32, #tpu.memory_space<vmem>>) target_semaphore(%dma_start3A_590 : memref<!tpu.dma_semaphore, #tpu.memory_space<semaphore_mem>>)
        %dma_start3A_593 = arith.constant 2 : i32
        %dma_start3A_594 = arith.constant 2 : i32
        %dma_start3A_595 = tpu.memref_slice %arg2[%add3A_576, %dma_start3A_593, %sub3A_4] : memref<32x4x8192xf32, #tpu.memory_space<hbm>> -> memref<1x1x512xf32, #tpu.memory_space<hbm>>
        %dma_start3A_596 = tpu.memref_squeeze %dma_start3A_595 : memref<1x1x512xf32, #tpu.memory_space<hbm>> -> memref<512xf32, #tpu.memory_space<hbm>>
        %dma_start3A_597 = tpu.memref_slice %arg28[%dma_start3A_594] : memref<4x!tpu.dma_semaphore, #tpu.memory_space<semaphore_mem>> -> memref<1x!tpu.dma_semaphore, #tpu.memory_space<semaphore_mem>>
        %dma_start3A_598 = tpu.memref_squeeze %dma_start3A_597 : memref<1x!tpu.dma_semaphore, #tpu.memory_space<semaphore_mem>> -> memref<!tpu.dma_semaphore, #tpu.memory_space<semaphore_mem>>
        %dma_start3A_599 = tpu.memref_slice %arg2[%add3A_576, %dma_start3A_593, %sub3A_4] : memref<32x4x8192xf32, #tpu.memory_space<hbm>> -> memref<1x1x512xf32, #tpu.memory_space<hbm>>
        %dma_start3A_600 = tpu.memref_squeeze %dma_start3A_599 : memref<1x1x512xf32, #tpu.memory_space<hbm>> -> memref<512xf32, #tpu.memory_space<hbm>>
        tpu.enqueue_dma source(%dma_start3A_600 : memref<512xf32, #tpu.memory_space<hbm>>) target(%arg18 : memref<512xf32, #tpu.memory_space<vmem>>) target_semaphore(%dma_start3A_598 : memref<!tpu.dma_semaphore, #tpu.memory_space<semaphore_mem>>)
        %dma_start3A_601 = arith.constant 3 : i32
        %dma_start3A_602 = arith.constant 2 : i32
        %dma_start3A_603 = tpu.memref_slice %arg2[%add3A_576, %dma_start3A_601, %sub3A_4] : memref<32x4x8192xf32, #tpu.memory_space<hbm>> -> memref<1x1x512xf32, #tpu.memory_space<hbm>>
        %dma_start3A_604 = tpu.memref_squeeze %dma_start3A_603 : memref<1x1x512xf32, #tpu.memory_space<hbm>> -> memref<512xf32, #tpu.memory_space<hbm>>
        %dma_start3A_605 = tpu.memref_slice %arg28[%dma_start3A_602] : memref<4x!tpu.dma_semaphore, #tpu.memory_space<semaphore_mem>> -> memref<1x!tpu.dma_semaphore, #tpu.memory_space<semaphore_mem>>
        %dma_start3A_606 = tpu.memref_squeeze %dma_start3A_605 : memref<1x!tpu.dma_semaphore, #tpu.memory_space<semaphore_mem>> -> memref<!tpu.dma_semaphore, #tpu.memory_space<semaphore_mem>>
        %dma_start3A_607 = tpu.memref_slice %arg2[%add3A_576, %dma_start3A_601, %sub3A_4] : memref<32x4x8192xf32, #tpu.memory_space<hbm>> -> memref<1x1x512xf32, #tpu.memory_space<hbm>>
        %dma_start3A_608 = tpu.memref_squeeze %dma_start3A_607 : memref<1x1x512xf32, #tpu.memory_space<hbm>> -> memref<512xf32, #tpu.memory_space<hbm>>
        tpu.enqueue_dma source(%dma_start3A_608 : memref<512xf32, #tpu.memory_space<hbm>>) target(%arg19 : memref<512xf32, #tpu.memory_space<vmem>>) target_semaphore(%dma_start3A_606 : memref<!tpu.dma_semaphore, #tpu.memory_space<semaphore_mem>>)
      } else {
      }
      %dma_wait3A_525 = arith.constant 0 : i32
      %dma_wait3A_526 = arith.constant 0 : i32
      %dma_wait3A_527 = arith.constant 3 : i32
      %dma_wait3A_528 = tpu.memref_slice %arg2[%dma_wait3A_525, %dma_wait3A_526, %sub3A_4] : memref<32x4x8192xf32, #tpu.memory_space<hbm>> -> memref<1x1x512xf32, #tpu.memory_space<hbm>>
      %dma_wait3A_529 = tpu.memref_squeeze %dma_wait3A_528 : memref<1x1x512xf32, #tpu.memory_space<hbm>> -> memref<512xf32, #tpu.memory_space<hbm>>
      %dma_wait3A_530 = tpu.memref_slice %arg28[%dma_wait3A_527] : memref<4x!tpu.dma_semaphore, #tpu.memory_space<semaphore_mem>> -> memref<1x!tpu.dma_semaphore, #tpu.memory_space<semaphore_mem>>
      %dma_wait3A_531 = tpu.memref_squeeze %dma_wait3A_530 : memref<1x!tpu.dma_semaphore, #tpu.memory_space<semaphore_mem>> -> memref<!tpu.dma_semaphore, #tpu.memory_space<semaphore_mem>>
      %dma_wait3A_532 = tpu.memref_slice %arg2[%dma_wait3A_525, %dma_wait3A_526, %sub3A_4] : memref<32x4x8192xf32, #tpu.memory_space<hbm>> -> memref<1x1x512xf32, #tpu.memory_space<hbm>>
      %dma_wait3A_533 = tpu.memref_squeeze %dma_wait3A_532 : memref<1x1x512xf32, #tpu.memory_space<hbm>> -> memref<512xf32, #tpu.memory_space<hbm>>
      tpu.wait_dma2 semaphore(%dma_wait3A_531 : memref<!tpu.dma_semaphore, #tpu.memory_space<semaphore_mem>>) src(%dma_wait3A_533 : memref<512xf32, #tpu.memory_space<hbm>>) dst(%arg20 : memref<512xf32, #tpu.memory_space<vmem>>)
      %dma_wait3A_534 = arith.constant 0 : i32
      %dma_wait3A_535 = arith.constant 1 : i32
      %dma_wait3A_536 = arith.constant 3 : i32
      %dma_wait3A_537 = tpu.memref_slice %arg2[%dma_wait3A_534, %dma_wait3A_535, %sub3A_4] : memref<32x4x8192xf32, #tpu.memory_space<hbm>> -> memref<1x1x512xf32, #tpu.memory_space<hbm>>
      %dma_wait3A_538 = tpu.memref_squeeze %dma_wait3A_537 : memref<1x1x512xf32, #tpu.memory_space<hbm>> -> memref<512xf32, #tpu.memory_space<hbm>>
      %dma_wait3A_539 = tpu.memref_slice %arg28[%dma_wait3A_536] : memref<4x!tpu.dma_semaphore, #tpu.memory_space<semaphore_mem>> -> memref<1x!tpu.dma_semaphore, #tpu.memory_space<semaphore_mem>>
      %dma_wait3A_540 = tpu.memref_squeeze %dma_wait3A_539 : memref<1x!tpu.dma_semaphore, #tpu.memory_space<semaphore_mem>> -> memref<!tpu.dma_semaphore, #tpu.memory_space<semaphore_mem>>
      %dma_wait3A_541 = tpu.memref_slice %arg2[%dma_wait3A_534, %dma_wait3A_535, %sub3A_4] : memref<32x4x8192xf32, #tpu.memory_space<hbm>> -> memref<1x1x512xf32, #tpu.memory_space<hbm>>
      %dma_wait3A_542 = tpu.memref_squeeze %dma_wait3A_541 : memref<1x1x512xf32, #tpu.memory_space<hbm>> -> memref<512xf32, #tpu.memory_space<hbm>>
      tpu.wait_dma2 semaphore(%dma_wait3A_540 : memref<!tpu.dma_semaphore, #tpu.memory_space<semaphore_mem>>) src(%dma_wait3A_542 : memref<512xf32, #tpu.memory_space<hbm>>) dst(%arg21 : memref<512xf32, #tpu.memory_space<vmem>>)
      %dma_wait3A_543 = arith.constant 0 : i32
      %dma_wait3A_544 = arith.constant 2 : i32
      %dma_wait3A_545 = arith.constant 3 : i32
      %dma_wait3A_546 = tpu.memref_slice %arg2[%dma_wait3A_543, %dma_wait3A_544, %sub3A_4] : memref<32x4x8192xf32, #tpu.memory_space<hbm>> -> memref<1x1x512xf32, #tpu.memory_space<hbm>>
      %dma_wait3A_547 = tpu.memref_squeeze %dma_wait3A_546 : memref<1x1x512xf32, #tpu.memory_space<hbm>> -> memref<512xf32, #tpu.memory_space<hbm>>
      %dma_wait3A_548 = tpu.memref_slice %arg28[%dma_wait3A_545] : memref<4x!tpu.dma_semaphore, #tpu.memory_space<semaphore_mem>> -> memref<1x!tpu.dma_semaphore, #tpu.memory_space<semaphore_mem>>
      %dma_wait3A_549 = tpu.memref_squeeze %dma_wait3A_548 : memref<1x!tpu.dma_semaphore, #tpu.memory_space<semaphore_mem>> -> memref<!tpu.dma_semaphore, #tpu.memory_space<semaphore_mem>>
      %dma_wait3A_550 = tpu.memref_slice %arg2[%dma_wait3A_543, %dma_wait3A_544, %sub3A_4] : memref<32x4x8192xf32, #tpu.memory_space<hbm>> -> memref<1x1x512xf32, #tpu.memory_space<hbm>>
      %dma_wait3A_551 = tpu.memref_squeeze %dma_wait3A_550 : memref<1x1x512xf32, #tpu.memory_space<hbm>> -> memref<512xf32, #tpu.memory_space<hbm>>
      tpu.wait_dma2 semaphore(%dma_wait3A_549 : memref<!tpu.dma_semaphore, #tpu.memory_space<semaphore_mem>>) src(%dma_wait3A_551 : memref<512xf32, #tpu.memory_space<hbm>>) dst(%arg22 : memref<512xf32, #tpu.memory_space<vmem>>)
      %dma_wait3A_552 = arith.constant 0 : i32
      %dma_wait3A_553 = arith.constant 3 : i32
      %dma_wait3A_554 = arith.constant 3 : i32
      %dma_wait3A_555 = tpu.memref_slice %arg2[%dma_wait3A_552, %dma_wait3A_553, %sub3A_4] : memref<32x4x8192xf32, #tpu.memory_space<hbm>> -> memref<1x1x512xf32, #tpu.memory_space<hbm>>
      %dma_wait3A_556 = tpu.memref_squeeze %dma_wait3A_555 : memref<1x1x512xf32, #tpu.memory_space<hbm>> -> memref<512xf32, #tpu.memory_space<hbm>>
      %dma_wait3A_557 = tpu.memref_slice %arg28[%dma_wait3A_554] : memref<4x!tpu.dma_semaphore, #tpu.memory_space<semaphore_mem>> -> memref<1x!tpu.dma_semaphore, #tpu.memory_space<semaphore_mem>>
      %dma_wait3A_558 = tpu.memref_squeeze %dma_wait3A_557 : memref<1x!tpu.dma_semaphore, #tpu.memory_space<semaphore_mem>> -> memref<!tpu.dma_semaphore, #tpu.memory_space<semaphore_mem>>
      %dma_wait3A_559 = tpu.memref_slice %arg2[%dma_wait3A_552, %dma_wait3A_553, %sub3A_4] : memref<32x4x8192xf32, #tpu.memory_space<hbm>> -> memref<1x1x512xf32, #tpu.memory_space<hbm>>
      %dma_wait3A_560 = tpu.memref_squeeze %dma_wait3A_559 : memref<1x1x512xf32, #tpu.memory_space<hbm>> -> memref<512xf32, #tpu.memory_space<hbm>>
      tpu.wait_dma2 semaphore(%dma_wait3A_558 : memref<!tpu.dma_semaphore, #tpu.memory_space<semaphore_mem>>) src(%dma_wait3A_560 : memref<512xf32, #tpu.memory_space<hbm>>) dst(%arg23 : memref<512xf32, #tpu.memory_space<vmem>>)
      %scan3A_561 = arith.constant 0 : i32
      %scan3A_562 = arith.constant 32 : i32
      %scan3A_563 = arith.addi %scan3A_561, %scan3A_562 : i32
      %scan3A_564 = arith.constant 2 : i32
      scf.for %scan3A_571 = %scan3A_561 to %scan3A_563 step %scan3A_564  : i32 {
        %mul3A_572 = arith.constant 1 : i32
        %mul3A_573 = arith.muli %scan3A_571, %mul3A_572 : i32
        %add3A_574 = arith.constant 0 : i32
        %add3A_575 = arith.addi %add3A_574, %mul3A_573 : i32
        %mul3A_576 = arith.constant 16 : i32
        %mul3A_577 = arith.muli %add3A_575, %mul3A_576 : i32
        %get3A_578 = arith.index_cast %mul3A_577 : i32 to index
        %get3A_579 = tpu.vector_load %arg4[%get3A_578] {strides = array<i32>} : memref<512xf32, #tpu.memory_space<vmem>>, vector<16xf32>,
        %get3A_580 = arith.index_cast %mul3A_577 : i32 to index
        %get3A_581 = tpu.vector_load %arg20[%get3A_580] {strides = array<i32>} : memref<512xf32, #tpu.memory_space<vmem>>, vector<16xf32>,
        %add3A_582 = arith.addf %get3A_579, %get3A_581 : vector<16xf32>
        %swap3A_583 = arith.index_cast %mul3A_577 : i32 to index
        %swap3A_584 = tpu.vector_load %arg4[%swap3A_583] {strides = array<i32>} : memref<512xf32, #tpu.memory_space<vmem>>, vector<16xf32>,
        tpu.vector_store %arg4[%swap3A_583], %add3A_582 {strides = array<i32>} : memref<512xf32, #tpu.memory_space<vmem>>, vector<16xf32>,
        %get3A_585 = arith.index_cast %mul3A_577 : i32 to index
        %get3A_586 = tpu.vector_load %arg5[%get3A_585] {strides = array<i32>} : memref<512xf32, #tpu.memory_space<vmem>>, vector<16xf32>,
        %get3A_587 = arith.index_cast %mul3A_577 : i32 to index
        %get3A_588 = tpu.vector_load %arg21[%get3A_587] {strides = array<i32>} : memref<512xf32, #tpu.memory_space<vmem>>, vector<16xf32>,
        %add3A_589 = arith.addf %get3A_586, %get3A_588 : vector<16xf32>
        %swap3A_590 = arith.index_cast %mul3A_577 : i32 to index
        %swap3A_591 = tpu.vector_load %arg5[%swap3A_590] {strides = array<i32>} : memref<512xf32, #tpu.memory_space<vmem>>, vector<16xf32>,
        tpu.vector_store %arg5[%swap3A_590], %add3A_589 {strides = array<i32>} : memref<512xf32, #tpu.memory_space<vmem>>, vector<16xf32>,
        %get3A_592 = arith.index_cast %mul3A_577 : i32 to index
        %get3A_593 = tpu.vector_load %arg6[%get3A_592] {strides = array<i32>} : memref<512xf32, #tpu.memory_space<vmem>>, vector<16xf32>,
        %get3A_594 = arith.index_cast %mul3A_577 : i32 to index
        %get3A_595 = tpu.vector_load %arg22[%get3A_594] {strides = array<i32>} : memref<512xf32, #tpu.memory_space<vmem>>, vector<16xf32>,
        %add3A_596 = arith.addf %get3A_593, %get3A_595 : vector<16xf32>
        %swap3A_597 = arith.index_cast %mul3A_577 : i32 to index
        %swap3A_598 = tpu.vector_load %arg6[%swap3A_597] {strides = array<i32>} : memref<512xf32, #tpu.memory_space<vmem>>, vector<16xf32>,
        tpu.vector_store %arg6[%swap3A_597], %add3A_596 {strides = array<i32>} : memref<512xf32, #tpu.memory_space<vmem>>, vector<16xf32>,
        %get3A_599 = arith.index_cast %mul3A_577 : i32 to index
        %get3A_600 = tpu.vector_load %arg7[%get3A_599] {strides = array<i32>} : memref<512xf32, #tpu.memory_space<vmem>>, vector<16xf32>,
        %get3A_601 = arith.index_cast %mul3A_577 : i32 to index
        %get3A_602 = tpu.vector_load %arg23[%get3A_601] {strides = array<i32>} : memref<512xf32, #tpu.memory_space<vmem>>, vector<16xf32>,
        %add3A_603 = arith.addf %get3A_600, %get3A_602 : vector<16xf32>
        %swap3A_604 = arith.index_cast %mul3A_577 : i32 to index
        %swap3A_605 = tpu.vector_load %arg7[%swap3A_604] {strides = array<i32>} : memref<512xf32, #tpu.memory_space<vmem>>, vector<16xf32>,
        tpu.vector_store %arg7[%swap3A_604], %add3A_603 {strides = array<i32>} : memref<512xf32, #tpu.memory_space<vmem>>, vector<16xf32>,
        %scan3A_606 = arith.constant 1 : i32
        %scan3A_607 = arith.addi %scan3A_571, %scan3A_606 : i32
        %mul3A_608 = arith.constant 1 : i32
        %mul3A_609 = arith.muli %scan3A_607, %mul3A_608 : i32
        %add3A_610 = arith.constant 0 : i32
        %add3A_611 = arith.addi %add3A_610, %mul3A_609 : i32
        %mul3A_612 = arith.constant 16 : i32
        %mul3A_613 = arith.muli %add3A_611, %mul3A_612 : i32
        %get3A_614 = arith.index_cast %mul3A_613 : i32 to index
        %get3A_615 = tpu.vector_load %arg4[%get3A_614] {strides = array<i32>} : memref<512xf32, #tpu.memory_space<vmem>>, vector<16xf32>,
        %get3A_616 = arith.index_cast %mul3A_613 : i32 to index
        %get3A_617 = tpu.vector_load %arg20[%get3A_616] {strides = array<i32>} : memref<512xf32, #tpu.memory_space<vmem>>, vector<16xf32>,
        %add3A_618 = arith.addf %get3A_615, %get3A_617 : vector<16xf32>
        %swap3A_619 = arith.index_cast %mul3A_613 : i32 to index
        %swap3A_620 = tpu.vector_load %arg4[%swap3A_619] {strides = array<i32>} : memref<512xf32, #tpu.memory_space<vmem>>, vector<16xf32>,
        tpu.vector_store %arg4[%swap3A_619], %add3A_618 {strides = array<i32>} : memref<512xf32, #tpu.memory_space<vmem>>, vector<16xf32>,
        %get3A_621 = arith.index_cast %mul3A_613 : i32 to index
        %get3A_622 = tpu.vector_load %arg5[%get3A_621] {strides = array<i32>} : memref<512xf32, #tpu.memory_space<vmem>>, vector<16xf32>,
        %get3A_623 = arith.index_cast %mul3A_613 : i32 to index
        %get3A_624 = tpu.vector_load %arg21[%get3A_623] {strides = array<i32>} : memref<512xf32, #tpu.memory_space<vmem>>, vector<16xf32>,
        %add3A_625 = arith.addf %get3A_622, %get3A_624 : vector<16xf32>
        %swap3A_626 = arith.index_cast %mul3A_613 : i32 to index
        %swap3A_627 = tpu.vector_load %arg5[%swap3A_626] {strides = array<i32>} : memref<512xf32, #tpu.memory_space<vmem>>, vector<16xf32>,
        tpu.vector_store %arg5[%swap3A_626], %add3A_625 {strides = array<i32>} : memref<512xf32, #tpu.memory_space<vmem>>, vector<16xf32>,
        %get3A_628 = arith.index_cast %mul3A_613 : i32 to index
        %get3A_629 = tpu.vector_load %arg6[%get3A_628] {strides = array<i32>} : memref<512xf32, #tpu.memory_space<vmem>>, vector<16xf32>,
        %get3A_630 = arith.index_cast %mul3A_613 : i32 to index
        %get3A_631 = tpu.vector_load %arg22[%get3A_630] {strides = array<i32>} : memref<512xf32, #tpu.memory_space<vmem>>, vector<16xf32>,
        %add3A_632 = arith.addf %get3A_629, %get3A_631 : vector<16xf32>
        %swap3A_633 = arith.index_cast %mul3A_613 : i32 to index
        %swap3A_634 = tpu.vector_load %arg6[%swap3A_633] {strides = array<i32>} : memref<512xf32, #tpu.memory_space<vmem>>, vector<16xf32>,
        tpu.vector_store %arg6[%swap3A_633], %add3A_632 {strides = array<i32>} : memref<512xf32, #tpu.memory_space<vmem>>, vector<16xf32>,
        %get3A_635 = arith.index_cast %mul3A_613 : i32 to index
        %get3A_636 = tpu.vector_load %arg7[%get3A_635] {strides = array<i32>} : memref<512xf32, #tpu.memory_space<vmem>>, vector<16xf32>,
        %get3A_637 = arith.index_cast %mul3A_613 : i32 to index
        %get3A_638 = tpu.vector_load %arg23[%get3A_637] {strides = array<i32>} : memref<512xf32, #tpu.memory_space<vmem>>, vector<16xf32>,
        %add3A_639 = arith.addf %get3A_636, %get3A_638 : vector<16xf32>
        %swap3A_640 = arith.index_cast %mul3A_613 : i32 to index
        %swap3A_641 = tpu.vector_load %arg7[%swap3A_640] {strides = array<i32>} : memref<512xf32, #tpu.memory_space<vmem>>, vector<16xf32>,
        tpu.vector_store %arg7[%swap3A_640], %add3A_639 {strides = array<i32>} : memref<512xf32, #tpu.memory_space<vmem>>, vector<16xf32>,
      }
      %scan3A_565 = arith.constant 32 : i32
      %lt3A_566 = arith.constant 7 : i32
      %lt3A_567 = arith.cmpi slt, %scan3A_388, %lt3A_566 : i32
      %convert_element_type3A_568 = arith.extui %lt3A_567 : i1 to i32
      %cond3A_569 = arith.constant 0 : i32
      %cond3A_570 = arith.cmpi ne, %convert_element_type3A_568, %cond3A_569 : i32
      scf.if %cond3A_570 {
        %mul3A_571 = arith.constant 4 : i32
        %mul3A_572 = arith.muli %mul3A_571, %scan3A_388 : i32
        %add3A_573 = arith.constant 4 : i32
        %add3A_574 = arith.addi %mul3A_572, %add3A_573 : i32
        %add3A_575 = arith.constant 3 : i32
        %add3A_576 = arith.addi %add3A_574, %add3A_575 : i32
        %dma_start3A_577 = arith.constant 0 : i32
        %dma_start3A_578 = arith.constant 3 : i32
        %dma_start3A_579 = tpu.memref_slice %arg2[%add3A_576, %dma_start3A_577, %sub3A_4] : memref<32x4x8192xf32, #tpu.memory_space<hbm>> -> memref<1x1x512xf32, #tpu.memory_space<hbm>>
        %dma_start3A_580 = tpu.memref_squeeze %dma_start3A_579 : memref<1x1x512xf32, #tpu.memory_space<hbm>> -> memref<512xf32, #tpu.memory_space<hbm>>
        %dma_start3A_581 = tpu.memref_slice %arg28[%dma_start3A_578] : memref<4x!tpu.dma_semaphore, #tpu.memory_space<semaphore_mem>> -> memref<1x!tpu.dma_semaphore, #tpu.memory_space<semaphore_mem>>
        %dma_start3A_582 = tpu.memref_squeeze %dma_start3A_581 : memref<1x!tpu.dma_semaphore, #tpu.memory_space<semaphore_mem>> -> memref<!tpu.dma_semaphore, #tpu.memory_space<semaphore_mem>>
        %dma_start3A_583 = tpu.memref_slice %arg2[%add3A_576, %dma_start3A_577, %sub3A_4] : memref<32x4x8192xf32, #tpu.memory_space<hbm>> -> memref<1x1x512xf32, #tpu.memory_space<hbm>>
        %dma_start3A_584 = tpu.memref_squeeze %dma_start3A_583 : memref<1x1x512xf32, #tpu.memory_space<hbm>> -> memref<512xf32, #tpu.memory_space<hbm>>
        tpu.enqueue_dma source(%dma_start3A_584 : memref<512xf32, #tpu.memory_space<hbm>>) target(%arg20 : memref<512xf32, #tpu.memory_space<vmem>>) target_semaphore(%dma_start3A_582 : memref<!tpu.dma_semaphore, #tpu.memory_space<semaphore_mem>>)
        %dma_start3A_585 = arith.constant 1 : i32
        %dma_start3A_586 = arith.constant 3 : i32
        %dma_start3A_587 = tpu.memref_slice %arg2[%add3A_576, %dma_start3A_585, %sub3A_4] : memref<32x4x8192xf32, #tpu.memory_space<hbm>> -> memref<1x1x512xf32, #tpu.memory_space<hbm>>
        %dma_start3A_588 = tpu.memref_squeeze %dma_start3A_587 : memref<1x1x512xf32, #tpu.memory_space<hbm>> -> memref<512xf32, #tpu.memory_space<hbm>>
        %dma_start3A_589 = tpu.memref_slice %arg28[%dma_start3A_586] : memref<4x!tpu.dma_semaphore, #tpu.memory_space<semaphore_mem>> -> memref<1x!tpu.dma_semaphore, #tpu.memory_space<semaphore_mem>>
        %dma_start3A_590 = tpu.memref_squeeze %dma_start3A_589 : memref<1x!tpu.dma_semaphore, #tpu.memory_space<semaphore_mem>> -> memref<!tpu.dma_semaphore, #tpu.memory_space<semaphore_mem>>
        %dma_start3A_591 = tpu.memref_slice %arg2[%add3A_576, %dma_start3A_585, %sub3A_4] : memref<32x4x8192xf32, #tpu.memory_space<hbm>> -> memref<1x1x512xf32, #tpu.memory_space<hbm>>
        %dma_start3A_592 = tpu.memref_squeeze %dma_start3A_591 : memref<1x1x512xf32, #tpu.memory_space<hbm>> -> memref<512xf32, #tpu.memory_space<hbm>>
        tpu.enqueue_dma source(%dma_start3A_592 : memref<512xf32, #tpu.memory_space<hbm>>) target(%arg21 : memref<512xf32, #tpu.memory_space<vmem>>) target_semaphore(%dma_start3A_590 : memref<!tpu.dma_semaphore, #tpu.memory_space<semaphore_mem>>)
        %dma_start3A_593 = arith.constant 2 : i32
        %dma_start3A_594 = arith.constant 3 : i32
        %dma_start3A_595 = tpu.memref_slice %arg2[%add3A_576, %dma_start3A_593, %sub3A_4] : memref<32x4x8192xf32, #tpu.memory_space<hbm>> -> memref<1x1x512xf32, #tpu.memory_space<hbm>>
        %dma_start3A_596 = tpu.memref_squeeze %dma_start3A_595 : memref<1x1x512xf32, #tpu.memory_space<hbm>> -> memref<512xf32, #tpu.memory_space<hbm>>
        %dma_start3A_597 = tpu.memref_slice %arg28[%dma_start3A_594] : memref<4x!tpu.dma_semaphore, #tpu.memory_space<semaphore_mem>> -> memref<1x!tpu.dma_semaphore, #tpu.memory_space<semaphore_mem>>
        %dma_start3A_598 = tpu.memref_squeeze %dma_start3A_597 : memref<1x!tpu.dma_semaphore, #tpu.memory_space<semaphore_mem>> -> memref<!tpu.dma_semaphore, #tpu.memory_space<semaphore_mem>>
        %dma_start3A_599 = tpu.memref_slice %arg2[%add3A_576, %dma_start3A_593, %sub3A_4] : memref<32x4x8192xf32, #tpu.memory_space<hbm>> -> memref<1x1x512xf32, #tpu.memory_space<hbm>>
        %dma_start3A_600 = tpu.memref_squeeze %dma_start3A_599 : memref<1x1x512xf32, #tpu.memory_space<hbm>> -> memref<512xf32, #tpu.memory_space<hbm>>
        tpu.enqueue_dma source(%dma_start3A_600 : memref<512xf32, #tpu.memory_space<hbm>>) target(%arg22 : memref<512xf32, #tpu.memory_space<vmem>>) target_semaphore(%dma_start3A_598 : memref<!tpu.dma_semaphore, #tpu.memory_space<semaphore_mem>>)
        %dma_start3A_601 = arith.constant 3 : i32
        %dma_start3A_602 = arith.constant 3 : i32
        %dma_start3A_603 = tpu.memref_slice %arg2[%add3A_576, %dma_start3A_601, %sub3A_4] : memref<32x4x8192xf32, #tpu.memory_space<hbm>> -> memref<1x1x512xf32, #tpu.memory_space<hbm>>
        %dma_start3A_604 = tpu.memref_squeeze %dma_start3A_603 : memref<1x1x512xf32, #tpu.memory_space<hbm>> -> memref<512xf32, #tpu.memory_space<hbm>>
        %dma_start3A_605 = tpu.memref_slice %arg28[%dma_start3A_602] : memref<4x!tpu.dma_semaphore, #tpu.memory_space<semaphore_mem>> -> memref<1x!tpu.dma_semaphore, #tpu.memory_space<semaphore_mem>>
        %dma_start3A_606 = tpu.memref_squeeze %dma_start3A_605 : memref<1x!tpu.dma_semaphore, #tpu.memory_space<semaphore_mem>> -> memref<!tpu.dma_semaphore, #tpu.memory_space<semaphore_mem>>
        %dma_start3A_607 = tpu.memref_slice %arg2[%add3A_576, %dma_start3A_601, %sub3A_4] : memref<32x4x8192xf32, #tpu.memory_space<hbm>> -> memref<1x1x512xf32, #tpu.memory_space<hbm>>
        %dma_start3A_608 = tpu.memref_squeeze %dma_start3A_607 : memref<1x1x512xf32, #tpu.memory_space<hbm>> -> memref<512xf32, #tpu.memory_space<hbm>>
        tpu.enqueue_dma source(%dma_start3A_608 : memref<512xf32, #tpu.memory_space<hbm>>) target(%arg23 : memref<512xf32, #tpu.memory_space<vmem>>) target_semaphore(%dma_start3A_606 : memref<!tpu.dma_semaphore, #tpu.memory_space<semaphore_mem>>)
      } else {
      }
    }
    %scan3A_158 = arith.constant 8 : i32
    %scan3A_159 = arith.constant 0 : i32
    %scan3A_160 = arith.constant 32 : i32
    %scan3A_161 = arith.addi %scan3A_159, %scan3A_160 : i32
    %scan3A_162 = arith.constant 1 : i32
    %scan3A_163:3 = scf.for %scan3A_388 = %scan3A_159 to %scan3A_161 step %scan3A_162 iter_args(%scan3A_389 = %broadcast_in_dim3A_5, %scan3A_390 = %broadcast_in_dim3A_5, %scan3A_391 = %broadcast_in_dim3A_5) -> (vector<16xf32>, vector<16xf32>, vector<16xf32>)  : i32 {
      %mul3A_392 = arith.constant 16 : i32
      %mul3A_393 = arith.muli %scan3A_388, %mul3A_392 : i32
      %mul3A_394 = arith.constant 16 : i32
      %mul3A_395 = arith.muli %scan3A_388, %mul3A_394 : i32
      %add3A_396 = arith.addi %sub3A_4, %mul3A_395 : i32
      %add3A_397 = vector.broadcast %add3A_396 : i32 to vector<16xi32>
      %add3A_398 = arith.addi %add3A_397, %iota3A : vector<16xi32>
      %lt3A = arith.constant 8160 : i32
      %lt3A_399 = vector.broadcast %lt3A : i32 to vector<16xi32>
      %lt3A_400 = arith.cmpi slt, %add3A_398, %lt3A_399 : vector<16xi32>
      %get3A_401 = arith.index_cast %mul3A_393 : i32 to index
      %get3A_402 = tpu.vector_load %arg5[%get3A_401] {strides = array<i32>} : memref<512xf32, #tpu.memory_space<vmem>>, vector<16xf32>,
      %get3A_403 = arith.index_cast %mul3A_393 : i32 to index
      %get3A_404 = tpu.vector_load %arg4[%get3A_403] {strides = array<i32>} : memref<512xf32, #tpu.memory_space<vmem>>, vector<16xf32>,
      %jit3A_405 = arith.constant 0.000000e+00 : f32
      %broadcast_in_dim3A_406 = vector.broadcast %jit3A_405 : f32 to vector<16xf32>
      %select_n3A_407 = arith.select %lt3A_400, %get3A_402, %broadcast_in_dim3A_406 : vector<16xi1>, vector<16xf32>
      %add3A_408 = arith.addf %scan3A_389, %select_n3A_407 : vector<16xf32>
      %jit3A_409 = arith.constant 0.000000e+00 : f32
      %broadcast_in_dim3A_410 = vector.broadcast %jit3A_409 : f32 to vector<16xf32>
      %select_n3A_411 = arith.select %lt3A_400, %broadcast_in_dim3A_410, %get3A_402 : vector<16xi1>, vector<16xf32>
      %add3A_412 = arith.addf %scan3A_391, %select_n3A_411 : vector<16xf32>
      %jit3A_413 = arith.constant 0.000000e+00 : f32
      %broadcast_in_dim3A_414 = vector.broadcast %jit3A_413 : f32 to vector<16xf32>
      %select_n3A_415 = arith.select %lt3A_400, %get3A_404, %broadcast_in_dim3A_414 : vector<16xi1>, vector<16xf32>
      %add3A_416 = arith.addf %scan3A_390, %select_n3A_415 : vector<16xf32>
      scf.yield %add3A_408, %add3A_416, %add3A_412 : vector<16xf32>, vector<16xf32>, vector<16xf32>
    }
    %scan3A_164 = arith.constant 32 : i32
    %reduce_sum3A = arith.constant true
    %reduce_sum3A_165 = vector.broadcast %reduce_sum3A : i1 to vector<16xi1>
    %reduce_sum3A_166 = tpu.scan <sum>, %scan3A_163#0 masked %reduce_sum3A_165 : vector<16xf32>, vector<16xi1> -> vector<16xf32>
    %reduce_sum3A_167 = vector.extract %reduce_sum3A_166[15] : f32 from vector<16xf32>
    %reduce_sum3A_168 = arith.constant true
    %reduce_sum3A_169 = vector.broadcast %reduce_sum3A_168 : i1 to vector<16xi1>
    %reduce_sum3A_170 = tpu.scan <sum>, %scan3A_163#1 masked %reduce_sum3A_169 : vector<16xf32>, vector<16xi1> -> vector<16xf32>
    %reduce_sum3A_171 = vector.extract %reduce_sum3A_170[15] : f32 from vector<16xf32>
    %reduce_sum3A_172 = arith.constant true
    %reduce_sum3A_173 = vector.broadcast %reduce_sum3A_172 : i1 to vector<16xi1>
    %reduce_sum3A_174 = tpu.scan <sum>, %scan3A_163#2 masked %reduce_sum3A_173 : vector<16xf32>, vector<16xi1> -> vector<16xf32>
    %reduce_sum3A_175 = vector.extract %reduce_sum3A_174[15] : f32 from vector<16xf32>
    %jit3A = arith.constant 0.000000e+00 : f32
    %broadcast_in_dim3A_176 = vector.broadcast %reduce_sum3A_167 : f32 to vector<16xf32>
    %broadcast_in_dim3A_177 = vector.broadcast %jit3A : f32 to vector<16xf32>
    %select_n3A = arith.select %eq3A_1, %broadcast_in_dim3A_176, %broadcast_in_dim3A_177 : vector<16xi1>, vector<16xf32>
    %eq3A_178 = arith.constant 1 : i32
    %eq3A_179 = vector.broadcast %eq3A_178 : i32 to vector<16xi32>
    %eq3A_180 = arith.cmpi eq, %iota3A, %eq3A_179 : vector<16xi32>
    %jit3A_181 = arith.constant 0.000000e+00 : f32
    %broadcast_in_dim3A_182 = vector.broadcast %reduce_sum3A_171 : f32 to vector<16xf32>
    %broadcast_in_dim3A_183 = vector.broadcast %jit3A_181 : f32 to vector<16xf32>
    %select_n3A_184 = arith.select %eq3A_180, %broadcast_in_dim3A_182, %broadcast_in_dim3A_183 : vector<16xi1>, vector<16xf32>
    %add3A_185 = arith.addf %select_n3A, %select_n3A_184 : vector<16xf32>
    %eq3A_186 = arith.constant 2 : i32
    %eq3A_187 = vector.broadcast %eq3A_186 : i32 to vector<16xi32>
    %eq3A_188 = arith.cmpi eq, %iota3A, %eq3A_187 : vector<16xi32>
    %jit3A_189 = arith.constant 0.000000e+00 : f32
    %broadcast_in_dim3A_190 = vector.broadcast %reduce_sum3A_175 : f32 to vector<16xf32>
    %broadcast_in_dim3A_191 = vector.broadcast %jit3A_189 : f32 to vector<16xf32>
    %select_n3A_192 = arith.select %eq3A_188, %broadcast_in_dim3A_190, %broadcast_in_dim3A_191 : vector<16xi1>, vector<16xf32>
    %add3A_193 = arith.addf %add3A_185, %select_n3A_192 : vector<16xf32>
    %swap3A = arith.constant 0 : index
    %swap3A_194 = tpu.vector_load %arg24[%swap3A] {strides = array<i32>} : memref<16xf32, #tpu.memory_space<vmem>>, vector<16xf32>,
    tpu.vector_store %arg24[%swap3A], %add3A_193 {strides = array<i32>} : memref<16xf32, #tpu.memory_space<vmem>>, vector<16xf32>,
    %mul3A_195 = arith.constant 16 : i32
    %mul3A_196 = arith.muli %arg1, %mul3A_195 : i32
    "tpu.region"() ({
      %run_scoped3A = tpu.sem_alloc : memref<!tpu.dma_semaphore, #tpu.memory_space<semaphore_mem>>
      %dma_start3A_388 = tpu.memref_slice %arg27[%mul3A_196] : memref<256xf32, #tpu.memory_space<vmem_shared>> -> memref<16xf32, #tpu.memory_space<vmem_shared>>
      %dma_start3A_389 = tpu.memref_slice %arg27[%mul3A_196] : memref<256xf32, #tpu.memory_space<vmem_shared>> -> memref<16xf32, #tpu.memory_space<vmem_shared>>
      tpu.enqueue_dma source(%arg24 : memref<16xf32, #tpu.memory_space<vmem>>) target(%dma_start3A_389 : memref<16xf32, #tpu.memory_space<vmem_shared>>) target_semaphore(%run_scoped3A : memref<!tpu.dma_semaphore, #tpu.memory_space<semaphore_mem>>)
      %dma_wait3A = tpu.memref_slice %arg27[%mul3A_196] : memref<256xf32, #tpu.memory_space<vmem_shared>> -> memref<16xf32, #tpu.memory_space<vmem_shared>>
      %dma_wait3A_390 = tpu.memref_slice %arg27[%mul3A_196] : memref<256xf32, #tpu.memory_space<vmem_shared>> -> memref<16xf32, #tpu.memory_space<vmem_shared>>
      tpu.wait_dma2 semaphore(%run_scoped3A : memref<!tpu.dma_semaphore, #tpu.memory_space<semaphore_mem>>) src(%arg24 : memref<16xf32, #tpu.memory_space<vmem>>) dst(%dma_wait3A_390 : memref<16xf32, #tpu.memory_space<vmem_shared>>)
      tpu.yield
    }) : () -> ()
    %barrier3A = arith.constant 0 : index
    tpu.barrier barrier_id(%barrier3A)
    "tpu.region"() ({
      %run_scoped3A = tpu.sem_alloc : memref<!tpu.dma_semaphore, #tpu.memory_space<semaphore_mem>>
      tpu.enqueue_dma source(%arg27 : memref<256xf32, #tpu.memory_space<vmem_shared>>) target(%arg25 : memref<256xf32, #tpu.memory_space<vmem>>) target_semaphore(%run_scoped3A : memref<!tpu.dma_semaphore, #tpu.memory_space<semaphore_mem>>)
      tpu.wait_dma2 semaphore(%run_scoped3A : memref<!tpu.dma_semaphore, #tpu.memory_space<semaphore_mem>>) src(%arg27 : memref<256xf32, #tpu.memory_space<vmem_shared>>) dst(%arg25 : memref<256xf32, #tpu.memory_space<vmem>>)
      tpu.yield
    }) : () -> ()
    %get3A = arith.constant 0 : index
    %get3A_197 = tpu.vector_load %arg25[%get3A] {strides = array<i32>} : memref<256xf32, #tpu.memory_space<vmem>>, vector<16xf32>,
    %add3A_198 = arith.addf %broadcast_in_dim3A_5, %get3A_197 : vector<16xf32>
    %gt3A = arith.constant 0 : i32
    %gt3A_199 = arith.cmpi sgt, %arg1, %gt3A : i32
    %jit3A_200 = arith.constant 0.000000e+00 : f32
    %broadcast_in_dim3A_201 = vector.broadcast %jit3A_200 : f32 to vector<16xf32>
    %select_n3A_202 = arith.select %gt3A_199, %get3A_197, %broadcast_in_dim3A_201 : vector<16xf32>
    %add3A_203 = arith.addf %broadcast_in_dim3A_5, %select_n3A_202 : vector<16xf32>
    %get3A_204 = arith.constant 16 : index
    %get3A_205 = tpu.vector_load %arg25[%get3A_204] {strides = array<i32>} : memref<256xf32, #tpu.memory_space<vmem>>, vector<16xf32>,
    %add3A_206 = arith.addf %add3A_198, %get3A_205 : vector<16xf32>
    %gt3A_207 = arith.constant 1 : i32
    %gt3A_208 = arith.cmpi sgt, %arg1, %gt3A_207 : i32
    %jit3A_209 = arith.constant 0.000000e+00 : f32
    %broadcast_in_dim3A_210 = vector.broadcast %jit3A_209 : f32 to vector<16xf32>
    %select_n3A_211 = arith.select %gt3A_208, %get3A_205, %broadcast_in_dim3A_210 : vector<16xf32>
    %add3A_212 = arith.addf %add3A_203, %select_n3A_211 : vector<16xf32>
    %get3A_213 = arith.constant 32 : index
    %get3A_214 = tpu.vector_load %arg25[%get3A_213] {strides = array<i32>} : memref<256xf32, #tpu.memory_space<vmem>>, vector<16xf32>,
    %add3A_215 = arith.addf %add3A_206, %get3A_214 : vector<16xf32>
    %gt3A_216 = arith.constant 2 : i32
    %gt3A_217 = arith.cmpi sgt, %arg1, %gt3A_216 : i32
    %jit3A_218 = arith.constant 0.000000e+00 : f32
    %broadcast_in_dim3A_219 = vector.broadcast %jit3A_218 : f32 to vector<16xf32>
    %select_n3A_220 = arith.select %gt3A_217, %get3A_214, %broadcast_in_dim3A_219 : vector<16xf32>
    %add3A_221 = arith.addf %add3A_212, %select_n3A_220 : vector<16xf32>
    %get3A_222 = arith.constant 48 : index
    %get3A_223 = tpu.vector_load %arg25[%get3A_222] {strides = array<i32>} : memref<256xf32, #tpu.memory_space<vmem>>, vector<16xf32>,
    %add3A_224 = arith.addf %add3A_215, %get3A_223 : vector<16xf32>
    %gt3A_225 = arith.constant 3 : i32
    %gt3A_226 = arith.cmpi sgt, %arg1, %gt3A_225 : i32
    %jit3A_227 = arith.constant 0.000000e+00 : f32
    %broadcast_in_dim3A_228 = vector.broadcast %jit3A_227 : f32 to vector<16xf32>
    %select_n3A_229 = arith.select %gt3A_226, %get3A_223, %broadcast_in_dim3A_228 : vector<16xf32>
    %add3A_230 = arith.addf %add3A_221, %select_n3A_229 : vector<16xf32>
    %get3A_231 = arith.constant 64 : index
    %get3A_232 = tpu.vector_load %arg25[%get3A_231] {strides = array<i32>} : memref<256xf32, #tpu.memory_space<vmem>>, vector<16xf32>,
    %add3A_233 = arith.addf %add3A_224, %get3A_232 : vector<16xf32>
    %gt3A_234 = arith.constant 4 : i32
    %gt3A_235 = arith.cmpi sgt, %arg1, %gt3A_234 : i32
    %jit3A_236 = arith.constant 0.000000e+00 : f32
    %broadcast_in_dim3A_237 = vector.broadcast %jit3A_236 : f32 to vector<16xf32>
    %select_n3A_238 = arith.select %gt3A_235, %get3A_232, %broadcast_in_dim3A_237 : vector<16xf32>
    %add3A_239 = arith.addf %add3A_230, %select_n3A_238 : vector<16xf32>
    %get3A_240 = arith.constant 80 : index
    %get3A_241 = tpu.vector_load %arg25[%get3A_240] {strides = array<i32>} : memref<256xf32, #tpu.memory_space<vmem>>, vector<16xf32>,
    %add3A_242 = arith.addf %add3A_233, %get3A_241 : vector<16xf32>
    %gt3A_243 = arith.constant 5 : i32
    %gt3A_244 = arith.cmpi sgt, %arg1, %gt3A_243 : i32
    %jit3A_245 = arith.constant 0.000000e+00 : f32
    %broadcast_in_dim3A_246 = vector.broadcast %jit3A_245 : f32 to vector<16xf32>
    %select_n3A_247 = arith.select %gt3A_244, %get3A_241, %broadcast_in_dim3A_246 : vector<16xf32>
    %add3A_248 = arith.addf %add3A_239, %select_n3A_247 : vector<16xf32>
    %get3A_249 = arith.constant 96 : index
    %get3A_250 = tpu.vector_load %arg25[%get3A_249] {strides = array<i32>} : memref<256xf32, #tpu.memory_space<vmem>>, vector<16xf32>,
    %add3A_251 = arith.addf %add3A_242, %get3A_250 : vector<16xf32>
    %gt3A_252 = arith.constant 6 : i32
    %gt3A_253 = arith.cmpi sgt, %arg1, %gt3A_252 : i32
    %jit3A_254 = arith.constant 0.000000e+00 : f32
    %broadcast_in_dim3A_255 = vector.broadcast %jit3A_254 : f32 to vector<16xf32>
    %select_n3A_256 = arith.select %gt3A_253, %get3A_250, %broadcast_in_dim3A_255 : vector<16xf32>
    %add3A_257 = arith.addf %add3A_248, %select_n3A_256 : vector<16xf32>
    %get3A_258 = arith.constant 112 : index
    %get3A_259 = tpu.vector_load %arg25[%get3A_258] {strides = array<i32>} : memref<256xf32, #tpu.memory_space<vmem>>, vector<16xf32>,
    %add3A_260 = arith.addf %add3A_251, %get3A_259 : vector<16xf32>
    %gt3A_261 = arith.constant 7 : i32
    %gt3A_262 = arith.cmpi sgt, %arg1, %gt3A_261 : i32
    %jit3A_263 = arith.constant 0.000000e+00 : f32
    %broadcast_in_dim3A_264 = vector.broadcast %jit3A_263 : f32 to vector<16xf32>
    %select_n3A_265 = arith.select %gt3A_262, %get3A_259, %broadcast_in_dim3A_264 : vector<16xf32>
    %add3A_266 = arith.addf %add3A_257, %select_n3A_265 : vector<16xf32>
    %get3A_267 = arith.constant 128 : index
    %get3A_268 = tpu.vector_load %arg25[%get3A_267] {strides = array<i32>} : memref<256xf32, #tpu.memory_space<vmem>>, vector<16xf32>,
    %add3A_269 = arith.addf %add3A_260, %get3A_268 : vector<16xf32>
    %gt3A_270 = arith.constant 8 : i32
    %gt3A_271 = arith.cmpi sgt, %arg1, %gt3A_270 : i32
    %jit3A_272 = arith.constant 0.000000e+00 : f32
    %broadcast_in_dim3A_273 = vector.broadcast %jit3A_272 : f32 to vector<16xf32>
    %select_n3A_274 = arith.select %gt3A_271, %get3A_268, %broadcast_in_dim3A_273 : vector<16xf32>
    %add3A_275 = arith.addf %add3A_266, %select_n3A_274 : vector<16xf32>
    %get3A_276 = arith.constant 144 : index
    %get3A_277 = tpu.vector_load %arg25[%get3A_276] {strides = array<i32>} : memref<256xf32, #tpu.memory_space<vmem>>, vector<16xf32>,
    %add3A_278 = arith.addf %add3A_269, %get3A_277 : vector<16xf32>
    %gt3A_279 = arith.constant 9 : i32
    %gt3A_280 = arith.cmpi sgt, %arg1, %gt3A_279 : i32
    %jit3A_281 = arith.constant 0.000000e+00 : f32
    %broadcast_in_dim3A_282 = vector.broadcast %jit3A_281 : f32 to vector<16xf32>
    %select_n3A_283 = arith.select %gt3A_280, %get3A_277, %broadcast_in_dim3A_282 : vector<16xf32>
    %add3A_284 = arith.addf %add3A_275, %select_n3A_283 : vector<16xf32>
    %get3A_285 = arith.constant 160 : index
    %get3A_286 = tpu.vector_load %arg25[%get3A_285] {strides = array<i32>} : memref<256xf32, #tpu.memory_space<vmem>>, vector<16xf32>,
    %add3A_287 = arith.addf %add3A_278, %get3A_286 : vector<16xf32>
    %gt3A_288 = arith.constant 10 : i32
    %gt3A_289 = arith.cmpi sgt, %arg1, %gt3A_288 : i32
    %jit3A_290 = arith.constant 0.000000e+00 : f32
    %broadcast_in_dim3A_291 = vector.broadcast %jit3A_290 : f32 to vector<16xf32>
    %select_n3A_292 = arith.select %gt3A_289, %get3A_286, %broadcast_in_dim3A_291 : vector<16xf32>
    %add3A_293 = arith.addf %add3A_284, %select_n3A_292 : vector<16xf32>
    %get3A_294 = arith.constant 176 : index
    %get3A_295 = tpu.vector_load %arg25[%get3A_294] {strides = array<i32>} : memref<256xf32, #tpu.memory_space<vmem>>, vector<16xf32>,
    %add3A_296 = arith.addf %add3A_287, %get3A_295 : vector<16xf32>
    %gt3A_297 = arith.constant 11 : i32
    %gt3A_298 = arith.cmpi sgt, %arg1, %gt3A_297 : i32
    %jit3A_299 = arith.constant 0.000000e+00 : f32
    %broadcast_in_dim3A_300 = vector.broadcast %jit3A_299 : f32 to vector<16xf32>
    %select_n3A_301 = arith.select %gt3A_298, %get3A_295, %broadcast_in_dim3A_300 : vector<16xf32>
    %add3A_302 = arith.addf %add3A_293, %select_n3A_301 : vector<16xf32>
    %get3A_303 = arith.constant 192 : index
    %get3A_304 = tpu.vector_load %arg25[%get3A_303] {strides = array<i32>} : memref<256xf32, #tpu.memory_space<vmem>>, vector<16xf32>,
    %add3A_305 = arith.addf %add3A_296, %get3A_304 : vector<16xf32>
    %gt3A_306 = arith.constant 12 : i32
    %gt3A_307 = arith.cmpi sgt, %arg1, %gt3A_306 : i32
    %jit3A_308 = arith.constant 0.000000e+00 : f32
    %broadcast_in_dim3A_309 = vector.broadcast %jit3A_308 : f32 to vector<16xf32>
    %select_n3A_310 = arith.select %gt3A_307, %get3A_304, %broadcast_in_dim3A_309 : vector<16xf32>
    %add3A_311 = arith.addf %add3A_302, %select_n3A_310 : vector<16xf32>
    %get3A_312 = arith.constant 208 : index
    %get3A_313 = tpu.vector_load %arg25[%get3A_312] {strides = array<i32>} : memref<256xf32, #tpu.memory_space<vmem>>, vector<16xf32>,
    %add3A_314 = arith.addf %add3A_305, %get3A_313 : vector<16xf32>
    %gt3A_315 = arith.constant 13 : i32
    %gt3A_316 = arith.cmpi sgt, %arg1, %gt3A_315 : i32
    %jit3A_317 = arith.constant 0.000000e+00 : f32
    %broadcast_in_dim3A_318 = vector.broadcast %jit3A_317 : f32 to vector<16xf32>
    %select_n3A_319 = arith.select %gt3A_316, %get3A_313, %broadcast_in_dim3A_318 : vector<16xf32>
    %add3A_320 = arith.addf %add3A_311, %select_n3A_319 : vector<16xf32>
    %get3A_321 = arith.constant 224 : index
    %get3A_322 = tpu.vector_load %arg25[%get3A_321] {strides = array<i32>} : memref<256xf32, #tpu.memory_space<vmem>>, vector<16xf32>,
    %add3A_323 = arith.addf %add3A_314, %get3A_322 : vector<16xf32>
    %gt3A_324 = arith.constant 14 : i32
    %gt3A_325 = arith.cmpi sgt, %arg1, %gt3A_324 : i32
    %jit3A_326 = arith.constant 0.000000e+00 : f32
    %broadcast_in_dim3A_327 = vector.broadcast %jit3A_326 : f32 to vector<16xf32>
    %select_n3A_328 = arith.select %gt3A_325, %get3A_322, %broadcast_in_dim3A_327 : vector<16xf32>
    %add3A_329 = arith.addf %add3A_320, %select_n3A_328 : vector<16xf32>
    %get3A_330 = arith.constant 240 : index
    %get3A_331 = tpu.vector_load %arg25[%get3A_330] {strides = array<i32>} : memref<256xf32, #tpu.memory_space<vmem>>, vector<16xf32>,
    %add3A_332 = arith.addf %add3A_323, %get3A_331 : vector<16xf32>
    %gt3A_333 = arith.constant 15 : i32
    %gt3A_334 = arith.cmpi sgt, %arg1, %gt3A_333 : i32
    %jit3A_335 = arith.constant 0.000000e+00 : f32
    %broadcast_in_dim3A_336 = vector.broadcast %jit3A_335 : f32 to vector<16xf32>
    %select_n3A_337 = arith.select %gt3A_334, %get3A_331, %broadcast_in_dim3A_336 : vector<16xf32>
    %add3A_338 = arith.addf %add3A_329, %select_n3A_337 : vector<16xf32>
    %eq3A_339 = arith.constant 2 : i32
    %eq3A_340 = vector.broadcast %eq3A_339 : i32 to vector<16xi32>
    %eq3A_341 = arith.cmpi eq, %iota3A, %eq3A_340 : vector<16xi32>
    %jit3A_342 = arith.constant 0.000000e+00 : f32
    %broadcast_in_dim3A_343 = vector.broadcast %jit3A_342 : f32 to vector<16xf32>
    %select_n3A_344 = arith.select %eq3A_341, %add3A_332, %broadcast_in_dim3A_343 : vector<16xi1>, vector<16xf32>
    %reduce_sum3A_345 = arith.constant true
    %reduce_sum3A_346 = vector.broadcast %reduce_sum3A_345 : i1 to vector<16xi1>
    %reduce_sum3A_347 = tpu.scan <sum>, %select_n3A_344 masked %reduce_sum3A_346 : vector<16xf32>, vector<16xi1> -> vector<16xf32>
    %reduce_sum3A_348 = vector.extract %reduce_sum3A_347[15] : f32 from vector<16xf32>
    %jit3A_349 = arith.constant 0.000000e+00 : f32
    %broadcast_in_dim3A_350 = vector.broadcast %jit3A_349 : f32 to vector<16xf32>
    %select_n3A_351 = arith.select %eq3A_1, %add3A_338, %broadcast_in_dim3A_350 : vector<16xi1>, vector<16xf32>
    %reduce_sum3A_352 = arith.constant true
    %reduce_sum3A_353 = vector.broadcast %reduce_sum3A_352 : i1 to vector<16xi1>
    %reduce_sum3A_354 = tpu.scan <sum>, %select_n3A_351 masked %reduce_sum3A_353 : vector<16xf32>, vector<16xi1> -> vector<16xf32>
    %reduce_sum3A_355 = vector.extract %reduce_sum3A_354[15] : f32 from vector<16xf32>
    %eq3A_356 = arith.constant 1 : i32
    %eq3A_357 = vector.broadcast %eq3A_356 : i32 to vector<16xi32>
    %eq3A_358 = arith.cmpi eq, %iota3A, %eq3A_357 : vector<16xi32>
    %jit3A_359 = arith.constant 0.000000e+00 : f32
    %broadcast_in_dim3A_360 = vector.broadcast %jit3A_359 : f32 to vector<16xf32>
    %select_n3A_361 = arith.select %eq3A_358, %add3A_338, %broadcast_in_dim3A_360 : vector<16xi1>, vector<16xf32>
    %reduce_sum3A_362 = arith.constant true
    %reduce_sum3A_363 = vector.broadcast %reduce_sum3A_362 : i1 to vector<16xi1>
    %reduce_sum3A_364 = tpu.scan <sum>, %select_n3A_361 masked %reduce_sum3A_363 : vector<16xf32>, vector<16xi1> -> vector<16xf32>
    %reduce_sum3A_365 = vector.extract %reduce_sum3A_364[15] : f32 from vector<16xf32>
    %scan3A_366 = arith.constant 0 : i32
    %scan3A_367 = arith.constant 32 : i32
    %scan3A_368 = arith.addi %scan3A_366, %scan3A_367 : i32
    %scan3A_369 = arith.constant 1 : i32
    %scan3A_370:3 = scf.for %scan3A_388 = %scan3A_366 to %scan3A_368 step %scan3A_369 iter_args(%scan3A_389 = %reduce_sum3A_355, %scan3A_390 = %reduce_sum3A_365, %scan3A_391 = %broadcast_in_dim3A_5) -> (f32, f32, vector<16xf32>)  : i32 {
      %sub3A_392 = arith.constant 31 : i32
      %sub3A_393 = arith.subi %sub3A_392, %scan3A_388 : i32
      %mul3A_394 = arith.constant 16 : i32
      %mul3A_395 = arith.muli %sub3A_393, %mul3A_394 : i32
      %mul3A_396 = arith.constant 16 : i32
      %mul3A_397 = arith.muli %sub3A_393, %mul3A_396 : i32
      %add3A_398 = arith.addi %sub3A_4, %mul3A_397 : i32
      %add3A_399 = vector.broadcast %add3A_398 : i32 to vector<16xi32>
      %add3A_400 = arith.addi %add3A_399, %iota3A : vector<16xi32>
      %lt3A = arith.constant 8160 : i32
      %lt3A_401 = vector.broadcast %lt3A : i32 to vector<16xi32>
      %lt3A_402 = arith.cmpi slt, %add3A_400, %lt3A_401 : vector<16xi32>
      %get3A_403 = arith.index_cast %mul3A_395 : i32 to index
      %get3A_404 = tpu.vector_load %arg5[%get3A_403] {strides = array<i32>} : memref<512xf32, #tpu.memory_space<vmem>>, vector<16xf32>,
      %jit3A_405 = arith.constant 0.000000e+00 : f32
      %broadcast_in_dim3A_406 = vector.broadcast %jit3A_405 : f32 to vector<16xf32>
      %select_n3A_407 = arith.select %lt3A_402, %get3A_404, %broadcast_in_dim3A_406 : vector<16xi1>, vector<16xf32>
      %get3A_408 = arith.index_cast %mul3A_395 : i32 to index
      %get3A_409 = tpu.vector_load %arg4[%get3A_408] {strides = array<i32>} : memref<512xf32, #tpu.memory_space<vmem>>, vector<16xf32>,
      %jit3A_410 = arith.constant 0.000000e+00 : f32
      %broadcast_in_dim3A_411 = vector.broadcast %jit3A_410 : f32 to vector<16xf32>
      %select_n3A_412 = arith.select %lt3A_402, %get3A_409, %broadcast_in_dim3A_411 : vector<16xi1>, vector<16xf32>
      %get3A_413 = arith.index_cast %mul3A_395 : i32 to index
      %get3A_414 = tpu.vector_load %arg7[%get3A_413] {strides = array<i32>} : memref<512xf32, #tpu.memory_space<vmem>>, vector<16xf32>,
      %jit3A_415 = arith.constant 0.000000e+00 : f32
      %broadcast_in_dim3A_416 = vector.broadcast %jit3A_415 : f32 to vector<16xf32>
      %select_n3A_417 = arith.select %lt3A_402, %get3A_414, %broadcast_in_dim3A_416 : vector<16xi1>, vector<16xf32>
      %get3A_418 = arith.index_cast %mul3A_395 : i32 to index
      %get3A_419 = tpu.vector_load %arg6[%get3A_418] {strides = array<i32>} : memref<512xf32, #tpu.memory_space<vmem>>, vector<16xf32>,
      %jit3A_420 = arith.constant 0.000000e+00 : f32
      %broadcast_in_dim3A_421 = vector.broadcast %jit3A_420 : f32 to vector<16xf32>
      %select_n3A_422 = arith.select %lt3A_402, %get3A_419, %broadcast_in_dim3A_421 : vector<16xi1>, vector<16xf32>
      %rev3A = arith.constant 15 : i32
      %rev3A_423 = vector.broadcast %rev3A : i32 to vector<16xi32>
      %rev3A_424 = tpu.iota {dimensions = array<i32: 0>} : vector<16xi32>
      %rev3A_425 = arith.subi %rev3A_423, %rev3A_424 : vector<16xi32>
      %rev3A_426 = tpu.dynamic_gather %select_n3A_407[%rev3A_425] in [0] : vector<16xf32>, vector<16xi32> -> vector<16xf32>
      %rev3A_427 = arith.constant 15 : i32
      %rev3A_428 = vector.broadcast %rev3A_427 : i32 to vector<16xi32>
      %rev3A_429 = tpu.iota {dimensions = array<i32: 0>} : vector<16xi32>
      %rev3A_430 = arith.subi %rev3A_428, %rev3A_429 : vector<16xi32>
      %rev3A_431 = tpu.dynamic_gather %select_n3A_412[%rev3A_430] in [0] : vector<16xf32>, vector<16xi32> -> vector<16xf32>
      %rev3A_432 = arith.constant 15 : i32
      %rev3A_433 = vector.broadcast %rev3A_432 : i32 to vector<16xi32>
      %rev3A_434 = tpu.iota {dimensions = array<i32: 0>} : vector<16xi32>
      %rev3A_435 = arith.subi %rev3A_433, %rev3A_434 : vector<16xi32>
      %rev3A_436 = tpu.dynamic_gather %select_n3A_417[%rev3A_435] in [0] : vector<16xf32>, vector<16xi32> -> vector<16xf32>
      %rev3A_437 = arith.constant 15 : i32
      %rev3A_438 = vector.broadcast %rev3A_437 : i32 to vector<16xi32>
      %rev3A_439 = tpu.iota {dimensions = array<i32: 0>} : vector<16xi32>
      %rev3A_440 = arith.subi %rev3A_438, %rev3A_439 : vector<16xi32>
      %rev3A_441 = tpu.dynamic_gather %select_n3A_422[%rev3A_440] in [0] : vector<16xf32>, vector<16xi32> -> vector<16xf32>
      %broadcast_in_dim3A_442 = arith.constant true
      %broadcast_in_dim3A_443 = vector.broadcast %broadcast_in_dim3A_442 : i1 to vector<16xi1>
      %masked_cumsum3A = tpu.scan <sum>, %rev3A_426 masked %broadcast_in_dim3A_443 : vector<16xf32>, vector<16xi1> -> vector<16xf32>
      %broadcast_in_dim3A_444 = arith.constant true
      %broadcast_in_dim3A_445 = vector.broadcast %broadcast_in_dim3A_444 : i1 to vector<16xi1>
      %masked_cumsum3A_446 = tpu.scan <sum>, %rev3A_431 masked %broadcast_in_dim3A_445 : vector<16xf32>, vector<16xi1> -> vector<16xf32>
      %add3A_447 = vector.broadcast %scan3A_389 : f32 to vector<16xf32>
      %add3A_448 = arith.addf %add3A_447, %masked_cumsum3A : vector<16xf32>
      %sub3A_449 = arith.subf %add3A_448, %rev3A_426 : vector<16xf32>
      %add3A_450 = vector.broadcast %scan3A_390 : f32 to vector<16xf32>
      %add3A_451 = arith.addf %add3A_450, %masked_cumsum3A_446 : vector<16xf32>
      %sub3A_452 = arith.subf %add3A_451, %rev3A_431 : vector<16xf32>
      %add3A_453 = vector.broadcast %reduce_sum3A_348 : f32 to vector<16xf32>
      %add3A_454 = arith.addf %add3A_453, %sub3A_452 : vector<16xf32>
      %max3A = arith.constant 1.000000e+00 : f32
      %max3A_455 = vector.broadcast %max3A : f32 to vector<16xf32>
      %max3A_456 = arith.maximumf %add3A_454, %max3A_455 : vector<16xf32>
      %add3A_457 = vector.broadcast %reduce_sum3A_348 : f32 to vector<16xf32>
      %add3A_458 = arith.addf %add3A_457, %sub3A_452 : vector<16xf32>
      %add3A_459 = arith.addf %add3A_458, %rev3A_431 : vector<16xf32>
      %max3A_460 = arith.constant 1.000000e+00 : f32
      %max3A_461 = vector.broadcast %max3A_460 : f32 to vector<16xf32>
      %max3A_462 = arith.maximumf %add3A_459, %max3A_461 : vector<16xf32>
      %div3A = arith.divf %rev3A_436, %max3A_456 : vector<16xf32>
      %add3A_463 = arith.addf %scan3A_391, %div3A : vector<16xf32>
      %sub3A_464 = vector.broadcast %reduce_sum3A_348 : f32 to vector<16xf32>
      %sub3A_465 = arith.subf %sub3A_464, %sub3A_449 : vector<16xf32>
      %sub3A_466 = arith.subf %sub3A_465, %rev3A_426 : vector<16xf32>
      %mul3A_467 = arith.mulf %rev3A_441, %sub3A_466 : vector<16xf32>
      %mul3A_468 = arith.mulf %max3A_456, %max3A_462 : vector<16xf32>
      %div3A_469 = arith.divf %mul3A_467, %mul3A_468 : vector<16xf32>
      %add3A_470 = arith.addf %add3A_463, %div3A_469 : vector<16xf32>
      %reduce_sum3A_471 = arith.constant true
      %reduce_sum3A_472 = vector.broadcast %reduce_sum3A_471 : i1 to vector<16xi1>
      %reduce_sum3A_473 = tpu.scan <sum>, %rev3A_426 masked %reduce_sum3A_472 : vector<16xf32>, vector<16xi1> -> vector<16xf32>
      %reduce_sum3A_474 = vector.extract %reduce_sum3A_473[15] : f32 from vector<16xf32>
      %add3A_475 = arith.addf %scan3A_389, %reduce_sum3A_474 : f32
      %reduce_sum3A_476 = arith.constant true
      %reduce_sum3A_477 = vector.broadcast %reduce_sum3A_476 : i1 to vector<16xi1>
      %reduce_sum3A_478 = tpu.scan <sum>, %rev3A_431 masked %reduce_sum3A_477 : vector<16xf32>, vector<16xi1> -> vector<16xf32>
      %reduce_sum3A_479 = vector.extract %reduce_sum3A_478[15] : f32 from vector<16xf32>
      %add3A_480 = arith.addf %scan3A_390, %reduce_sum3A_479 : f32
      scf.yield %add3A_475, %add3A_480, %add3A_470 : f32, f32, vector<16xf32>
    }
    %scan3A_371 = arith.constant 32 : i32
    %reduce_sum3A_372 = arith.constant true
    %reduce_sum3A_373 = vector.broadcast %reduce_sum3A_372 : i1 to vector<16xi1>
    %reduce_sum3A_374 = tpu.scan <sum>, %scan3A_370#2 masked %reduce_sum3A_373 : vector<16xf32>, vector<16xi1> -> vector<16xf32>
    %reduce_sum3A_375 = vector.extract %reduce_sum3A_374[15] : f32 from vector<16xf32>
    %jit3A_376 = arith.constant 0.000000e+00 : f32
    %broadcast_in_dim3A_377 = vector.broadcast %reduce_sum3A_375 : f32 to vector<16xf32>
    %broadcast_in_dim3A_378 = vector.broadcast %jit3A_376 : f32 to vector<16xf32>
    %select_n3A_379 = arith.select %eq3A_1, %broadcast_in_dim3A_377, %broadcast_in_dim3A_378 : vector<16xi1>, vector<16xf32>
    %swap3A_380 = arith.constant 0 : index
    %swap3A_381 = tpu.vector_load %arg24[%swap3A_380] {strides = array<i32>} : memref<16xf32, #tpu.memory_space<vmem>>, vector<16xf32>,
    tpu.vector_store %arg24[%swap3A_380], %select_n3A_379 {strides = array<i32>} : memref<16xf32, #tpu.memory_space<vmem>>, vector<16xf32>,
    %mul3A_382 = arith.constant 16 : i32
    %mul3A_383 = arith.muli %arg1, %mul3A_382 : i32
    "tpu.region"() ({
      %run_scoped3A = tpu.sem_alloc : memref<!tpu.dma_semaphore, #tpu.memory_space<semaphore_mem>>
      %dma_start3A_388 = tpu.memref_slice %arg27[%mul3A_383] : memref<256xf32, #tpu.memory_space<vmem_shared>> -> memref<16xf32, #tpu.memory_space<vmem_shared>>
      %dma_start3A_389 = tpu.memref_slice %arg27[%mul3A_383] : memref<256xf32, #tpu.memory_space<vmem_shared>> -> memref<16xf32, #tpu.memory_space<vmem_shared>>
      tpu.enqueue_dma source(%arg24 : memref<16xf32, #tpu.memory_space<vmem>>) target(%dma_start3A_389 : memref<16xf32, #tpu.memory_space<vmem_shared>>) target_semaphore(%run_scoped3A : memref<!tpu.dma_semaphore, #tpu.memory_space<semaphore_mem>>)
      %dma_wait3A = tpu.memref_slice %arg27[%mul3A_383] : memref<256xf32, #tpu.memory_space<vmem_shared>> -> memref<16xf32, #tpu.memory_space<vmem_shared>>
      %dma_wait3A_390 = tpu.memref_slice %arg27[%mul3A_383] : memref<256xf32, #tpu.memory_space<vmem_shared>> -> memref<16xf32, #tpu.memory_space<vmem_shared>>
      tpu.wait_dma2 semaphore(%run_scoped3A : memref<!tpu.dma_semaphore, #tpu.memory_space<semaphore_mem>>) src(%arg24 : memref<16xf32, #tpu.memory_space<vmem>>) dst(%dma_wait3A_390 : memref<16xf32, #tpu.memory_space<vmem_shared>>)
      tpu.yield
    }) : () -> ()
    %barrier3A_384 = arith.constant 0 : index
    tpu.barrier barrier_id(%barrier3A_384)
    %eq3A_385 = arith.constant 0 : i32
    %eq3A_386 = arith.cmpi eq, %arg1, %eq3A_385 : i32
    %convert_element_type3A = arith.extui %eq3A_386 : i1 to i32
    %cond3A = arith.constant 0 : i32
    %cond3A_387 = arith.cmpi ne, %convert_element_type3A, %cond3A : i32
    scf.if %cond3A_387 {
      "tpu.region"() ({
        %run_scoped3A = tpu.sem_alloc : memref<!tpu.dma_semaphore, #tpu.memory_space<semaphore_mem>>
        tpu.enqueue_dma source(%arg27 : memref<256xf32, #tpu.memory_space<vmem_shared>>) target(%arg25 : memref<256xf32, #tpu.memory_space<vmem>>) target_semaphore(%run_scoped3A : memref<!tpu.dma_semaphore, #tpu.memory_space<semaphore_mem>>)
        tpu.wait_dma2 semaphore(%run_scoped3A : memref<!tpu.dma_semaphore, #tpu.memory_space<semaphore_mem>>) src(%arg27 : memref<256xf32, #tpu.memory_space<vmem_shared>>) dst(%arg25 : memref<256xf32, #tpu.memory_space<vmem>>)
        tpu.yield
      }) : () -> ()
      %broadcast_in_dim3A_388 = arith.constant 0.000000e+00 : f32
      %broadcast_in_dim3A_389 = vector.broadcast %broadcast_in_dim3A_388 : f32 to vector<16xf32>
      %get3A_390 = arith.constant 0 : index
      %get3A_391 = tpu.vector_load %arg25[%get3A_390] {strides = array<i32>} : memref<256xf32, #tpu.memory_space<vmem>>, vector<16xf32>,
      %add3A_392 = arith.addf %broadcast_in_dim3A_389, %get3A_391 : vector<16xf32>
      %get3A_393 = arith.constant 16 : index
      %get3A_394 = tpu.vector_load %arg25[%get3A_393] {strides = array<i32>} : memref<256xf32, #tpu.memory_space<vmem>>, vector<16xf32>,
      %add3A_395 = arith.addf %add3A_392, %get3A_394 : vector<16xf32>
      %get3A_396 = arith.constant 32 : index
      %get3A_397 = tpu.vector_load %arg25[%get3A_396] {strides = array<i32>} : memref<256xf32, #tpu.memory_space<vmem>>, vector<16xf32>,
      %add3A_398 = arith.addf %add3A_395, %get3A_397 : vector<16xf32>
      %get3A_399 = arith.constant 48 : index
      %get3A_400 = tpu.vector_load %arg25[%get3A_399] {strides = array<i32>} : memref<256xf32, #tpu.memory_space<vmem>>, vector<16xf32>,
      %add3A_401 = arith.addf %add3A_398, %get3A_400 : vector<16xf32>
      %get3A_402 = arith.constant 64 : index
      %get3A_403 = tpu.vector_load %arg25[%get3A_402] {strides = array<i32>} : memref<256xf32, #tpu.memory_space<vmem>>, vector<16xf32>,
      %add3A_404 = arith.addf %add3A_401, %get3A_403 : vector<16xf32>
      %get3A_405 = arith.constant 80 : index
      %get3A_406 = tpu.vector_load %arg25[%get3A_405] {strides = array<i32>} : memref<256xf32, #tpu.memory_space<vmem>>, vector<16xf32>,
      %add3A_407 = arith.addf %add3A_404, %get3A_406 : vector<16xf32>
      %get3A_408 = arith.constant 96 : index
      %get3A_409 = tpu.vector_load %arg25[%get3A_408] {strides = array<i32>} : memref<256xf32, #tpu.memory_space<vmem>>, vector<16xf32>,
      %add3A_410 = arith.addf %add3A_407, %get3A_409 : vector<16xf32>
      %get3A_411 = arith.constant 112 : index
      %get3A_412 = tpu.vector_load %arg25[%get3A_411] {strides = array<i32>} : memref<256xf32, #tpu.memory_space<vmem>>, vector<16xf32>,
      %add3A_413 = arith.addf %add3A_410, %get3A_412 : vector<16xf32>
      %get3A_414 = arith.constant 128 : index
      %get3A_415 = tpu.vector_load %arg25[%get3A_414] {strides = array<i32>} : memref<256xf32, #tpu.memory_space<vmem>>, vector<16xf32>,
      %add3A_416 = arith.addf %add3A_413, %get3A_415 : vector<16xf32>
      %get3A_417 = arith.constant 144 : index
      %get3A_418 = tpu.vector_load %arg25[%get3A_417] {strides = array<i32>} : memref<256xf32, #tpu.memory_space<vmem>>, vector<16xf32>,
      %add3A_419 = arith.addf %add3A_416, %get3A_418 : vector<16xf32>
      %get3A_420 = arith.constant 160 : index
      %get3A_421 = tpu.vector_load %arg25[%get3A_420] {strides = array<i32>} : memref<256xf32, #tpu.memory_space<vmem>>, vector<16xf32>,
      %add3A_422 = arith.addf %add3A_419, %get3A_421 : vector<16xf32>
      %get3A_423 = arith.constant 176 : index
      %get3A_424 = tpu.vector_load %arg25[%get3A_423] {strides = array<i32>} : memref<256xf32, #tpu.memory_space<vmem>>, vector<16xf32>,
      %add3A_425 = arith.addf %add3A_422, %get3A_424 : vector<16xf32>
      %get3A_426 = arith.constant 192 : index
      %get3A_427 = tpu.vector_load %arg25[%get3A_426] {strides = array<i32>} : memref<256xf32, #tpu.memory_space<vmem>>, vector<16xf32>,
      %add3A_428 = arith.addf %add3A_425, %get3A_427 : vector<16xf32>
      %get3A_429 = arith.constant 208 : index
      %get3A_430 = tpu.vector_load %arg25[%get3A_429] {strides = array<i32>} : memref<256xf32, #tpu.memory_space<vmem>>, vector<16xf32>,
      %add3A_431 = arith.addf %add3A_428, %get3A_430 : vector<16xf32>
      %get3A_432 = arith.constant 224 : index
      %get3A_433 = tpu.vector_load %arg25[%get3A_432] {strides = array<i32>} : memref<256xf32, #tpu.memory_space<vmem>>, vector<16xf32>,
      %add3A_434 = arith.addf %add3A_431, %get3A_433 : vector<16xf32>
      %get3A_435 = arith.constant 240 : index
      %get3A_436 = tpu.vector_load %arg25[%get3A_435] {strides = array<i32>} : memref<256xf32, #tpu.memory_space<vmem>>, vector<16xf32>,
      %add3A_437 = arith.addf %add3A_434, %get3A_436 : vector<16xf32>
      %swap3A_438 = arith.constant 0 : index
      %swap3A_439 = tpu.vector_load %arg26[%swap3A_438] {strides = array<i32>} : memref<16xf32, #tpu.memory_space<vmem>>, vector<16xf32>,
      tpu.vector_store %arg26[%swap3A_438], %add3A_437 {strides = array<i32>} : memref<16xf32, #tpu.memory_space<vmem>>, vector<16xf32>,
      "tpu.region"() ({
        %run_scoped3A = tpu.sem_alloc : memref<!tpu.dma_semaphore, #tpu.memory_space<semaphore_mem>>
        tpu.enqueue_dma source(%arg26 : memref<16xf32, #tpu.memory_space<vmem>>) target(%arg3 : memref<16xf32, #tpu.memory_space<hbm>>) target_semaphore(%run_scoped3A : memref<!tpu.dma_semaphore, #tpu.memory_space<semaphore_mem>>)
        tpu.wait_dma2 semaphore(%run_scoped3A : memref<!tpu.dma_semaphore, #tpu.memory_space<semaphore_mem>>) src(%arg26 : memref<16xf32, #tpu.memory_space<vmem>>) dst(%arg3 : memref<16xf32, #tpu.memory_space<hbm>>)
        tpu.yield
      }) : () -> ()
    } else {
    }
    return
  }
}

</mosaic_0001>

<sc_bundles>
// kernel: kernel.4.cloned.1.call-start
scs
__scs_entry_jumppad:
0x0: {  	(pc) =	sbr.rel $0x88, $3  }
0x1: {  	(tag) =	ssettag $0x0;
	lr =	simm.s32 $0x1  }
0x2: {  	[smem:$0x3F9F] =	sst lr;
	_ =	strace $0xD0000000  }
0x3: {  	_ = 	snop  }
0x4: {  	_ = 	snop  }
0x5: {  	_ = 	snop  }
0x6: {  	_ = 	snop  }
0x7: {  	_ = 	snop  }
__scs_overlays_trampoline_lowered:
0x8: {  	[smem:$0x3FAE] =	sst s0  }
0x9: {  	[smem:$0x3FAF] =	sst s1  }
0xa: {  	[smem:$0x3FB0] =	sst s2  }
0xb: {  	[smem:$0x3FB1] =	sst s3  }
0xc: {  	[smem:$0x3FB2] =	sst s4  }
0xd: {  	[smem:$0x3FB3] =	sst s5  }
0xe: {  	[smem:$0x3FB4] =	sst s6  }
0xf: {  	[smem:$0x3FB5] =	sst s7  }
0x10: {  	[smem:$0x3FB6] =	sst s8  }
0x11: {  	[smem:$0x3FB7] =	sst s9;
	s0 =	simm.s32 @!p0 $0x0  }
0x12: {  	s1 =	sld [smem:$0x3F9D];
	s0 =	simm.s32 @p0 $0x1  }
0x13: {  	[smem:$0x3FB8] =	sst s0;
	s0 =	simm.s32 @!p1 $0x0  }
0x14: {  	s2 =	sld [smem:$0x3F9C];
	s0 =	simm.s32 @p1 $0x1  }
0x15: {  	[smem:$0x3FB9] =	sst s0;
	s0 =	simm.s32 @!p2 $0x0  }
0x16: {  	s3 =	sld [smem:$0x3FDB];
	s0 =	simm.s32 @p2 $0x1  }
0x17: {  	s4 =	simm.s32 $0x1BF5;
	[smem:$0x3FBB] =	sst s0  }
0x18: {  	s0 =	sld [smem:$0x3F9E];
	_ =	swait.ge [sflag:s4], $0x0  }
0x19: {  	s7 =	sld [smem:$0x3F9F]  }
0x1a: {  	s8 =	sadd.s32 $0xFFFFE003, lr  }
0x1b: {  	s9 =	sadd.s32 $0xFFFFFEF7, lr;
	s5 =	simm.s32 $0xFFFFFFFF;
	p2 =	slt.u32 s8, $0xFFFFF086  }
0x1c: {  	p1 =	slt.u32 s9, $0xF7A;
	s5 =	simm.s32 @!p2 $0x0  }
0x1d: {  	s5 =	simm.s32 @p1 $0x1;
	p0 =	seq.s32 s7, s2  }
0x1e: {  	s7 =	smul.u32 @!p0 $0xF7A, s2;
	p2 =	seq.s32 @!p0 s5, $0x0  }
0x1f: {  	s9 =	smul.u32 $0xF7A, s1;
	s8 =	simm.s32 @!p0 $0x1BF5;
	p2 =	por !p2, p0  }
0x20: {  	[sflag:s8] =	ssyncset.s32 @!p0 $0xFFFFF086;
	s6 =	sadd.s32 @!p0 s3, s7;
	s7 =	simm.s32 @!p0 $0x108  }
0x21: {  	s3 =	sadd.s32 s3, s9;
	s6 =	sadd.s32 @!p0 $0x88, s6;
	s7 =	simm.s32 @p2 $0x1082  }
0x22: {  	[simem:s7], [sflag:s8] =	dma.local @!p0 [hbm:s6], $0xF7A  }
0x23: {  	s9 =	sor.u32 $0xD0000000, s2;
	s6 =	simm.s32 $0x108;
	_ =	swait.ge @!p0 [sflag:s8], $0x0  }
0x24: {  	s3 =	sadd.s32 $0x88, s3;
	s6 =	simm.s32 @!p1 $0x1082;
	[sflag:s4] =	ssyncset.s32 $0xFFFFF086  }
0x25: {  	[simem:s6], [sflag:s4] =	dma.local [hbm:s3], $0xF7A  }
0x26: {  	[smem:$0x3F9F] =	sst s1;
	(tag) =	ssettag s2;
	_ =	strace s9  }
0x27: {  	s1 =	sld [smem:$0x3FAF]  }
0x28: {  	s2 =	sld [smem:$0x3FB0]  }
0x29: {  	s4 =	sld [smem:$0x3FB2]  }
0x2a: {  	p0 =	seq.s32 s5, $0x0;
	s5 =	sld [smem:$0x3FB3]  }
0x2b: {  	s6 =	sld [smem:$0x3FB4]  }
0x2c: {  	s7 =	sld [smem:$0x3FB5]  }
0x2d: {  	s3 =	simm.s32 $0x108;
	s8 =	sld [smem:$0x3FB6]  }
0x2e: {  	s3 =	simm.s32 @!p0 $0x1082;
	s9 =	sld [smem:$0x3FB7]  }
0x2f: {  	lr =	sadd.s32 s0, s3;
	s0 =	sld [smem:$0x3FAE]  }
0x30: {  	s3 =	sld [smem:$0x3FB1]  }
0x31: {  	[smem:$0x3FBA] =	sst s10  }
0x32: {  	s10 =	sld [smem:$0x3FB8];
	_ =	sdelay $0x3  }
0x33: {  	p0 =	seq.s32 s10, $0x1;
	s10 =	sld [smem:$0x3FBA];
	_ =	sdelay $0x3  }
0x34: {  	[smem:$0x3FBA] =	sst s10  }
0x35: {  	s10 =	sld [smem:$0x3FB9];
	_ =	sdelay $0x3  }
0x36: {  	p1 =	seq.s32 s10, $0x1;
	s10 =	sld [smem:$0x3FBA];
	_ =	sdelay $0x3  }
0x37: {  	[smem:$0x3FBA] =	sst s10  }
0x38: {  	s10 =	sld [smem:$0x3FBB]  }
0x39: {  	_ = 	snop;
	(pc) =	sbr.ind lr, $3  }
0x3a: {  	_ = 	snop  }
0x3b: {  	_ = 	snop  }
0x3c: {  	p2 =	seq.s32 s10, $0x1;
	s10 =	sld [smem:$0x3FBA]  }
0x3d: {  	_ =	shalt  }
0x3e: {  	_ =	shalt  }
0x3f: {  	_ =	shalt  }
0x40: {  	_ =	shalt  }
0x41: {  	_ =	shalt  }
0x42: {  	_ =	shalt  }
0x43: {  	_ =	shalt  }
0x44: {  	_ =	shalt  }
0x45: {  	_ =	shalt  }
0x46: {  	_ =	shalt  }
0x47: {  	_ =	shalt  }
0x48: {  	_ =	shalt  }
0x49: {  	_ =	shalt  }
0x4a: {  	_ =	shalt  }
0x4b: {  	_ =	shalt  }
0x4c: {  	_ =	shalt  }
0x4d: {  	_ =	shalt  }
0x4e: {  	_ =	shalt  }
0x4f: {  	_ =	shalt  }
0x50: {  	_ =	shalt  }
0x51: {  	_ =	shalt  }
0x52: {  	_ =	shalt  }
0x53: {  	_ =	shalt  }
0x54: {  	_ =	shalt  }
0x55: {  	_ =	shalt  }
0x56: {  	_ =	shalt  }
0x57: {  	_ =	shalt  }
0x58: {  	_ =	shalt  }
0x59: {  	_ =	shalt  }
0x5a: {  	_ =	shalt  }
0x5b: {  	_ =	shalt  }
0x5c: {  	_ =	shalt  }
0x5d: {  	_ =	shalt  }
0x5e: {  	_ =	shalt  }
0x5f: {  	_ =	shalt  }
0x60: {  	_ =	shalt  }
0x61: {  	_ =	shalt  }
0x62: {  	_ =	shalt  }
0x63: {  	_ =	shalt  }
0x64: {  	_ =	shalt  }
0x65: {  	_ =	shalt  }
0x66: {  	_ =	shalt  }
0x67: {  	_ =	shalt  }
0x68: {  	_ =	shalt  }
0x69: {  	_ =	shalt  }
0x6a: {  	_ =	shalt  }
0x6b: {  	_ =	shalt  }
0x6c: {  	_ =	shalt  }
0x6d: {  	_ =	shalt  }
0x6e: {  	_ =	shalt  }
0x6f: {  	_ =	shalt  }
0x70: {  	_ =	shalt  }
0x71: {  	_ =	shalt  }
0x72: {  	_ =	shalt  }
0x73: {  	_ =	shalt  }
0x74: {  	_ =	shalt  }
0x75: {  	_ =	shalt  }
0x76: {  	_ =	shalt  }
0x77: {  	_ =	shalt  }
0x78: {  	_ =	shalt  }
0x79: {  	_ =	shalt  }
0x7a: {  	_ =	shalt  }
0x7b: {  	_ =	shalt  }
0x7c: {  	_ =	shalt  }
0x7d: {  	_ =	shalt  }
0x7e: {  	_ =	shalt  }
0x7f: {  	_ =	shalt  }
0x80: {  	_ =	shalt  }
0x81: {  	_ =	shalt  }
0x82: {  	_ =	shalt  }
0x83: {  	_ =	shalt  }
0x84: {  	_ =	shalt  }
0x85: {  	_ =	shalt  }
0x86: {  	_ =	shalt  }
0x87: {  	_ =	shalt  }
.Lfunc_end0:
.L_simem_size_0:
called_computation_lowered:
.L_overlay_start_0:
0x88: {  	s2 =	sld [smem:$0x3FD9]  }
0x89: {  	s3 =	sld [smem:$0x3FFE];
	_ =	sdelay $0x1  }
0x8a: {  	s1 =	srdreg.scid  }
0x8b: {  	s0 =	sand.u32 $0x1, s1  }
0x8c: {  	s17 =	sshll.u32 s0, $0xA;
	s2 =	sadd.s32 s3, s2  }
0x8d: {  	s2 =	sadd.s32 s2, s17  }
0x8e: {  	[smem:$0x3FC6] =	sst s2  }
0x8f: {  	_ = 	snop  }
0x90: {  	s2 =	sld [smem:$0x3FC9]  }
0x91: {  	s18 =	sld [smem:$0x3FC8];
	(tm) =	ssettm $0x1  }
0x92: {  	s4 =	sld [smem:$0x3FFB];
	_ =	sdelay $0x3  }
0x93: {  	_ =	strace s4  }
0x94: {  	s4 =	sld [smem:$0x3FFC];
	_ =	sdelay $0x3  }
0x95: {  	_ =	strace s4  }
0x96: {  	s4 =	sld [smem:$0x3FFD];
	_ =	sdelay $0x3  }
0x97: {  	_ =	strace s4  }
0x98: {  	_ =	strace $0x8FFFFFFF  }
0x99: {  	s19 =	sld [smem:$0x3FDB];
	_ =	sdelay $0x1  }
0x9a: {  	s5 =	simm.s32 $_scs_section_size  }
0x9b: {  	s6 =	simm.s32 $_size__tile_overlayer_lowered;
	s7 =	simm.s32 $_tile_overlayer_lowered  }
0x9c: {  	s22 =	simm.s32 $0x1BFF;
	s21 =	sshll.u32 s7, $0x1;
	s4 =	sadd.s32 s5, s19  }
0x9d: {  	s8 =	simm.s32 $0x0;
	s20 =	sshll.u32 s6, $0x1;
	s6 =	sadd.s32 s21, s4  }
0x9e: {  	[timem:s8], [sflag:s22] =	dma.local [hbm:s6], s20  }
0x9f: {  	_ =	swait.ge [sflag:s22], s20  }
0xa0: {  	s5 =	ssub.s32 $0x0, s20;
	[sflag:s22] =	ssyncset.done $0x0  }
0xa1: {  	[sflag:s22] =	ssyncadd.s32 s5;
	_ =	sdelay $0x1  }
0xa2: {  	s23 =	simm.s32 $0x1B8B  }
0xa3: {  	_ =	swait.ge [sflag:s23], $0x1  }
0xa4: {  	[sflag:s23] =	ssyncset.done $0x0  }
0xa5: {  	s25 =	simm.s32 $0x1B8E;
	s24 =	sld [smem:$0x3FFE];
	[sflag:s23] =	ssyncadd.s32 $0xFFFFFFFF  }
0xa6: {  	s26 =	simm.s32 $execute0_lowered;
	[smem:$0x3FD2] =	sst s25  }
0xa7: {  	s6 =	sshll.u32 s26, $0x1;
	_ =	strace $0x80000046;
	[dreg:$0x1] =	wrdreg $0xFFFFFFFF  }
0xa8: {  	s28 =	simm.s32 $_size_execute0_lowered;
	s4 =	sadd.s32 s4, s6;
	[dreg:$0x0] =	wrdreg $0x0  }
0xa9: {  	s6 =	sshll.u32 s28, $0x1;
	[dreg:$0x2] =	wrdreg s4  }
0xaa: {  	[dreg:$0x3] =	wrdreg s6  }
0xab: {  	[dreg:$0x4] =	wrdreg $0xC0  }
0xac: {  	_ =	task [dreg:s8], $0x5FFFF  }
0xad: {  	[dreg:$0x1] =	wrdreg $0xFFFFFFFF  }
0xae: {  	[dreg:$0x0] =	wrdreg $0x60  }
0xaf: {  	[dreg:$0x2] =	wrdreg s2  }
0xb0: {  	[dreg:$0x3] =	wrdreg s18  }
0xb1: {  	[dreg:$0x4] =	wrdreg s24  }
0xb2: {  	[dreg:$0x5] =	wrdreg $0x9  }
0xb3: {  	_ =	task.clear_ibuf [dreg:s8], $0x6FFFF;
	_ =	strace $0x90000046  }
0xb4: {  	s29 =	simm.s32 $0x9;
	_ =	strace $0x80000048  }
0xb5: {  	_ =	swait.ge [sflag:s29], $0x1  }
0xb6: {  	[sflag:s29] =	ssyncadd.s32 $0xFFFFFFFF  }
0xb7: {  	_ =	strace $0x90000048  }
0xb8: {  	_ =	sfence  }
0xb9: {  	s30 =	sld [smem:$0x0];
	_ =	sdelay $0x2  }
0xba: {  	s31 =	sshll.u32 s1, $0xD;
	s1 =	sshrl.u32 s1, $0x2  }
0xbb: {  	s3 =	sand.u32 $0x4000, s31;
	s1 =	sadd.s32 s1, s30  }
0xbc: {  	s0 =	sor.u32 s3, s0;
	s1 =	sshll.u32 s1, $0x11  }
0xbd: {  	s0 =	sor.u32 s1, s0  }
0xbe: {  	s0 =	sadd.s32 $0x8F2B, s0  }
0xbf: {  	[sflag:s0] =	ssyncadd.remote.s32 $0x1  }
0xc0: {  	_ =	sfence.sel $0xFFFF  }
0xc1: {  	[dreg:$0x0] =	wrdreg $0xFFFFFFFF;
	(pc) =	sbr.abs _section_cstart, $3  }
0xc2: {  	[dreg:$0x1] =	wrdreg $0xFFFFFFFF  }
0xc3: {  	_ =	task.clear_ibuf [dreg:s8], $0x2FFFF;
	_ =	strace $0x9FFFFFFF  }
0xc4: {  	(tm) =	ssettm $0x7FFFFFFF  }
0xc5: {  	_ =	shalt  }
tec
execute0_lowered:
.L_overlay_start_1:
0x0: {  	(tag) =	ssettag $0x1  }
0x1: {  	s1 =	rddreg [dreg:$0x0]  }
0x2: {  	s2 =	rddreg [dreg:$0x1]  }
0x3: {  	s0 =	rddreg [dreg:$0x2];
	s3 =	srdreg.scid;
	s4 =	simm.s32 $0x0  }
0x4: {  	s6 =	stileid.u32;
	s16 =	simm.s32 $0x4000;
	s17 =	simm.s32 $0x2000  }
0x5: {  	s18 =	simm.s32 $0x6000;
	s19 =	simm.s32 $0x1;
	s20 =	simm.s32 $0x8000  }
0x6: {  	s21 =	simm.s32 $0x10000;
	s22 =	simm.s32 $0x2;
	s23 =	simm.s32 $0x80  }
0x7: {  	s24 =	simm.s32 $0x200;
	s25 =	simm.s32 $0x3;
	s26 =	simm.s32 $0xC000  }
0x8: {  	s28 =	simm.s32 $0x14000;
	s29 =	simm.s32 $0x0;
	s3 =	sand.u32 $0x1, s3  }
0x9: {  	[smem:$0x7FF] =	sst s4;
	s5 =	sshll.u32 s3, $0x4;
	s3 =	ssub.s32 $0x2, s3  }
0xa: {  	_ =	strace $0x80000047;
	s5 =	sor.u32 s6, s5;
	s31 =	sshrl.u32 s3, $0x1  }
0xb: {  	s6 =	sshll.u32 s5, $0xC;
	s7 =	sshll.u32 s5, $0xE;
	s3 =	ssub.s32 s3, s31  }
.Ltmp0:
0xc: {  	s10 =	sshll.u32 s5, $0x11;
	s0 =	sadd.s32 s6, s0;
	(pc) =	sbr.rel .LBB2_1-.Ltmp0, $4  }
0xd: {  	s8 =	sor.u32 $0x400, s7;
	s5 =	sadd.s32 s1, s7;
	s6 =	sadd.s32 s2, s7  }
0xe: {  	s9 =	sor.u32 $0x4000, s10;
	s10 =	sor.u32 $0x6000, s10;
	s15 =	smax.u32 s3, $0x1  }
0xf: {  	s7 =	sadd.s32 s1, s8;
	s8 =	sadd.s32 s2, s8;
	s11 =	sadd.s32 $0x800, s0  }
0x10: {  	v0 =	vimm.f32 $0.0e+00;
	v1 =	vimm.f32 $1.000000000e+00;
	s12 =	sadd.s32 $0x810, s0;
	s13 =	sadd.s32 $0x820, s0;
	s14 =	sadd.s32 $0x830, s0  }
.LBB2_10:
0x11: {  	[tilespmem:$0xDFE0] =	vst v4  }
0x12: {  	[hbm4b:s11+s23] =	stream.strided.scatter [tilespmem:s20], [sflag:$0x3], $0x2000, s24, s23, $0x38;
	[tilespmem:$0x18000] =	vst v63  }
0x13: {  	_ =	swait.ge [sflag:s25], $0x2000  }
0x14: {  	[sflag:s25] =	ssyncset.done $0x0  }
0x15: {  	[sflag:s25] =	ssyncadd.s32 $0xFFFFE000  }
0x16: {  	[hbm4b:s12+s23] =	stream.strided.scatter [tilespmem:s26], [sflag:$0x3], $0x2000, s24, s23, $0x38;
	[tilespmem:$0x18000] =	vst v63  }
0x17: {  	_ =	swait.ge [sflag:s25], $0x2000  }
0x18: {  	[sflag:s25] =	ssyncset.done $0x0  }
0x19: {  	[sflag:s25] =	ssyncadd.s32 $0xFFFFE000  }
0x1a: {  	[hbm4b:s13+s23] =	stream.strided.scatter [tilespmem:s21], [sflag:$0x3], $0x2000, s24, s23, $0x38;
	[tilespmem:$0x18000] =	vst v63  }
0x1b: {  	s29 =	sadd.s32 $0x1, s29;
	_ =	swait.ge [sflag:s25], $0x2000  }
0x1c: {  	p0 =	sne.s32 s29, s15;
	[sflag:s25] =	ssyncset.done $0x0  }
.Ltmp1:
0x1d: {  	[sflag:s25] =	ssyncadd.s32 $0xFFFFE000;
	(pc) =	sbr.rel @!p0 .LBB2_11-.Ltmp1, $4  }
0x1e: {  	[hbm4b:s14+s23] =	stream.strided.scatter [tilespmem:s28], [sflag:$0x3], $0x2000, s24, s23, $0x38;
	[tilespmem:$0x18000] =	vst v63  }
0x1f: {  	_ =	swait.ge [sflag:s25], $0x2000  }
0x20: {  	[sflag:s25] =	ssyncset.done $0x0  }
0x21: {  	[sflag:s25] =	ssyncadd.s32 $0xFFFFE000  }
.LBB2_1:
0x22: {  	s3 =	simm.s32 $0x40;
	s0 =	simm.s32 $0x0  }
.LBB2_2:
0x23: {  	p0 =	sne.s32 s3, $0x7FC0;
	[tilespmem:s0+$0x14000] =	vst v0;
	s30 =	smov.u32 s3;
	s3 =	sadd.s32 $0x40, s3  }
.Ltmp2:
0x24: {  	[tilespmem:s0+$0x10000] =	vst v0;
	(pc) =	sbr.rel @p0 .LBB2_2-.Ltmp2, $3  }
0x25: {  	[tilespmem:s0+$0x8000] =	vst v0  }
0x26: {  	[tilespmem:s0+$0xC000] =	vst v0;
	_ =	sdelay $0x1  }
0x27: {  	s0 =	sshra.s32 s30, $0x2  }
0x28: {  	[tilespmem:s0+$0x14000] =	vst v0  }
0x29: {  	[tilespmem:s0+$0x10000] =	vst v0  }
0x2a: {  	[tilespmem:s0+$0x8000] =	vst v0  }
0x2b: {  	[tilespmem:s0+$0xC000] =	vst v0;
	s30 =	simm.s32 $0x0  }
0x2c: {  	[tilespmem:s30], [sflag:$0x1] =	stream.linear.gather [hbm4b:s5+s30], $0x2000, $0x38;
	[tilespmem:$0x18000] =	vst v63  }
0x2d: {  	_ = 	snop  }
0x2e: {  	[tilespmem:s16], [sflag:$0x1] =	stream.linear.gather [hbm4b:s6+s30], $0x2000, $0x38;
	[tilespmem:$0x18000] =	vst v63  }
0x2f: {  	_ = 	snop  }
0x30: {  	[tilespmem:s17], [sflag:$0x2] =	stream.linear.gather [hbm4b:s7+s30], $0x2000, $0x38;
	[tilespmem:$0x18000] =	vst v63  }
0x31: {  	_ = 	snop  }
0x32: {  	v4 =	vimm.f32 $0.0e+00;
	[tilespmem:s18], [sflag:$0x2] =	stream.linear.gather [hbm4b:s8+s30], $0x2000, $0x38;
	[tilespmem:$0x18000] =	vst v63  }
.LBB2_4:
0x33: {  	_ =	swait.ge [sflag:s19], $0x2000  }
0x34: {  	[sflag:s19] =	ssyncset.done $0x0  }
0x35: {  	[sflag:s19] =	ssyncadd.s32 $0xFFFFE000  }
0x36: {  	_ =	swait.ge [sflag:s19], $0x2000  }
0x37: {  	[sflag:s19] =	ssyncset.done $0x0  }
0x38: {  	s31 =	simm.s32 $0x4040;
	[sflag:s19] =	ssyncadd.s32 $0xFFFFE000  }
0x39: {  	v2 =	vld [tilespmem:s31+$0xFFFFFFC0]  }
0x3a: {  	v3 =	vld [tilespmem:s31+$0xFFFFFFD0]  }
0x3b: {  	v5 =	vld [tilespmem:s31+$0xFFFFFFE0];
	_ =	sdelay $0x2  }
0x3c: {  	v6 =	vcvt.s32.f32 v2  }
0x3d: {  	s0 =	simm.s32 $0x40;
	v8 =	vld [tilespmem:s31+$0xFFFFFFF0]  }
0x3e: {  	v9 =	vld [tilespmem:s0+$0xFFFFFFC0];
	v10 =	vcvt.s32.f32 v3;
	v13 =	vcvt.s32.f32 v5;
	v7 =	vadd.f32 v6, v4  }
0x3f: {  	v6 =	vadd.f32 v6, v6;
	v4 =	vld [tilespmem:s31+$0x0]  }
0x40: {  	v12 =	vld [tilespmem:s0+$0xFFFFFFD0];
	v2 =	vshll.u32 v2, $0xE;
	v15 =	vadd.f32 v13, v13;
	v11 =	vadd.f32 v10, v7  }
0x41: {  	v3 =	vshll.u32 v3, $0xE;
	v10 =	vadd.f32 v10, v10;
	v14 =	vadd.f32 $-1.000000000e+00, v6;
	v6 =	vld [tilespmem:s31+$0x10]  }
0x42: {  	v7 =	vshll.u32 v5, $0xE;
	v5 =	vld [tilespmem:s0+$0xFFFFFFE0];
	v11 =	vadd.f32 v13, v11;
	v13 =	vcvt.s32.f32 v8  }
0x43: {  	v9 =	vmul.f32 v14, v9;
	v14 =	vadd.f32 $-1.000000000e+00, v10;
	v10 =	vshll.u32 v8, $0xE;
	v8 =	vld [tilespmem:s31+$0x20]  }
0x44: {  	v16 =	vld [tilespmem:s0+$0xFFFFFFF0];
	v18 =	vcvt.s32.f32 v4;
	v17 =	vadd.f32 v13, v13;
	v13 =	vadd.f32 v13, v11  }
0x45: {  	v11 =	vsub.f32 $1.000000000e+00, v9;
	v12 =	vmul.f32 v14, v12;
	v14 =	vadd.f32 $-1.000000000e+00, v15;
	v9 =	vld [tilespmem:s31+$0x30]  }
0x46: {  	v15 =	vld [tilespmem:s0+$0x0];
	v19 =	vadd.f32 v18, v18;
	v13 =	vadd.f32 v18, v13;
	v18 =	vcvt.s32.f32 v6  }
0x47: {  	v12 =	vsub.f32 $1.000000000e+00, v12;
	v5 =	vmul.f32 v14, v5;
	v14 =	vadd.f32 $-1.000000000e+00, v17  }
0x48: {  	v17 =	vld [tilespmem:s0+$0x10];
	v21 =	vcvt.s32.f32 v8;
	v20 =	vadd.f32 v18, v18;
	v18 =	vadd.f32 v18, v13  }
0x49: {  	v13 =	vsub.f32 $1.000000000e+00, v5;
	v5 =	vmul.f32 v14, v16;
	v16 =	vadd.f32 $-1.000000000e+00, v19  }
0x4a: {  	v23 =	vld [tilespmem:s0+$0x20];
	v19 =	vadd.f32 v21, v21;
	v18 =	vadd.f32 v21, v18;
	v21 =	vcvt.s32.f32 v9  }
0x4b: {  	v24 =	vld [tilespmem:s0+$0x30];
	v25 =	vshrl.u32 v11, $0x1;
	v15 =	vmul.f32 v16, v15;
	v16 =	vadd.f32 $-1.000000000e+00, v20  }
0x4c: {  	v22 =	vshrl.u32 v12, $0x1;
	v14 =	vsub.f32 $1.000000000e+00, v5;
	v20 =	vadd.f32 v21, v21  }
0x4d: {  	v5 =	vadd.f32 v21, v18;
	v16 =	vmul.f32 v16, v17;
	v17 =	vadd.f32 $-1.000000000e+00, v19  }
0x4e: {  	v15 =	vsub.f32 $1.000000000e+00, v15;
	v19 =	vshrl.u32 v13, $0x1;
	v18 =	vadd.f32 $-1.000000000e+00, v20  }
0x4f: {  	v21 =	vshrl.u32 v14, $0x1;
	v16 =	vsub.f32 $1.000000000e+00, v16;
	v20 =	vmul.f32 v17, v23  }
0x50: {  	s3 =	simm.s32 $0xC0;
	s0 =	simm.s32 $0x0;
	v17 =	vshrl.u32 v25, $0x11;
	v23 =	vshrl.u32 v15, $0x1;
	v18 =	vmul.f32 v18, v24  }
.LBB2_5:
0x51: {  	v24 =	vld [tilespmem:s3+$0xFFFFFFC0];
	v22 =	vshrl.u32 v22, $0x11;
	v25 =	vshrl.u32 v16, $0x1;
	v20 =	vsub.f32 $1.000000000e+00, v20  }
0x52: {  	v19 =	vshrl.u32 v19, $0x11;
	v21 =	vshrl.u32 v21, $0x11;
	v26 =	vld [tilespmem:s3+$0xFFFFFFD0];
	v18 =	vsub.f32 $1.000000000e+00, v18  }
0x53: {  	v23 =	vshrl.u32 v23, $0x11;
	v25 =	vshrl.u32 v25, $0x11;
	v27 =	vld [tilespmem:s3+$0xFFFFFFE0];
	v28 =	vshrl.u32 v20, $0x1  }
0x54: {  	v4 =	vshll.u32 v4, $0xE;
	v29 =	vld [tilespmem:s3+$0xFFFFFFF0];
	v28 =	vshrl.u32 v28, $0x11;
	v30 =	vshrl.u32 v18, $0x1  }
0x55: {  	v6 =	vshll.u32 v6, $0xE;
	v8 =	vshll.u32 v8, $0xE;
	v31 =	vld [tilespmem:s3+$0x0];
	v30 =	vshrl.u32 v30, $0x11  }
0x56: {  	s0 =	sadd.s32 $0x8, s0;
	v17 =	vor.u32 v17, v2;
	v2 =	vshll.u32 v9, $0xE;
	s31 =	sadd.s32 $0x80, s31;
	v22 =	vor.u32 v22, v3;
	v32 =	vld [tilespmem:s3+$0x10]  }
0x57: {  	p0 =	slt.u32 s0, $0x1F8;
	v19 =	vor.u32 v19, v7;
	v21 =	vor.u32 v21, v10;
	v23 =	vor.u32 v23, v4;
	v3 =	vld [tilespmem:s31+$0xFFFFFFC0]  }
0x58: {  	v25 =	vor.u32 v25, v6;
	v28 =	vor.u32 v28, v8;
	v30 =	vor.u32 v30, v2;
	v33 =	vld [tilespmem:s3+$0x20]  }
0x59: {  	v6 =	vmax.f32 v11, $0.0e+00;
	v8 =	vmax.f32 v12, $0.0e+00;
	v12 =	vmax.f32 v13, $0.0e+00;
	v4 =	vld [tilespmem:s31+$0xFFFFFFD0]  }
0x5a: {  	v13 =	vmax.f32 v14, $0.0e+00;
	v14 =	vmax.f32 v15, $0.0e+00;
	v15 =	vmax.f32 v16, $0.0e+00;
	v34 =	vld [tilespmem:s3+$0x30]  }
0x5b: {  	v35 =	vmax.f32 v18, $0.0e+00;
	v16 =	vmax.f32 v20, $0.0e+00;
	v7 =	vld [tilespmem:s31+$0xFFFFFFE0]  }
0x5c: {  	v9 =	vcvt.s32.f32 v3;
	v2 =	vshll.u32 v3, $0xE;
	[tilespmem:v17+s20+$0x0] =	vst.idx.add.f32.msk $0xffff, v1  }
0x5d: {  	v10 =	vld [tilespmem:s31+$0xFFFFFFF0]  }
0x5e: {  	v11 =	vadd.f32 v9, v9;
	v5 =	vadd.f32 v9, v5;
	v9 =	vcvt.s32.f32 v4;
	[tilespmem:v17+s21+$0x0] =	vst.idx.add.f32.msk $0xffff, v6  }
0x5f: {  	v3 =	vshll.u32 v4, $0xE;
	v4 =	vld [tilespmem:s31+$0x0]  }
0x60: {  	v17 =	vadd.f32 v9, v9;
	v5 =	vadd.f32 v9, v5;
	v9 =	vcvt.s32.f32 v7;
	[tilespmem:v22+s20+$0x0] =	vst.idx.add.f32.msk $0xffff, v1  }
0x61: {  	v11 =	vadd.f32 $-1.000000000e+00, v11;
	v7 =	vshll.u32 v7, $0xE;
	v6 =	vld [tilespmem:s31+$0x10]  }
0x62: {  	v18 =	vadd.f32 v9, v9;
	v5 =	vadd.f32 v9, v5;
	v9 =	vcvt.s32.f32 v10;
	[tilespmem:v22+s21+$0x0] =	vst.idx.add.f32.msk $0xffff, v8  }
0x63: {  	v11 =	vmul.f32 v11, v24;
	v17 =	vadd.f32 $-1.000000000e+00, v17;
	v10 =	vshll.u32 v10, $0xE;
	v8 =	vld [tilespmem:s31+$0x20]  }
0x64: {  	v20 =	vadd.f32 v9, v9;
	v5 =	vadd.f32 v9, v5;
	v22 =	vcvt.s32.f32 v4;
	[tilespmem:v19+s20+$0x0] =	vst.idx.add.f32.msk $0xffff, v1  }
0x65: {  	v11 =	vsub.f32 $1.000000000e+00, v11;
	v17 =	vmul.f32 v17, v26;
	v18 =	vadd.f32 $-1.000000000e+00, v18;
	v9 =	vld [tilespmem:s31+$0x30]  }
0x66: {  	v24 =	vadd.f32 v22, v22;
	v5 =	vadd.f32 v22, v5;
	v22 =	vcvt.s32.f32 v6;
	[tilespmem:v19+s21+$0x0] =	vst.idx.add.f32.msk $0xffff, v12  }
0x67: {  	v12 =	vsub.f32 $1.000000000e+00, v17;
	v17 =	vmul.f32 v18, v27;
	v18 =	vadd.f32 $-1.000000000e+00, v20;
	[tilespmem:v21+s20+$0x0] =	vst.idx.add.f32.msk $0xffff, v1  }
0x68: {  	v19 =	vadd.f32 v22, v22;
	v5 =	vadd.f32 v22, v5;
	v20 =	vcvt.s32.f32 v8;
	[tilespmem:v21+s21+$0x0] =	vst.idx.add.f32.msk $0xffff, v13  }
0x69: {  	v13 =	vsub.f32 $1.000000000e+00, v17;
	v17 =	vmul.f32 v18, v29;
	v18 =	vadd.f32 $-1.000000000e+00, v24;
	[tilespmem:v23+s20+$0x0] =	vst.idx.add.f32.msk $0xffff, v1  }
0x6a: {  	v21 =	vadd.f32 v20, v20;
	v5 =	vadd.f32 v20, v5;
	v20 =	vcvt.s32.f32 v9;
	[tilespmem:v23+s21+$0x0] =	vst.idx.add.f32.msk $0xffff, v14  }
0x6b: {  	v14 =	vsub.f32 $1.000000000e+00, v17;
	v17 =	vmul.f32 v18, v31;
	v18 =	vadd.f32 $-1.000000000e+00, v19;
	[tilespmem:v25+s20+$0x0] =	vst.idx.add.f32.msk $0xffff, v1  }
.Ltmp3:
0x6c: {  	v23 =	vshrl.u32 v11, $0x1;
	v24 =	vadd.f32 v20, v20;
	v5 =	vadd.f32 v20, v5;
	[tilespmem:v25+s21+$0x0] =	vst.idx.add.f32.msk $0xffff, v15;
	(pc) =	sbr.rel @p0 .LBB2_5-.Ltmp3, $4  }
0x6d: {  	v15 =	vsub.f32 $1.000000000e+00, v17;
	v17 =	vmul.f32 v18, v32;
	v18 =	vadd.f32 $-1.000000000e+00, v21;
	[tilespmem:v28+s20+$0x0] =	vst.idx.add.f32.msk $0xffff, v1  }
0x6e: {  	v22 =	vshrl.u32 v12, $0x1;
	v19 =	vshrl.u32 v13, $0x1;
	v24 =	vadd.f32 $-1.000000000e+00, v24;
	[tilespmem:v28+s21+$0x0] =	vst.idx.add.f32.msk $0xffff, v16  }
0x6f: {  	v21 =	vshrl.u32 v14, $0x1;
	v16 =	vsub.f32 $1.000000000e+00, v17;
	v20 =	vmul.f32 v18, v33;
	[tilespmem:v30+s20+$0x0] =	vst.idx.add.f32.msk $0xffff, v1  }
0x70: {  	s3 =	sadd.s32 $0x80, s3;
	v17 =	vshrl.u32 v23, $0x11;
	v23 =	vshrl.u32 v15, $0x1;
	v18 =	vmul.f32 v24, v34;
	[tilespmem:v30+s21+$0x0] =	vst.idx.add.f32.msk $0xffff, v35  }
0x71: {  	v2 =	vor.u32 v17, v2  }
0x72: {  	v17 =	vshrl.u32 v22, $0x11  }
0x73: {  	v3 =	vor.u32 v17, v3  }
0x74: {  	v17 =	vshrl.u32 v19, $0x11  }
0x75: {  	v7 =	vor.u32 v17, v7  }
0x76: {  	v11 =	vmax.f32 v11, $0.0e+00;
	v17 =	vshrl.u32 v21, $0x11;
	[tilespmem:v2+s20+$0x0] =	vst.idx.add.f32.msk $0xffff, v1  }
0x77: {  	v10 =	vor.u32 v17, v10;
	[tilespmem:v2+s21+$0x0] =	vst.idx.add.f32.msk $0xffff, v11  }
0x78: {  	v4 =	vshll.u32 v4, $0xE;
	v2 =	vshrl.u32 v23, $0x11;
	v11 =	vmax.f32 v12, $0.0e+00;
	[tilespmem:v3+s20+$0x0] =	vst.idx.add.f32.msk $0xffff, v1  }
0x79: {  	v17 =	vsub.f32 $1.000000000e+00, v20;
	v12 =	vshrl.u32 v16, $0x1;
	v2 =	vor.u32 v2, v4;
	[tilespmem:v3+s21+$0x0] =	vst.idx.add.f32.msk $0xffff, v11  }
0x7a: {  	v3 =	vshrl.u32 v12, $0x11;
	v4 =	vshll.u32 v6, $0xE;
	v6 =	vmax.f32 v13, $0.0e+00;
	[tilespmem:v7+s20+$0x0] =	vst.idx.add.f32.msk $0xffff, v1  }
0x7b: {  	v11 =	vsub.f32 $1.000000000e+00, v18;
	v12 =	vshrl.u32 v17, $0x1;
	v3 =	vor.u32 v3, v4;
	[tilespmem:v7+s21+$0x0] =	vst.idx.add.f32.msk $0xffff, v6  }
0x7c: {  	v4 =	vshrl.u32 v12, $0x11;
	v6 =	vshll.u32 v8, $0xE;
	v7 =	vmax.f32 v14, $0.0e+00;
	[tilespmem:v10+s20+$0x0] =	vst.idx.add.f32.msk $0xffff, v1  }
0x7d: {  	v8 =	vshrl.u32 v11, $0x1;
	v4 =	vor.u32 v4, v6;
	[tilespmem:v10+s21+$0x0] =	vst.idx.add.f32.msk $0xffff, v7  }
0x7e: {  	v7 =	vshll.u32 v9, $0xE;
	v6 =	vshrl.u32 v8, $0x11;
	v8 =	vmax.f32 v15, $0.0e+00;
	[tilespmem:v2+s20+$0x0] =	vst.idx.add.f32.msk $0xffff, v1  }
0x7f: {  	v6 =	vor.u32 v6, v7;
	[tilespmem:v2+s21+$0x0] =	vst.idx.add.f32.msk $0xffff, v8  }
0x80: {  	v2 =	vmax.f32 v16, $0.0e+00;
	[tilespmem:v3+s20+$0x0] =	vst.idx.add.f32.msk $0xffff, v1  }
0x81: {  	p0 =	seq.s32 s30, $0x7;
	[tilespmem:v3+s21+$0x0] =	vst.idx.add.f32.msk $0xffff, v2  }
0x82: {  	s0 =	sshll.u32 @!p0 s30, $0xE;
	v2 =	vmax.f32 v17, $0.0e+00;
	[tilespmem:v4+s20+$0x0] =	vst.idx.add.f32.msk $0xffff, v1  }
0x83: {  	s0 =	sadd.s32 @!p0 s0, s9;
	[tilespmem:v4+s21+$0x0] =	vst.idx.add.f32.msk $0xffff, v2  }
0x84: {  	s0 =	sshrl.u32 @!p0 s0, $0x3;
	v2 =	vmax.f32 v11, $0.0e+00;
	[tilespmem:v6+s20+$0x0] =	vst.idx.add.f32.msk $0xffff, v1  }
0x85: {  	s31 =	simm.s32 @!p0 $0x0;
	s3 =	sadd.s32 @!p0 s1, s0;
	[tilespmem:v6+s21+$0x0] =	vst.idx.add.f32.msk $0xffff, v2  }
0x86: {  	[tilespmem:s31], [sflag:$0x1] =	stream.linear.gather @!p0 [hbm4b:s3+s31], $0x2000, $0x38;
	[tilespmem:$0x18000] =	vst v63  }
0x87: {  	s0 =	sadd.s32 @!p0 s2, s0;
	s3 =	simm.s32 @!p0 $0x4000  }
0x88: {  	[tilespmem:s3], [sflag:$0x1] =	stream.linear.gather @!p0 [hbm4b:s0+s31], $0x2000, $0x38;
	[tilespmem:$0x18000] =	vst v63  }
0x89: {  	_ =	swait.ge [sflag:s22], $0x2000  }
0x8a: {  	[sflag:s22] =	ssyncset.done $0x0  }
0x8b: {  	[sflag:s22] =	ssyncadd.s32 $0xFFFFE000  }
0x8c: {  	_ =	swait.ge [sflag:s22], $0x2000  }
0x8d: {  	[sflag:s22] =	ssyncset.done $0x0  }
0x8e: {  	s31 =	simm.s32 $0x6040;
	[sflag:s22] =	ssyncadd.s32 $0xFFFFE000  }
0x8f: {  	v2 =	vld [tilespmem:s31+$0xFFFFFFC0]  }
0x90: {  	v3 =	vld [tilespmem:s31+$0xFFFFFFD0]  }
0x91: {  	v4 =	vld [tilespmem:s31+$0xFFFFFFE0];
	_ =	sdelay $0x2  }
0x92: {  	v6 =	vcvt.s32.f32 v2  }
0x93: {  	s3 =	simm.s32 $0x2040;
	v8 =	vld [tilespmem:s31+$0xFFFFFFF0]  }
0x94: {  	v9 =	vld [tilespmem:s3+$0xFFFFFFC0];
	v10 =	vcvt.s32.f32 v3;
	v13 =	vcvt.s32.f32 v4;
	v7 =	vadd.f32 v6, v5  }
0x95: {  	v6 =	vadd.f32 v6, v6;
	v5 =	vld [tilespmem:s31+$0x0]  }
0x96: {  	v12 =	vld [tilespmem:s3+$0xFFFFFFD0];
	v2 =	vshll.u32 v2, $0xE;
	v15 =	vadd.f32 v13, v13;
	v11 =	vadd.f32 v10, v7  }
0x97: {  	v3 =	vshll.u32 v3, $0xE;
	v10 =	vadd.f32 v10, v10;
	v14 =	vadd.f32 $-1.000000000e+00, v6;
	v6 =	vld [tilespmem:s31+$0x10]  }
0x98: {  	v7 =	vshll.u32 v4, $0xE;
	v4 =	vld [tilespmem:s3+$0xFFFFFFE0];
	v11 =	vadd.f32 v13, v11;
	v13 =	vcvt.s32.f32 v8  }
0x99: {  	v9 =	vmul.f32 v14, v9;
	v14 =	vadd.f32 $-1.000000000e+00, v10;
	v10 =	vshll.u32 v8, $0xE;
	v8 =	vld [tilespmem:s31+$0x20]  }
0x9a: {  	v16 =	vld [tilespmem:s3+$0xFFFFFFF0];
	v18 =	vcvt.s32.f32 v5;
	v17 =	vadd.f32 v13, v13;
	v13 =	vadd.f32 v13, v11  }
0x9b: {  	v11 =	vsub.f32 $1.000000000e+00, v9;
	v12 =	vmul.f32 v14, v12;
	v14 =	vadd.f32 $-1.000000000e+00, v15;
	v9 =	vld [tilespmem:s31+$0x30]  }
0x9c: {  	v15 =	vld [tilespmem:s3+$0x0];
	v19 =	vadd.f32 v18, v18;
	v13 =	vadd.f32 v18, v13;
	v18 =	vcvt.s32.f32 v6  }
0x9d: {  	v12 =	vsub.f32 $1.000000000e+00, v12;
	v4 =	vmul.f32 v14, v4;
	v14 =	vadd.f32 $-1.000000000e+00, v17  }
0x9e: {  	v17 =	vld [tilespmem:s3+$0x10];
	v21 =	vcvt.s32.f32 v8;
	v20 =	vadd.f32 v18, v18;
	v18 =	vadd.f32 v18, v13  }
0x9f: {  	v13 =	vsub.f32 $1.000000000e+00, v4;
	v4 =	vmul.f32 v14, v16;
	v16 =	vadd.f32 $-1.000000000e+00, v19  }
0xa0: {  	v23 =	vld [tilespmem:s3+$0x20];
	v19 =	vadd.f32 v21, v21;
	v18 =	vadd.f32 v21, v18;
	v21 =	vcvt.s32.f32 v9  }
0xa1: {  	v24 =	vld [tilespmem:s3+$0x30];
	v25 =	vshrl.u32 v11, $0x1;
	v15 =	vmul.f32 v16, v15;
	v16 =	vadd.f32 $-1.000000000e+00, v20  }
0xa2: {  	v22 =	vshrl.u32 v12, $0x1;
	v14 =	vsub.f32 $1.000000000e+00, v4;
	v20 =	vadd.f32 v21, v21  }
0xa3: {  	v4 =	vadd.f32 v21, v18;
	v16 =	vmul.f32 v16, v17;
	v17 =	vadd.f32 $-1.000000000e+00, v19  }
0xa4: {  	v15 =	vsub.f32 $1.000000000e+00, v15;
	v19 =	vshrl.u32 v13, $0x1;
	v18 =	vadd.f32 $-1.000000000e+00, v20  }
0xa5: {  	v21 =	vshrl.u32 v14, $0x1;
	v16 =	vsub.f32 $1.000000000e+00, v16;
	v20 =	vmul.f32 v17, v23  }
0xa6: {  	s0 =	simm.s32 $0x0;
	s3 =	simm.s32 $0x20C0;
	v17 =	vshrl.u32 v25, $0x11;
	v23 =	vshrl.u32 v15, $0x1;
	v18 =	vmul.f32 v18, v24  }
.LBB2_7:
0xa7: {  	v24 =	vld [tilespmem:s3+$0xFFFFFFC0];
	v22 =	vshrl.u32 v22, $0x11;
	v25 =	vshrl.u32 v16, $0x1;
	v20 =	vsub.f32 $1.000000000e+00, v20  }
0xa8: {  	v19 =	vshrl.u32 v19, $0x11;
	v21 =	vshrl.u32 v21, $0x11;
	v26 =	vld [tilespmem:s3+$0xFFFFFFD0];
	v18 =	vsub.f32 $1.000000000e+00, v18  }
0xa9: {  	v23 =	vshrl.u32 v23, $0x11;
	v25 =	vshrl.u32 v25, $0x11;
	v27 =	vld [tilespmem:s3+$0xFFFFFFE0];
	v28 =	vshrl.u32 v20, $0x1  }
0xaa: {  	v5 =	vshll.u32 v5, $0xE;
	v29 =	vld [tilespmem:s3+$0xFFFFFFF0];
	v28 =	vshrl.u32 v28, $0x11;
	v30 =	vshrl.u32 v18, $0x1  }
0xab: {  	v6 =	vshll.u32 v6, $0xE;
	v8 =	vshll.u32 v8, $0xE;
	v31 =	vld [tilespmem:s3+$0x0];
	v30 =	vshrl.u32 v30, $0x11  }
0xac: {  	s0 =	sadd.s32 $0x8, s0;
	v17 =	vor.u32 v17, v2;
	v2 =	vshll.u32 v9, $0xE;
	s31 =	sadd.s32 $0x80, s31;
	v22 =	vor.u32 v22, v3;
	v32 =	vld [tilespmem:s3+$0x10]  }
0xad: {  	p1 =	slt.u32 s0, $0x1F8;
	v19 =	vor.u32 v19, v7;
	v21 =	vor.u32 v21, v10;
	v23 =	vor.u32 v23, v5;
	v3 =	vld [tilespmem:s31+$0xFFFFFFC0]  }
0xae: {  	v25 =	vor.u32 v25, v6;
	v28 =	vor.u32 v28, v8;
	v30 =	vor.u32 v30, v2;
	v33 =	vld [tilespmem:s3+$0x20]  }
0xaf: {  	v6 =	vmax.f32 v11, $0.0e+00;
	v8 =	vmax.f32 v12, $0.0e+00;
	v12 =	vmax.f32 v13, $0.0e+00;
	v5 =	vld [tilespmem:s31+$0xFFFFFFD0]  }
0xb0: {  	v13 =	vmax.f32 v14, $0.0e+00;
	v14 =	vmax.f32 v15, $0.0e+00;
	v15 =	vmax.f32 v16, $0.0e+00;
	v34 =	vld [tilespmem:s3+$0x30]  }
0xb1: {  	v35 =	vmax.f32 v18, $0.0e+00;
	v16 =	vmax.f32 v20, $0.0e+00;
	v7 =	vld [tilespmem:s31+$0xFFFFFFE0]  }
0xb2: {  	v9 =	vcvt.s32.f32 v3;
	v2 =	vshll.u32 v3, $0xE;
	[tilespmem:v17+s20+$0x0] =	vst.idx.add.f32.msk $0xffff, v1  }
0xb3: {  	v10 =	vld [tilespmem:s31+$0xFFFFFFF0]  }
0xb4: {  	v11 =	vadd.f32 v9, v9;
	v4 =	vadd.f32 v9, v4;
	v9 =	vcvt.s32.f32 v5;
	[tilespmem:v17+s21+$0x0] =	vst.idx.add.f32.msk $0xffff, v6  }
0xb5: {  	v3 =	vshll.u32 v5, $0xE;
	v5 =	vld [tilespmem:s31+$0x0]  }
0xb6: {  	v17 =	vadd.f32 v9, v9;
	v4 =	vadd.f32 v9, v4;
	v9 =	vcvt.s32.f32 v7;
	[tilespmem:v22+s20+$0x0] =	vst.idx.add.f32.msk $0xffff, v1  }
0xb7: {  	v11 =	vadd.f32 $-1.000000000e+00, v11;
	v7 =	vshll.u32 v7, $0xE;
	v6 =	vld [tilespmem:s31+$0x10]  }
0xb8: {  	v18 =	vadd.f32 v9, v9;
	v4 =	vadd.f32 v9, v4;
	v9 =	vcvt.s32.f32 v10;
	[tilespmem:v22+s21+$0x0] =	vst.idx.add.f32.msk $0xffff, v8  }
0xb9: {  	v11 =	vmul.f32 v11, v24;
	v17 =	vadd.f32 $-1.000000000e+00, v17;
	v10 =	vshll.u32 v10, $0xE;
	v8 =	vld [tilespmem:s31+$0x20]  }
0xba: {  	v20 =	vadd.f32 v9, v9;
	v4 =	vadd.f32 v9, v4;
	v22 =	vcvt.s32.f32 v5;
	[tilespmem:v19+s20+$0x0] =	vst.idx.add.f32.msk $0xffff, v1  }
0xbb: {  	v11 =	vsub.f32 $1.000000000e+00, v11;
	v17 =	vmul.f32 v17, v26;
	v18 =	vadd.f32 $-1.000000000e+00, v18;
	v9 =	vld [tilespmem:s31+$0x30]  }
0xbc: {  	v24 =	vadd.f32 v22, v22;
	v4 =	vadd.f32 v22, v4;
	v22 =	vcvt.s32.f32 v6;
	[tilespmem:v19+s21+$0x0] =	vst.idx.add.f32.msk $0xffff, v12  }
0xbd: {  	v12 =	vsub.f32 $1.000000000e+00, v17;
	v17 =	vmul.f32 v18, v27;
	v18 =	vadd.f32 $-1.000000000e+00, v20;
	[tilespmem:v21+s20+$0x0] =	vst.idx.add.f32.msk $0xffff, v1  }
0xbe: {  	v19 =	vadd.f32 v22, v22;
	v4 =	vadd.f32 v22, v4;
	v20 =	vcvt.s32.f32 v8;
	[tilespmem:v21+s21+$0x0] =	vst.idx.add.f32.msk $0xffff, v13  }
0xbf: {  	v13 =	vsub.f32 $1.000000000e+00, v17;
	v17 =	vmul.f32 v18, v29;
	v18 =	vadd.f32 $-1.000000000e+00, v24;
	[tilespmem:v23+s20+$0x0] =	vst.idx.add.f32.msk $0xffff, v1  }
0xc0: {  	v21 =	vadd.f32 v20, v20;
	v4 =	vadd.f32 v20, v4;
	v20 =	vcvt.s32.f32 v9;
	[tilespmem:v23+s21+$0x0] =	vst.idx.add.f32.msk $0xffff, v14  }
0xc1: {  	v14 =	vsub.f32 $1.000000000e+00, v17;
	v17 =	vmul.f32 v18, v31;
	v18 =	vadd.f32 $-1.000000000e+00, v19;
	[tilespmem:v25+s20+$0x0] =	vst.idx.add.f32.msk $0xffff, v1  }
.Ltmp4:
0xc2: {  	v23 =	vshrl.u32 v11, $0x1;
	v24 =	vadd.f32 v20, v20;
	v4 =	vadd.f32 v20, v4;
	[tilespmem:v25+s21+$0x0] =	vst.idx.add.f32.msk $0xffff, v15;
	(pc) =	sbr.rel @p1 .LBB2_7-.Ltmp4, $4  }
0xc3: {  	v15 =	vsub.f32 $1.000000000e+00, v17;
	v17 =	vmul.f32 v18, v32;
	v18 =	vadd.f32 $-1.000000000e+00, v21;
	[tilespmem:v28+s20+$0x0] =	vst.idx.add.f32.msk $0xffff, v1  }
0xc4: {  	v22 =	vshrl.u32 v12, $0x1;
	v19 =	vshrl.u32 v13, $0x1;
	v24 =	vadd.f32 $-1.000000000e+00, v24;
	[tilespmem:v28+s21+$0x0] =	vst.idx.add.f32.msk $0xffff, v16  }
0xc5: {  	v21 =	vshrl.u32 v14, $0x1;
	v16 =	vsub.f32 $1.000000000e+00, v17;
	v20 =	vmul.f32 v18, v33;
	[tilespmem:v30+s20+$0x0] =	vst.idx.add.f32.msk $0xffff, v1  }
0xc6: {  	s3 =	sadd.s32 $0x80, s3;
	v17 =	vshrl.u32 v23, $0x11;
	v23 =	vshrl.u32 v15, $0x1;
	v18 =	vmul.f32 v24, v34;
	[tilespmem:v30+s21+$0x0] =	vst.idx.add.f32.msk $0xffff, v35  }
0xc7: {  	v2 =	vor.u32 v17, v2  }
0xc8: {  	v54 =	vshrl.u32 v22, $0x11  }
0xc9: {  	v55 =	vshrl.u32 v19, $0x11;
	v3 =	vor.u32 v54, v3  }
0xca: {  	v7 =	vor.u32 v55, v7  }
0xcb: {  	v56 =	vshrl.u32 v21, $0x11  }
0xcc: {  	v11 =	vmax.f32 v11, $0.0e+00;
	v10 =	vor.u32 v56, v10;
	[tilespmem:v2+s20+$0x0] =	vst.idx.add.f32.msk $0xffff, v1  }
0xcd: {  	[tilespmem:v2+s21+$0x0] =	vst.idx.add.f32.msk $0xffff, v11  }
0xce: {  	v5 =	vshll.u32 v5, $0xE;
	v57 =	vmax.f32 v12, $0.0e+00;
	v2 =	vshrl.u32 v23, $0x11;
	[tilespmem:v3+s20+$0x0] =	vst.idx.add.f32.msk $0xffff, v1  }
0xcf: {  	v58 =	vshrl.u32 v16, $0x1;
	v59 =	vsub.f32 $1.000000000e+00, v20;
	[tilespmem:v7+s20+$0x0] =	vst.idx.add.f32.msk $0xffff, v1;
	v2 =	vor.u32 v2, v5  }
0xd0: {  	v60 =	vsub.f32 $1.000000000e+00, v18;
	[tilespmem:v3+s21+$0x0] =	vst.idx.add.f32.msk $0xffff, v57;
	v3 =	vshrl.u32 v58, $0x11;
	v5 =	vshll.u32 v6, $0xE  }
0xd1: {  	v61 =	vshrl.u32 v59, $0x1;
	[tilespmem:v10+s20+$0x0] =	vst.idx.add.f32.msk $0xffff, v1;
	v6 =	vmax.f32 v13, $0.0e+00;
	v3 =	vor.u32 v3, v5  }
0xd2: {  	[tilespmem:v7+s21+$0x0] =	vst.idx.add.f32.msk $0xffff, v6;
	v5 =	vshrl.u32 v61, $0x11;
	v6 =	vshll.u32 v8, $0xE;
	v7 =	vmax.f32 v14, $0.0e+00  }
0xd3: {  	v62 =	vshrl.u32 v60, $0x1;
	v5 =	vor.u32 v5, v6;
	[tilespmem:v10+s21+$0x0] =	vst.idx.add.f32.msk $0xffff, v7  }
0xd4: {  	v63 =	vmax.f32 v15, $0.0e+00;
	v6 =	vshrl.u32 v62, $0x11;
	v7 =	vshll.u32 v9, $0xE;
	[tilespmem:v2+s20+$0x0] =	vst.idx.add.f32.msk $0xffff, v1  }
0xd5: {  	v6 =	vor.u32 v6, v7;
	[tilespmem:v2+s21+$0x0] =	vst.idx.add.f32.msk $0xffff, v63  }
0xd6: {  	v2 =	vmax.f32 v16, $0.0e+00;
	[tilespmem:v3+s20+$0x0] =	vst.idx.add.f32.msk $0xffff, v1  }
.Ltmp5:
0xd7: {  	[tilespmem:v3+s21+$0x0] =	vst.idx.add.f32.msk $0xffff, v2;
	(pc) =	sbr.rel @p0 .LBB2_10-.Ltmp5, $4  }
0xd8: {  	v2 =	vmax.f32 v59, $0.0e+00;
	[tilespmem:v5+s20+$0x0] =	vst.idx.add.f32.msk $0xffff, v1  }
0xd9: {  	[tilespmem:v5+s21+$0x0] =	vst.idx.add.f32.msk $0xffff, v2  }
0xda: {  	v2 =	vmax.f32 v60, $0.0e+00;
	[tilespmem:v6+s20+$0x0] =	vst.idx.add.f32.msk $0xffff, v1  }
0xdb: {  	[tilespmem:v6+s21+$0x0] =	vst.idx.add.f32.msk $0xffff, v2  }
0xdc: {  	s0 =	sshll.u32 s30, $0xE  }
0xdd: {  	s0 =	sadd.s32 s0, s10  }
.Ltmp6:
0xde: {  	s0 =	sshrl.u32 s0, $0x3;
	(pc) =	sbr.rel .LBB2_4-.Ltmp6, $4  }
0xdf: {  	s3 =	sadd.s32 s1, s0  }
0xe0: {  	[tilespmem:s17], [sflag:$0x2] =	stream.linear.gather [hbm4b:s3+s4], $0x2000, $0x38;
	[tilespmem:$0x18000] =	vst v63  }
0xe1: {  	s30 =	sadd.s32 $0x1, s30;
	s0 =	sadd.s32 s2, s0  }
0xe2: {  	[tilespmem:s18], [sflag:$0x2] =	stream.linear.gather [hbm4b:s0+s4], $0x2000, $0x38;
	[tilespmem:$0x18000] =	vst v63  }
.LBB2_11:
0xe3: {  	_ =	sfence.sel $0x180000  }
0xe4: {  	[bflag:$0x0] =	sbarrier.arrive $0xFFFF  }
0xe5: {  	_ =	strace $0x90000047  }
0xe6: {  	s0 =	stileid.u32;
	[bflag:$0x2] =	sbarrier.arrive $0xFFFF  }
0xe7: {  	p0 =	sne.s32 s0, $0x0;
	s0 =	rddreg [dreg:$0x3]  }
0xe8: {  	s0 =	sadd.s32 @!p0 $0x100000, s0  }
0xe9: {  	[sflag:s0] =	ssyncadd.tile.s32 @!p0 $0x1;
	_ =	shalt  }
.Lfunc_end2:
_tile_overlayer_lowered:
.L_overlay_start_2:
0xea: {  	(tag) =	ssettag $0x2  }
0xeb: {  	s0 =	rddreg [dreg:$0x0];
	s2 =	stileid.u32  }
0xec: {  	s1 =	rddreg [dreg:$0x1];
	p0 =	sne.s32 s2, $0x0  }
0xed: {  	s3 =	rddreg [dreg:$0x2];
	[bflag:$0x3] =	sbarrier.arrive $0xFFFF;
	s2 =	simm.s32 @!p0 $0x1C03  }
0xee: {  	[timem:s3], [sflag:s2] =	dma.local @!p0 [hbm:s0], s1  }
0xef: {  	s0 =	simm.s32 @!p0 $0x3  }
0xf0: {  	_ =	swait.ge @!p0 [sflag:s0], s1  }
0xf1: {  	s1 =	ssub.s32 @!p0 $0x0, s1;
	[sflag:s0] =	ssyncset.done @!p0 $0x0  }
0xf2: {  	[sflag:s0] =	ssyncadd.s32 @!p0 s1  }
0xf3: {  	[bflag:$0x3] =	sbarrier.arrive $0xFFFF  }
0xf4: {  	_ =	shalt  }

// kernel: kernel.7.cloned.1.call-start
scs
__scs_entry_jumppad:
0x0: {  	(pc) =	sbr.rel $0x88, $3  }
0x1: {  	(tag) =	ssettag $0x0;
	lr =	simm.s32 $0x1  }
0x2: {  	[smem:$0x3F9F] =	sst lr;
	_ =	strace $0xD0000000  }
0x3: {  	_ = 	snop  }
0x4: {  	_ = 	snop  }
0x5: {  	_ = 	snop  }
0x6: {  	_ = 	snop  }
0x7: {  	_ = 	snop  }
__scs_overlays_trampoline_lowered:
0x8: {  	[smem:$0x3FAE] =	sst s0  }
0x9: {  	[smem:$0x3FAF] =	sst s1  }
0xa: {  	[smem:$0x3FB0] =	sst s2  }
0xb: {  	[smem:$0x3FB1] =	sst s3  }
0xc: {  	[smem:$0x3FB2] =	sst s4  }
0xd: {  	[smem:$0x3FB3] =	sst s5  }
0xe: {  	[smem:$0x3FB4] =	sst s6  }
0xf: {  	[smem:$0x3FB5] =	sst s7  }
0x10: {  	[smem:$0x3FB6] =	sst s8  }
0x11: {  	[smem:$0x3FB7] =	sst s9;
	s0 =	simm.s32 @!p0 $0x0  }
0x12: {  	s1 =	sld [smem:$0x3F9D];
	s0 =	simm.s32 @p0 $0x1  }
0x13: {  	[smem:$0x3FB8] =	sst s0;
	s0 =	simm.s32 @!p1 $0x0  }
0x14: {  	s2 =	sld [smem:$0x3F9C];
	s0 =	simm.s32 @p1 $0x1  }
0x15: {  	[smem:$0x3FB9] =	sst s0;
	s0 =	simm.s32 @!p2 $0x0  }
0x16: {  	s3 =	sld [smem:$0x3FDB];
	s0 =	simm.s32 @p2 $0x1  }
0x17: {  	s4 =	simm.s32 $0x1BF5;
	[smem:$0x3FBB] =	sst s0  }
0x18: {  	s0 =	sld [smem:$0x3F9E];
	_ =	swait.ge [sflag:s4], $0x0  }
0x19: {  	s7 =	sld [smem:$0x3F9F]  }
0x1a: {  	s8 =	sadd.s32 $0xFFFFE003, lr  }
0x1b: {  	s9 =	sadd.s32 $0xFFFFFEF7, lr;
	s5 =	simm.s32 $0xFFFFFFFF;
	p2 =	slt.u32 s8, $0xFFFFF086  }
0x1c: {  	p1 =	slt.u32 s9, $0xF7A;
	s5 =	simm.s32 @!p2 $0x0  }
0x1d: {  	s5 =	simm.s32 @p1 $0x1;
	p0 =	seq.s32 s7, s2  }
0x1e: {  	s7 =	smul.u32 @!p0 $0xF7A, s2;
	p2 =	seq.s32 @!p0 s5, $0x0  }
0x1f: {  	s9 =	smul.u32 $0xF7A, s1;
	s8 =	simm.s32 @!p0 $0x1BF5;
	p2 =	por !p2, p0  }
0x20: {  	[sflag:s8] =	ssyncset.s32 @!p0 $0xFFFFF086;
	s6 =	sadd.s32 @!p0 s3, s7;
	s7 =	simm.s32 @!p0 $0x108  }
0x21: {  	s3 =	sadd.s32 s3, s9;
	s6 =	sadd.s32 @!p0 $0x88, s6;
	s7 =	simm.s32 @p2 $0x1082  }
0x22: {  	[simem:s7], [sflag:s8] =	dma.local @!p0 [hbm:s6], $0xF7A  }
0x23: {  	s9 =	sor.u32 $0xD0000000, s2;
	s6 =	simm.s32 $0x108;
	_ =	swait.ge @!p0 [sflag:s8], $0x0  }
0x24: {  	s3 =	sadd.s32 $0x88, s3;
	s6 =	simm.s32 @!p1 $0x1082;
	[sflag:s4] =	ssyncset.s32 $0xFFFFF086  }
0x25: {  	[simem:s6], [sflag:s4] =	dma.local [hbm:s3], $0xF7A  }
0x26: {  	[smem:$0x3F9F] =	sst s1;
	(tag) =	ssettag s2;
	_ =	strace s9  }
0x27: {  	s1 =	sld [smem:$0x3FAF]  }
0x28: {  	s2 =	sld [smem:$0x3FB0]  }
0x29: {  	s4 =	sld [smem:$0x3FB2]  }
0x2a: {  	p0 =	seq.s32 s5, $0x0;
	s5 =	sld [smem:$0x3FB3]  }
0x2b: {  	s6 =	sld [smem:$0x3FB4]  }
0x2c: {  	s7 =	sld [smem:$0x3FB5]  }
0x2d: {  	s3 =	simm.s32 $0x108;
	s8 =	sld [smem:$0x3FB6]  }
0x2e: {  	s3 =	simm.s32 @!p0 $0x1082;
	s9 =	sld [smem:$0x3FB7]  }
0x2f: {  	lr =	sadd.s32 s0, s3;
	s0 =	sld [smem:$0x3FAE]  }
0x30: {  	s3 =	sld [smem:$0x3FB1]  }
0x31: {  	[smem:$0x3FBA] =	sst s10  }
0x32: {  	s10 =	sld [smem:$0x3FB8];
	_ =	sdelay $0x3  }
0x33: {  	p0 =	seq.s32 s10, $0x1;
	s10 =	sld [smem:$0x3FBA];
	_ =	sdelay $0x3  }
0x34: {  	[smem:$0x3FBA] =	sst s10  }
0x35: {  	s10 =	sld [smem:$0x3FB9];
	_ =	sdelay $0x3  }
0x36: {  	p1 =	seq.s32 s10, $0x1;
	s10 =	sld [smem:$0x3FBA];
	_ =	sdelay $0x3  }
0x37: {  	[smem:$0x3FBA] =	sst s10  }
0x38: {  	s10 =	sld [smem:$0x3FBB]  }
0x39: {  	_ = 	snop;
	(pc) =	sbr.ind lr, $3  }
0x3a: {  	_ = 	snop  }
0x3b: {  	_ = 	snop  }
0x3c: {  	p2 =	seq.s32 s10, $0x1;
	s10 =	sld [smem:$0x3FBA]  }
0x3d: {  	_ =	shalt  }
0x3e: {  	_ =	shalt  }
0x3f: {  	_ =	shalt  }
0x40: {  	_ =	shalt  }
0x41: {  	_ =	shalt  }
0x42: {  	_ =	shalt  }
0x43: {  	_ =	shalt  }
0x44: {  	_ =	shalt  }
0x45: {  	_ =	shalt  }
0x46: {  	_ =	shalt  }
0x47: {  	_ =	shalt  }
0x48: {  	_ =	shalt  }
0x49: {  	_ =	shalt  }
0x4a: {  	_ =	shalt  }
0x4b: {  	_ =	shalt  }
0x4c: {  	_ =	shalt  }
0x4d: {  	_ =	shalt  }
0x4e: {  	_ =	shalt  }
0x4f: {  	_ =	shalt  }
0x50: {  	_ =	shalt  }
0x51: {  	_ =	shalt  }
0x52: {  	_ =	shalt  }
0x53: {  	_ =	shalt  }
0x54: {  	_ =	shalt  }
0x55: {  	_ =	shalt  }
0x56: {  	_ =	shalt  }
0x57: {  	_ =	shalt  }
0x58: {  	_ =	shalt  }
0x59: {  	_ =	shalt  }
0x5a: {  	_ =	shalt  }
0x5b: {  	_ =	shalt  }
0x5c: {  	_ =	shalt  }
0x5d: {  	_ =	shalt  }
0x5e: {  	_ =	shalt  }
0x5f: {  	_ =	shalt  }
0x60: {  	_ =	shalt  }
0x61: {  	_ =	shalt  }
0x62: {  	_ =	shalt  }
0x63: {  	_ =	shalt  }
0x64: {  	_ =	shalt  }
0x65: {  	_ =	shalt  }
0x66: {  	_ =	shalt  }
0x67: {  	_ =	shalt  }
0x68: {  	_ =	shalt  }
0x69: {  	_ =	shalt  }
0x6a: {  	_ =	shalt  }
0x6b: {  	_ =	shalt  }
0x6c: {  	_ =	shalt  }
0x6d: {  	_ =	shalt  }
0x6e: {  	_ =	shalt  }
0x6f: {  	_ =	shalt  }
0x70: {  	_ =	shalt  }
0x71: {  	_ =	shalt  }
0x72: {  	_ =	shalt  }
0x73: {  	_ =	shalt  }
0x74: {  	_ =	shalt  }
0x75: {  	_ =	shalt  }
0x76: {  	_ =	shalt  }
0x77: {  	_ =	shalt  }
0x78: {  	_ =	shalt  }
0x79: {  	_ =	shalt  }
0x7a: {  	_ =	shalt  }
0x7b: {  	_ =	shalt  }
0x7c: {  	_ =	shalt  }
0x7d: {  	_ =	shalt  }
0x7e: {  	_ =	shalt  }
0x7f: {  	_ =	shalt  }
0x80: {  	_ =	shalt  }
0x81: {  	_ =	shalt  }
0x82: {  	_ =	shalt  }
0x83: {  	_ =	shalt  }
0x84: {  	_ =	shalt  }
0x85: {  	_ =	shalt  }
0x86: {  	_ =	shalt  }
0x87: {  	_ =	shalt  }
.Lfunc_end0:
.L_simem_size_0:
called_computation.1_lowered:
.L_overlay_start_0:
0x88: {  	s0 =	sld [smem:$0x3FD9]  }
0x89: {  	s1 =	sld [smem:$0x3FFE];
	_ =	sdelay $0x3  }
0x8a: {  	s0 =	sadd.s32 s1, s0  }
0x8b: {  	[smem:$0x3FC6] =	sst s0  }
0x8c: {  	_ = 	snop  }
0x8d: {  	s0 =	sld [smem:$0x3FD0];
	(tm) =	ssettm $0x1  }
0x8e: {  	s16 =	sld [smem:$0x3FFB];
	_ =	sdelay $0x3  }
0x8f: {  	_ =	strace s16  }
0x90: {  	s1 =	sld [smem:$0x3FFC];
	_ =	sdelay $0x3  }
0x91: {  	_ =	strace s1  }
0x92: {  	s1 =	sld [smem:$0x3FFD];
	_ =	sdelay $0x3  }
0x93: {  	_ =	strace s1  }
0x94: {  	_ =	strace $0x8FFFFFFF  }
0x95: {  	s17 =	sld [smem:$0x3FDB];
	_ =	sdelay $0x1  }
0x96: {  	s2 =	simm.s32 $_scs_section_size  }
0x97: {  	s3 =	simm.s32 $_size__tile_overlayer_lowered;
	s4 =	simm.s32 $_tile_overlayer_lowered  }
0x98: {  	s20 =	simm.s32 $0x1BFF;
	s19 =	sshll.u32 s4, $0x1;
	s1 =	sadd.s32 s2, s17  }
0x99: {  	s5 =	simm.s32 $0x0;
	s18 =	sshll.u32 s3, $0x1;
	s3 =	sadd.s32 s19, s1  }
0x9a: {  	[timem:s5], [sflag:s20] =	dma.local [hbm:s3], s18  }
0x9b: {  	_ =	swait.ge [sflag:s20], s18  }
0x9c: {  	s2 =	ssub.s32 $0x0, s18;
	[sflag:s20] =	ssyncset.done $0x0  }
0x9d: {  	[sflag:s20] =	ssyncadd.s32 s2;
	_ =	sdelay $0x1  }
0x9e: {  	s21 =	simm.s32 $0x1B8B  }
0x9f: {  	_ =	swait.ge [sflag:s21], $0x1  }
0xa0: {  	[sflag:s21] =	ssyncset.done $0x0  }
0xa1: {  	s23 =	simm.s32 $0x1B8E;
	s22 =	sld [smem:$0x3FFE];
	[sflag:s21] =	ssyncadd.s32 $0xFFFFFFFF  }
0xa2: {  	s24 =	simm.s32 $execute0_lowered;
	[smem:$0x3FD2] =	sst s23  }
0xa3: {  	s3 =	sshll.u32 s24, $0x1;
	_ =	strace $0x80000049;
	[dreg:$0x1] =	wrdreg $0xFFFFFFFF  }
0xa4: {  	s25 =	simm.s32 $_size_execute0_lowered;
	s1 =	sadd.s32 s1, s3;
	[dreg:$0x0] =	wrdreg $0x0  }
0xa5: {  	s3 =	sshll.u32 s25, $0x1;
	[dreg:$0x2] =	wrdreg s1  }
0xa6: {  	[dreg:$0x3] =	wrdreg s3  }
0xa7: {  	[dreg:$0x4] =	wrdreg $0xC0  }
0xa8: {  	_ =	task [dreg:s5], $0x5FFFF  }
0xa9: {  	[dreg:$0x1] =	wrdreg $0xFFFFFFFF  }
0xaa: {  	[dreg:$0x0] =	wrdreg $0x60  }
0xab: {  	[dreg:$0x2] =	wrdreg s22  }
0xac: {  	[dreg:$0x3] =	wrdreg s0  }
0xad: {  	[dreg:$0x4] =	wrdreg $0x2A000  }
0xae: {  	[dreg:$0x5] =	wrdreg $0x9  }
0xaf: {  	_ =	task.clear_ibuf [dreg:s5], $0x6FFFF;
	_ =	strace $0x90000049  }
0xb0: {  	s26 =	simm.s32 $0x9;
	_ =	strace $0x8000004B  }
0xb1: {  	_ =	swait.ge [sflag:s26], $0x1  }
0xb2: {  	[sflag:s26] =	ssyncadd.s32 $0xFFFFFFFF  }
0xb3: {  	_ =	strace $0x9000004B  }
0xb4: {  	_ =	sfence  }
0xb5: {  	s28 =	sld [smem:$0x0];
	_ =	sdelay $0x1  }
0xb6: {  	s29 =	srdreg.scid  }
0xb7: {  	s30 =	sshll.u32 s29, $0xD;
	s31 =	sshrl.u32 s29, $0x2  }
0xb8: {  	s2 =	sand.u32 $0x4000, s30;
	s1 =	sand.u32 $0x1, s29;
	s0 =	sadd.s32 s31, s28  }
0xb9: {  	s1 =	sor.u32 s2, s1;
	s0 =	sshll.u32 s0, $0x11  }
0xba: {  	s0 =	sor.u32 s0, s1  }
0xbb: {  	s0 =	sadd.s32 $0x8F2B, s0  }
0xbc: {  	[sflag:s0] =	ssyncadd.remote.s32 $0x1  }
0xbd: {  	_ =	sfence.sel $0xFFFF  }
0xbe: {  	[dreg:$0x0] =	wrdreg $0xFFFFFFFF;
	(pc) =	sbr.abs _section_cstart, $3  }
0xbf: {  	[dreg:$0x1] =	wrdreg $0xFFFFFFFF  }
0xc0: {  	_ =	task.clear_ibuf [dreg:s5], $0x2FFFF;
	_ =	strace $0x9FFFFFFF  }
0xc1: {  	(tm) =	ssettm $0x7FFFFFFF  }
tec
execute0_lowered:
.L_overlay_start_1:
0x0: {  	(tag) =	ssettag $0x1  }
0x1: {  	s0 =	rddreg [dreg:$0x0]  }
0x2: {  	s2 =	stileid.u32;
	s1 =	simm.s32 $0x0;
	s11 =	simm.s32 $0x40  }
0x3: {  	s10 =	simm.s32 $0x0;
	s2 =	sshll.u32 s2, $0x9;
	[smem:$0x7FF] =	sst s1  }
0x4: {  	s6 =	sadd.s32 $0x800, s0;
	s7 =	sadd.s32 $0x810, s0;
	s5 =	sxor.u32 $0x1E00, s2  }
0x5: {  	s8 =	sadd.s32 $0x820, s0;
	[dreg:$0x4] =	wrdreg s2;
	s31 =	sshrl.u32 s5, $0x1  }
0x6: {  	s9 =	sadd.s32 $0x830, s0;
	_ =	strace $0x8000004A;
	s19 =	sadd.s32 s6, s31  }
0x7: {  	s22 =	sadd.s32 s31, s7;
	s20 =	sadd.s32 s31, s8;
	s21 =	sadd.s32 s31, s9  }
0x8: {  	s18 =	sadd.s32 $0x1000, s19;
	s17 =	sadd.s32 $0x1010, s19;
	s16 =	sadd.s32 $0x1020, s19  }
0x9: {  	s15 =	sadd.s32 $0x1030, s19;
	s14 =	sadd.s32 $0x2000, s19;
	s13 =	sadd.s32 $0x2010, s19  }
0xa: {  	s12 =	sadd.s32 $0x2020, s19;
	s4 =	sadd.s32 $0x2030, s19;
	s3 =	sadd.s32 $0x3000, s19  }
0xb: {  	v0 =	vimm.f32 $0.0e+00;
	s2 =	sadd.s32 $0x3010, s19;
	s1 =	sadd.s32 $0x3020, s19;
	s0 =	sadd.s32 $0x3030, s19  }
.LBB2_1:
0xc: {  	p0 =	sne.s32 s11, $0x7C0;
	[tilespmem:s10+$0x600] =	vst v0;
	s23 =	smov.u32 s11;
	s11 =	sadd.s32 $0x40, s11  }
.Ltmp0:
0xd: {  	[tilespmem:s10+$0x400] =	vst v0;
	(pc) =	sbr.rel @p0 .LBB2_1-.Ltmp0, $3  }
0xe: {  	[tilespmem:s10+$0x0] =	vst v0  }
0xf: {  	[tilespmem:s10+$0x200] =	vst v0;
	_ =	sdelay $0x1  }
0x10: {  	s10 =	sshra.s32 s23, $0x2  }
0x11: {  	[tilespmem:s10+$0x600] =	vst v0  }
0x12: {  	[tilespmem:s10+$0x400] =	vst v0  }
0x13: {  	[tilespmem:s10+$0x0] =	vst v0  }
0x14: {  	[tilespmem:s10+$0x200] =	vst v0;
	s10 =	simm.s32 $0x80;
	s11 =	simm.s32 $0x200;
	s23 =	simm.s32 $0x800  }
0x15: {  	[tilespmem:s23], [sflag:$0x1] =	stream.strided.gather [hbm4b:s19+s10], $0x200, s11, s10, $0x38;
	[tilespmem:$0x2A10] =	vst v63  }
0x16: {  	s30 =	simm.s32 $0xA00  }
0x17: {  	[tilespmem:s30], [sflag:$0x1] =	stream.strided.gather [hbm4b:s22+s10], $0x200, s11, s10, $0x38;
	[tilespmem:$0x2A10] =	vst v63  }
0x18: {  	s31 =	simm.s32 $0xC00  }
0x19: {  	[tilespmem:s31], [sflag:$0x1] =	stream.strided.gather [hbm4b:s20+s10], $0x200, s11, s10, $0x38;
	[tilespmem:$0x2A10] =	vst v63  }
0x1a: {  	s20 =	simm.s32 $0xE00  }
0x1b: {  	[tilespmem:s20], [sflag:$0x1] =	stream.strided.gather [hbm4b:s21+s10], $0x200, s11, s10, $0x38;
	[tilespmem:$0x2A10] =	vst v63  }
0x1c: {  	s22 =	simm.s32 $0x1000  }
0x1d: {  	[tilespmem:s22], [sflag:$0x2] =	stream.strided.gather [hbm4b:s18+s10], $0x200, s11, s10, $0x38;
	[tilespmem:$0x2A10] =	vst v63  }
0x1e: {  	s23 =	simm.s32 $0x1200  }
0x1f: {  	[tilespmem:s23], [sflag:$0x2] =	stream.strided.gather [hbm4b:s17+s10], $0x200, s11, s10, $0x38;
	[tilespmem:$0x2A10] =	vst v63  }
0x20: {  	s24 =	simm.s32 $0x1400  }
0x21: {  	[tilespmem:s24], [sflag:$0x2] =	stream.strided.gather [hbm4b:s16+s10], $0x200, s11, s10, $0x38;
	[tilespmem:$0x2A10] =	vst v63  }
0x22: {  	s25 =	simm.s32 $0x1600  }
0x23: {  	[tilespmem:s25], [sflag:$0x2] =	stream.strided.gather [hbm4b:s15+s10], $0x200, s11, s10, $0x38;
	[tilespmem:$0x2A10] =	vst v63  }
0x24: {  	s26 =	simm.s32 $0x1800  }
0x25: {  	[tilespmem:s26], [sflag:$0x3] =	stream.strided.gather [hbm4b:s14+s10], $0x200, s11, s10, $0x38;
	[tilespmem:$0x2A10] =	vst v63  }
0x26: {  	s28 =	simm.s32 $0x1A00  }
0x27: {  	[tilespmem:s28], [sflag:$0x3] =	stream.strided.gather [hbm4b:s13+s10], $0x200, s11, s10, $0x38;
	[tilespmem:$0x2A10] =	vst v63  }
0x28: {  	s29 =	simm.s32 $0x1C00;
	s31 =	sshll.u32 s5, $0x2  }
0x29: {  	[tilespmem:s29], [sflag:$0x3] =	stream.strided.gather [hbm4b:s12+s10], $0x200, s11, s10, $0x38;
	[tilespmem:$0x2A10] =	vst v63  }
0x2a: {  	s30 =	simm.s32 $0x1E00;
	s19 =	sor.u32 $0x38000, s31  }
0x2b: {  	[tilespmem:s30], [sflag:$0x3] =	stream.strided.gather [hbm4b:s4+s10], $0x200, s11, s10, $0x38;
	[tilespmem:$0x2A10] =	vst v63  }
0x2c: {  	s20 =	simm.s32 $0x0;
	s21 =	simm.s32 $0x1;
	s12 =	simm.s32 $0x2000  }
0x2d: {  	[tilespmem:s12], [sflag:$0x4] =	stream.strided.gather [hbm4b:s3+s10], $0x200, s11, s10, $0x38;
	[tilespmem:$0x2A10] =	vst v63  }
0x2e: {  	s18 =	simm.s32 $0x2600;
	s22 =	simm.s32 $0x2;
	s13 =	simm.s32 $0x2200  }
0x2f: {  	[tilespmem:s13], [sflag:$0x4] =	stream.strided.gather [hbm4b:s2+s10], $0x200, s11, s10, $0x38;
	[tilespmem:$0x2A10] =	vst v63  }
0x30: {  	s17 =	sor.u32 $0x30000, s31;
	s23 =	simm.s32 $0x3;
	s15 =	simm.s32 $0x2400  }
0x31: {  	[tilespmem:s15], [sflag:$0x4] =	stream.strided.gather [hbm4b:s1+s10], $0x200, s11, s10, $0x38;
	[tilespmem:$0x2A10] =	vst v63  }
0x32: {  	s16 =	sor.u32 $0x28000, s31;
	s24 =	simm.s32 $0x4;
	s14 =	sor.u32 $0x20000, s31  }
0x33: {  	[tilespmem:s18], [sflag:$0x4] =	stream.strided.gather [hbm4b:s0+s10], $0x200, s11, s10, $0x38;
	[tilespmem:$0x2A10] =	vst v63  }
.LBB2_3:
0x34: {  	_ =	swait.ge [sflag:s21], $0x200  }
0x35: {  	[sflag:s21] =	ssyncset.done $0x0  }
0x36: {  	[sflag:s21] =	ssyncadd.s32 $0xFFFFFE00  }
0x37: {  	_ =	swait.ge [sflag:s21], $0x200  }
0x38: {  	[sflag:s21] =	ssyncset.done $0x0  }
0x39: {  	[sflag:s21] =	ssyncadd.s32 $0xFFFFFE00  }
0x3a: {  	_ =	swait.ge [sflag:s21], $0x200  }
0x3b: {  	[sflag:s21] =	ssyncset.done $0x0  }
0x3c: {  	[sflag:s21] =	ssyncadd.s32 $0xFFFFFE00  }
0x3d: {  	_ =	swait.ge [sflag:s21], $0x200  }
0x3e: {  	[sflag:s21] =	ssyncset.done $0x0  }
0x3f: {  	s0 =	simm.s32 $0x10;
	[sflag:s21] =	ssyncadd.s32 $0xFFFFFE00  }
0x40: {  	s1 =	simm.s32 $0x810;
	v0 =	vld [tilespmem:s0+$0xFFFFFFF0]  }
0x41: {  	v1 =	vld [tilespmem:s1+$0xFFFFFFF0];
	_ =	sdelay $0x4  }
0x42: {  	v0 =	vadd.f32 v1, v0;
	_ =	sdelay $0x1  }
0x43: {  	s2 =	simm.s32 $0xA10;
	[tilespmem:s0+$0xFFFFFFF0] =	vst v0  }
0x44: {  	s3 =	simm.s32 $0x210;
	v0 =	vld [tilespmem:s2+$0xFFFFFFF0]  }
0x45: {  	v1 =	vld [tilespmem:s3+$0xFFFFFFF0];
	_ =	sdelay $0x4  }
0x46: {  	v0 =	vadd.f32 v0, v1;
	_ =	sdelay $0x1  }
0x47: {  	s4 =	simm.s32 $0x410;
	[tilespmem:s3+$0xFFFFFFF0] =	vst v0  }
0x48: {  	s28 =	simm.s32 $0xC10;
	v0 =	vld [tilespmem:s4+$0xFFFFFFF0]  }
0x49: {  	v1 =	vld [tilespmem:s28+$0xFFFFFFF0];
	_ =	sdelay $0x4  }
0x4a: {  	v0 =	vadd.f32 v1, v0;
	_ =	sdelay $0x1  }
0x4b: {  	s25 =	simm.s32 $0x610;
	[tilespmem:s4+$0xFFFFFFF0] =	vst v0  }
0x4c: {  	s26 =	simm.s32 $0xE10;
	v0 =	vld [tilespmem:s25+$0xFFFFFFF0]  }
0x4d: {  	v1 =	vld [tilespmem:s26+$0xFFFFFFF0];
	_ =	sdelay $0x4  }
0x4e: {  	v0 =	vadd.f32 v1, v0;
	_ =	sdelay $0x1  }
0x4f: {  	[tilespmem:s25+$0xFFFFFFF0] =	vst v0  }
0x50: {  	v0 =	vld [tilespmem:s0+$0x0]  }
0x51: {  	v1 =	vld [tilespmem:s1+$0x0];
	_ =	sdelay $0x4  }
0x52: {  	v0 =	vadd.f32 v1, v0;
	_ =	sdelay $0x1  }
0x53: {  	[tilespmem:s0+$0x0] =	vst v0  }
0x54: {  	v0 =	vld [tilespmem:s3+$0x0]  }
0x55: {  	v1 =	vld [tilespmem:s2+$0x0];
	_ =	sdelay $0x4  }
0x56: {  	v0 =	vadd.f32 v1, v0;
	_ =	sdelay $0x1  }
0x57: {  	[tilespmem:s3+$0x0] =	vst v0  }
0x58: {  	v0 =	vld [tilespmem:s4+$0x0]  }
0x59: {  	v1 =	vld [tilespmem:s28+$0x0];
	_ =	sdelay $0x4  }
0x5a: {  	v0 =	vadd.f32 v1, v0  }
0x5b: {  	s29 =	simm.s32 $0x230;
	s31 =	simm.s32 $0x830  }
0x5c: {  	s30 =	simm.s32 $0x610;
	s1 =	simm.s32 $0xC30;
	s0 =	simm.s32 $0x30;
	[tilespmem:s4+$0x0] =	vst v0  }
0x5d: {  	s2 =	simm.s32 $0x430;
	s28 =	simm.s32 $0x0;
	s4 =	simm.s32 $0xA30;
	v0 =	vld [tilespmem:s25+$0x0]  }
.LBB2_4:
0x5e: {  	s28 =	sadd.s32 $0x2, s28;
	v1 =	vld [tilespmem:s26+$0x0];
	s26 =	sadd.s32 $0x20, s26;
	s25 =	sadd.s32 $0x20, s25  }
0x5f: {  	p0 =	slt.u32 s28, $0x1E;
	_ =	sdelay $0x3  }
0x60: {  	v0 =	vadd.f32 v1, v0;
	_ =	sdelay $0x1  }
0x61: {  	[tilespmem:s30+$0x0] =	vst v0;
	s30 =	smov.u32 s25  }
0x62: {  	v0 =	vld [tilespmem:s0+$0xFFFFFFF0]  }
0x63: {  	v1 =	vld [tilespmem:s31+$0xFFFFFFF0];
	_ =	sdelay $0x4  }
0x64: {  	v0 =	vadd.f32 v1, v0;
	_ =	sdelay $0x1  }
0x65: {  	[tilespmem:s0+$0xFFFFFFF0] =	vst v0  }
0x66: {  	v0 =	vld [tilespmem:s4+$0xFFFFFFF0]  }
0x67: {  	v1 =	vld [tilespmem:s29+$0xFFFFFFF0];
	_ =	sdelay $0x4  }
0x68: {  	v0 =	vadd.f32 v0, v1;
	_ =	sdelay $0x1  }
0x69: {  	[tilespmem:s29+$0xFFFFFFF0] =	vst v0  }
0x6a: {  	v0 =	vld [tilespmem:s2+$0xFFFFFFF0]  }
0x6b: {  	v1 =	vld [tilespmem:s1+$0xFFFFFFF0];
	_ =	sdelay $0x4  }
0x6c: {  	v0 =	vadd.f32 v1, v0;
	_ =	sdelay $0x1  }
0x6d: {  	[tilespmem:s2+$0xFFFFFFF0] =	vst v0  }
0x6e: {  	v0 =	vld [tilespmem:s25+$0xFFFFFFF0]  }
0x6f: {  	v1 =	vld [tilespmem:s26+$0xFFFFFFF0];
	_ =	sdelay $0x4  }
0x70: {  	v0 =	vadd.f32 v1, v0;
	_ =	sdelay $0x1  }
0x71: {  	[tilespmem:s25+$0xFFFFFFF0] =	vst v0  }
0x72: {  	v0 =	vld [tilespmem:s0+$0x0]  }
0x73: {  	v1 =	vld [tilespmem:s31+$0x0];
	_ =	sdelay $0x4  }
0x74: {  	v0 =	vadd.f32 v1, v0;
	_ =	sdelay $0x1  }
0x75: {  	[tilespmem:s0+$0x0] =	vst v0  }
0x76: {  	v0 =	vld [tilespmem:s29+$0x0]  }
0x77: {  	v1 =	vld [tilespmem:s4+$0x0];
	_ =	sdelay $0x4  }
0x78: {  	v0 =	vadd.f32 v1, v0;
	_ =	sdelay $0x1  }
0x79: {  	[tilespmem:s29+$0x0] =	vst v0  }
0x7a: {  	v0 =	vld [tilespmem:s2+$0x0]  }
0x7b: {  	v1 =	vld [tilespmem:s1+$0x0];
	_ =	sdelay $0x3  }
.Ltmp1:
0x7c: {  	(pc) =	sbr.rel @p0 .LBB2_4-.Ltmp1, $3  }
0x7d: {  	v0 =	vadd.f32 v1, v0;
	_ =	sdelay $0x1  }
0x7e: {  	s31 =	sadd.s32 $0x20, s31;
	s0 =	sadd.s32 $0x20, s0;
	s29 =	sadd.s32 $0x20, s29;
	[tilespmem:s2+$0x0] =	vst v0  }
0x7f: {  	s4 =	sadd.s32 $0x20, s4;
	s1 =	sadd.s32 $0x20, s1;
	s2 =	sadd.s32 $0x20, s2;
	v0 =	vld [tilespmem:s25+$0x0]  }
0x80: {  	v1 =	vld [tilespmem:s26+$0x0];
	_ =	sdelay $0x2  }
0x81: {  	p0 =	seq.s32 s20, $0x7  }
0x82: {  	s25 =	sshll.u32 @!p0 s20, $0x11  }
0x83: {  	s0 =	sadd.s32 @!p0 s14, s25;
	v0 =	vadd.f32 v1, v0  }
0x84: {  	s2 =	simm.s32 @!p0 $0x80;
	s0 =	sshrl.u32 @!p0 s0, $0x3  }
0x85: {  	s3 =	simm.s32 @!p0 $0x200;
	s4 =	simm.s32 @!p0 $0x800;
	s1 =	sadd.s32 @!p0 s6, s0;
	[tilespmem:s30+$0x0] =	vst v0  }
0x86: {  	[tilespmem:s4], [sflag:$0x1] =	stream.strided.gather @!p0 [hbm4b:s1+s2], $0x200, s3, s2, $0x38;
	[tilespmem:$0x2A10] =	vst v63  }
0x87: {  	s1 =	sadd.s32 @!p0 s0, s7;
	s4 =	simm.s32 @!p0 $0xA00  }
0x88: {  	[tilespmem:s4], [sflag:$0x1] =	stream.strided.gather @!p0 [hbm4b:s1+s2], $0x200, s3, s2, $0x38;
	[tilespmem:$0x2A10] =	vst v63  }
0x89: {  	s1 =	sadd.s32 @!p0 s0, s8;
	s4 =	simm.s32 @!p0 $0xC00  }
0x8a: {  	[tilespmem:s4], [sflag:$0x1] =	stream.strided.gather @!p0 [hbm4b:s1+s2], $0x200, s3, s2, $0x38;
	[tilespmem:$0x2A10] =	vst v63  }
0x8b: {  	s0 =	sadd.s32 @!p0 s0, s9;
	s1 =	simm.s32 @!p0 $0xE00  }
0x8c: {  	[tilespmem:s1], [sflag:$0x1] =	stream.strided.gather @!p0 [hbm4b:s0+s2], $0x200, s3, s2, $0x38;
	[tilespmem:$0x2A10] =	vst v63  }
0x8d: {  	_ =	swait.ge [sflag:s22], $0x200  }
0x8e: {  	[sflag:s22] =	ssyncset.done $0x0  }
0x8f: {  	[sflag:s22] =	ssyncadd.s32 $0xFFFFFE00  }
0x90: {  	_ =	swait.ge [sflag:s22], $0x200  }
0x91: {  	[sflag:s22] =	ssyncset.done $0x0  }
0x92: {  	[sflag:s22] =	ssyncadd.s32 $0xFFFFFE00  }
0x93: {  	_ =	swait.ge [sflag:s22], $0x200  }
0x94: {  	[sflag:s22] =	ssyncset.done $0x0  }
0x95: {  	[sflag:s22] =	ssyncadd.s32 $0xFFFFFE00  }
0x96: {  	_ =	swait.ge [sflag:s22], $0x200  }
0x97: {  	[sflag:s22] =	ssyncset.done $0x0  }
0x98: {  	s0 =	simm.s32 $0x10;
	[sflag:s22] =	ssyncadd.s32 $0xFFFFFE00  }
0x99: {  	s1 =	simm.s32 $0x1010;
	v0 =	vld [tilespmem:s0+$0xFFFFFFF0]  }
0x9a: {  	v1 =	vld [tilespmem:s1+$0xFFFFFFF0];
	_ =	sdelay $0x4  }
0x9b: {  	v0 =	vadd.f32 v1, v0;
	_ =	sdelay $0x1  }
0x9c: {  	s2 =	simm.s32 $0x1210;
	[tilespmem:s0+$0xFFFFFFF0] =	vst v0  }
0x9d: {  	s3 =	simm.s32 $0x210;
	v0 =	vld [tilespmem:s2+$0xFFFFFFF0]  }
0x9e: {  	v1 =	vld [tilespmem:s3+$0xFFFFFFF0];
	_ =	sdelay $0x4  }
0x9f: {  	v0 =	vadd.f32 v0, v1;
	_ =	sdelay $0x1  }
0xa0: {  	s4 =	simm.s32 $0x410;
	[tilespmem:s3+$0xFFFFFFF0] =	vst v0  }
0xa1: {  	s29 =	simm.s32 $0x1410;
	v0 =	vld [tilespmem:s4+$0xFFFFFFF0]  }
0xa2: {  	v1 =	vld [tilespmem:s29+$0xFFFFFFF0];
	_ =	sdelay $0x4  }
0xa3: {  	v0 =	vadd.f32 v1, v0;
	_ =	sdelay $0x1  }
0xa4: {  	s26 =	simm.s32 $0x610;
	[tilespmem:s4+$0xFFFFFFF0] =	vst v0  }
0xa5: {  	s28 =	simm.s32 $0x1610;
	v0 =	vld [tilespmem:s26+$0xFFFFFFF0]  }
0xa6: {  	v1 =	vld [tilespmem:s28+$0xFFFFFFF0];
	_ =	sdelay $0x4  }
0xa7: {  	v0 =	vadd.f32 v1, v0;
	_ =	sdelay $0x1  }
0xa8: {  	[tilespmem:s26+$0xFFFFFFF0] =	vst v0  }
0xa9: {  	v0 =	vld [tilespmem:s0+$0x0]  }
0xaa: {  	v1 =	vld [tilespmem:s1+$0x0];
	_ =	sdelay $0x4  }
0xab: {  	v0 =	vadd.f32 v1, v0;
	_ =	sdelay $0x1  }
0xac: {  	[tilespmem:s0+$0x0] =	vst v0  }
0xad: {  	v0 =	vld [tilespmem:s3+$0x0]  }
0xae: {  	v1 =	vld [tilespmem:s2+$0x0];
	_ =	sdelay $0x4  }
0xaf: {  	v0 =	vadd.f32 v1, v0;
	_ =	sdelay $0x1  }
0xb0: {  	[tilespmem:s3+$0x0] =	vst v0  }
0xb1: {  	v0 =	vld [tilespmem:s4+$0x0]  }
0xb2: {  	v1 =	vld [tilespmem:s29+$0x0];
	_ =	sdelay $0x4  }
0xb3: {  	v0 =	vadd.f32 v1, v0  }
0xb4: {  	s31 =	simm.s32 $0x1030;
	s30 =	simm.s32 $0x230  }
0xb5: {  	s1 =	simm.s32 $0x30;
	s0 =	simm.s32 $0x610;
	s2 =	simm.s32 $0x1430;
	[tilespmem:s4+$0x0] =	vst v0  }
0xb6: {  	s3 =	simm.s32 $0x1230;
	s29 =	simm.s32 $0x0;
	s4 =	simm.s32 $0x430;
	v0 =	vld [tilespmem:s26+$0x0]  }
.LBB2_6:
0xb7: {  	s29 =	sadd.s32 $0x2, s29;
	v1 =	vld [tilespmem:s28+$0x0];
	s28 =	sadd.s32 $0x20, s28;
	s26 =	sadd.s32 $0x20, s26  }
0xb8: {  	p1 =	slt.u32 s29, $0x1E;
	_ =	sdelay $0x3  }
0xb9: {  	v0 =	vadd.f32 v1, v0;
	_ =	sdelay $0x1  }
0xba: {  	[tilespmem:s0+$0x0] =	vst v0;
	s0 =	smov.u32 s26  }
0xbb: {  	v0 =	vld [tilespmem:s1+$0xFFFFFFF0]  }
0xbc: {  	v1 =	vld [tilespmem:s31+$0xFFFFFFF0];
	_ =	sdelay $0x4  }
0xbd: {  	v0 =	vadd.f32 v1, v0;
	_ =	sdelay $0x1  }
0xbe: {  	[tilespmem:s1+$0xFFFFFFF0] =	vst v0  }
0xbf: {  	v0 =	vld [tilespmem:s3+$0xFFFFFFF0]  }
0xc0: {  	v1 =	vld [tilespmem:s30+$0xFFFFFFF0];
	_ =	sdelay $0x4  }
0xc1: {  	v0 =	vadd.f32 v0, v1;
	_ =	sdelay $0x1  }
0xc2: {  	[tilespmem:s30+$0xFFFFFFF0] =	vst v0  }
0xc3: {  	v0 =	vld [tilespmem:s4+$0xFFFFFFF0]  }
0xc4: {  	v1 =	vld [tilespmem:s2+$0xFFFFFFF0];
	_ =	sdelay $0x4  }
0xc5: {  	v0 =	vadd.f32 v1, v0;
	_ =	sdelay $0x1  }
0xc6: {  	[tilespmem:s4+$0xFFFFFFF0] =	vst v0  }
0xc7: {  	v0 =	vld [tilespmem:s26+$0xFFFFFFF0]  }
0xc8: {  	v1 =	vld [tilespmem:s28+$0xFFFFFFF0];
	_ =	sdelay $0x4  }
0xc9: {  	v0 =	vadd.f32 v1, v0;
	_ =	sdelay $0x1  }
0xca: {  	[tilespmem:s26+$0xFFFFFFF0] =	vst v0  }
0xcb: {  	v0 =	vld [tilespmem:s1+$0x0]  }
0xcc: {  	v1 =	vld [tilespmem:s31+$0x0];
	_ =	sdelay $0x4  }
0xcd: {  	v0 =	vadd.f32 v1, v0;
	_ =	sdelay $0x1  }
0xce: {  	[tilespmem:s1+$0x0] =	vst v0  }
0xcf: {  	v0 =	vld [tilespmem:s30+$0x0]  }
0xd0: {  	v1 =	vld [tilespmem:s3+$0x0];
	_ =	sdelay $0x4  }
0xd1: {  	v0 =	vadd.f32 v1, v0;
	_ =	sdelay $0x1  }
0xd2: {  	[tilespmem:s30+$0x0] =	vst v0  }
0xd3: {  	v0 =	vld [tilespmem:s4+$0x0]  }
0xd4: {  	v1 =	vld [tilespmem:s2+$0x0];
	_ =	sdelay $0x3  }
.Ltmp2:
0xd5: {  	(pc) =	sbr.rel @p1 .LBB2_6-.Ltmp2, $3  }
0xd6: {  	v0 =	vadd.f32 v1, v0;
	_ =	sdelay $0x1  }
0xd7: {  	s31 =	sadd.s32 $0x20, s31;
	s1 =	sadd.s32 $0x20, s1;
	s30 =	sadd.s32 $0x20, s30;
	[tilespmem:s4+$0x0] =	vst v0  }
0xd8: {  	s3 =	sadd.s32 $0x20, s3;
	s2 =	sadd.s32 $0x20, s2;
	s4 =	sadd.s32 $0x20, s4;
	v0 =	vld [tilespmem:s26+$0x0]  }
0xd9: {  	v1 =	vld [tilespmem:s28+$0x0];
	_ =	sdelay $0x4  }
0xda: {  	s1 =	sadd.s32 @!p0 s16, s25;
	v0 =	vadd.f32 v1, v0  }
0xdb: {  	s3 =	simm.s32 @!p0 $0x200;
	s1 =	sshrl.u32 @!p0 s1, $0x3  }
0xdc: {  	s4 =	simm.s32 @!p0 $0x1000;
	s2 =	sadd.s32 @!p0 s6, s1;
	[tilespmem:s0+$0x0] =	vst v0;
	s0 =	simm.s32 @!p0 $0x80  }
0xdd: {  	[tilespmem:s4], [sflag:$0x2] =	stream.strided.gather @!p0 [hbm4b:s2+s0], $0x200, s3, s0, $0x38;
	[tilespmem:$0x2A10] =	vst v63  }
0xde: {  	s2 =	sadd.s32 @!p0 s1, s7;
	s4 =	simm.s32 @!p0 $0x1200  }
0xdf: {  	[tilespmem:s4], [sflag:$0x2] =	stream.strided.gather @!p0 [hbm4b:s2+s0], $0x200, s3, s0, $0x38;
	[tilespmem:$0x2A10] =	vst v63  }
0xe0: {  	s2 =	sadd.s32 @!p0 s1, s8;
	s4 =	simm.s32 @!p0 $0x1400  }
0xe1: {  	[tilespmem:s4], [sflag:$0x2] =	stream.strided.gather @!p0 [hbm4b:s2+s0], $0x200, s3, s0, $0x38;
	[tilespmem:$0x2A10] =	vst v63  }
0xe2: {  	s1 =	sadd.s32 @!p0 s1, s9;
	s2 =	simm.s32 @!p0 $0x1600  }
0xe3: {  	[tilespmem:s2], [sflag:$0x2] =	stream.strided.gather @!p0 [hbm4b:s1+s0], $0x200, s3, s0, $0x38;
	[tilespmem:$0x2A10] =	vst v63  }
0xe4: {  	_ =	swait.ge [sflag:s23], $0x200  }
0xe5: {  	[sflag:s23] =	ssyncset.done $0x0  }
0xe6: {  	[sflag:s23] =	ssyncadd.s32 $0xFFFFFE00  }
0xe7: {  	_ =	swait.ge [sflag:s23], $0x200  }
0xe8: {  	[sflag:s23] =	ssyncset.done $0x0  }
0xe9: {  	[sflag:s23] =	ssyncadd.s32 $0xFFFFFE00  }
0xea: {  	_ =	swait.ge [sflag:s23], $0x200  }
0xeb: {  	[sflag:s23] =	ssyncset.done $0x0  }
0xec: {  	[sflag:s23] =	ssyncadd.s32 $0xFFFFFE00  }
0xed: {  	_ =	swait.ge [sflag:s23], $0x200  }
0xee: {  	[sflag:s23] =	ssyncset.done $0x0  }
0xef: {  	s0 =	simm.s32 $0x10;
	[sflag:s23] =	ssyncadd.s32 $0xFFFFFE00  }
0xf0: {  	s1 =	simm.s32 $0x1810;
	v0 =	vld [tilespmem:s0+$0xFFFFFFF0]  }
0xf1: {  	v1 =	vld [tilespmem:s1+$0xFFFFFFF0];
	_ =	sdelay $0x4  }
0xf2: {  	v0 =	vadd.f32 v1, v0;
	_ =	sdelay $0x1  }
0xf3: {  	s2 =	simm.s32 $0x1A10;
	[tilespmem:s0+$0xFFFFFFF0] =	vst v0  }
0xf4: {  	s3 =	simm.s32 $0x210;
	v0 =	vld [tilespmem:s2+$0xFFFFFFF0]  }
0xf5: {  	v1 =	vld [tilespmem:s3+$0xFFFFFFF0];
	_ =	sdelay $0x4  }
0xf6: {  	v0 =	vadd.f32 v0, v1;
	_ =	sdelay $0x1  }
0xf7: {  	s4 =	simm.s32 $0x410;
	[tilespmem:s3+$0xFFFFFFF0] =	vst v0  }
0xf8: {  	s29 =	simm.s32 $0x1C10;
	v0 =	vld [tilespmem:s4+$0xFFFFFFF0]  }
0xf9: {  	v1 =	vld [tilespmem:s29+$0xFFFFFFF0];
	_ =	sdelay $0x4  }
0xfa: {  	v0 =	vadd.f32 v1, v0;
	_ =	sdelay $0x1  }
0xfb: {  	s26 =	simm.s32 $0x610;
	[tilespmem:s4+$0xFFFFFFF0] =	vst v0  }
0xfc: {  	s28 =	simm.s32 $0x1E10;
	v0 =	vld [tilespmem:s26+$0xFFFFFFF0]  }
0xfd: {  	v1 =	vld [tilespmem:s28+$0xFFFFFFF0];
	_ =	sdelay $0x4  }
0xfe: {  	v0 =	vadd.f32 v1, v0;
	_ =	sdelay $0x1  }
0xff: {  	[tilespmem:s26+$0xFFFFFFF0] =	vst v0  }
0x100: {  	v0 =	vld [tilespmem:s0+$0x0]  }
0x101: {  	v1 =	vld [tilespmem:s1+$0x0];
	_ =	sdelay $0x4  }
0x102: {  	v0 =	vadd.f32 v1, v0;
	_ =	sdelay $0x1  }
0x103: {  	[tilespmem:s0+$0x0] =	vst v0  }
0x104: {  	v0 =	vld [tilespmem:s3+$0x0]  }
0x105: {  	v1 =	vld [tilespmem:s2+$0x0];
	_ =	sdelay $0x4  }
0x106: {  	v0 =	vadd.f32 v1, v0;
	_ =	sdelay $0x1  }
0x107: {  	[tilespmem:s3+$0x0] =	vst v0  }
0x108: {  	v0 =	vld [tilespmem:s4+$0x0]  }
0x109: {  	v1 =	vld [tilespmem:s29+$0x0];
	_ =	sdelay $0x4  }
0x10a: {  	v0 =	vadd.f32 v1, v0  }
0x10b: {  	s30 =	simm.s32 $0x230;
	s31 =	simm.s32 $0x1830  }
0x10c: {  	s1 =	simm.s32 $0x30;
	s0 =	simm.s32 $0x610;
	s2 =	simm.s32 $0x1C30;
	[tilespmem:s4+$0x0] =	vst v0  }
0x10d: {  	s3 =	simm.s32 $0x1A30;
	s29 =	simm.s32 $0x0;
	s4 =	simm.s32 $0x430;
	v0 =	vld [tilespmem:s26+$0x0]  }
.LBB2_8:
0x10e: {  	s29 =	sadd.s32 $0x2, s29;
	v1 =	vld [tilespmem:s28+$0x0];
	s28 =	sadd.s32 $0x20, s28;
	s26 =	sadd.s32 $0x20, s26  }
0x10f: {  	p1 =	slt.u32 s29, $0x1E;
	_ =	sdelay $0x3  }
0x110: {  	v0 =	vadd.f32 v1, v0;
	_ =	sdelay $0x1  }
0x111: {  	[tilespmem:s0+$0x0] =	vst v0;
	s0 =	smov.u32 s26  }
0x112: {  	v0 =	vld [tilespmem:s1+$0xFFFFFFF0]  }
0x113: {  	v1 =	vld [tilespmem:s31+$0xFFFFFFF0];
	_ =	sdelay $0x4  }
0x114: {  	v0 =	vadd.f32 v1, v0;
	_ =	sdelay $0x1  }
0x115: {  	[tilespmem:s1+$0xFFFFFFF0] =	vst v0  }
0x116: {  	v0 =	vld [tilespmem:s3+$0xFFFFFFF0]  }
0x117: {  	v1 =	vld [tilespmem:s30+$0xFFFFFFF0];
	_ =	sdelay $0x4  }
0x118: {  	v0 =	vadd.f32 v0, v1;
	_ =	sdelay $0x1  }
0x119: {  	[tilespmem:s30+$0xFFFFFFF0] =	vst v0  }
0x11a: {  	v0 =	vld [tilespmem:s4+$0xFFFFFFF0]  }
0x11b: {  	v1 =	vld [tilespmem:s2+$0xFFFFFFF0];
	_ =	sdelay $0x4  }
0x11c: {  	v0 =	vadd.f32 v1, v0;
	_ =	sdelay $0x1  }
0x11d: {  	[tilespmem:s4+$0xFFFFFFF0] =	vst v0  }
0x11e: {  	v0 =	vld [tilespmem:s26+$0xFFFFFFF0]  }
0x11f: {  	v1 =	vld [tilespmem:s28+$0xFFFFFFF0];
	_ =	sdelay $0x4  }
0x120: {  	v0 =	vadd.f32 v1, v0;
	_ =	sdelay $0x1  }
0x121: {  	[tilespmem:s26+$0xFFFFFFF0] =	vst v0  }
0x122: {  	v0 =	vld [tilespmem:s1+$0x0]  }
0x123: {  	v1 =	vld [tilespmem:s31+$0x0];
	_ =	sdelay $0x4  }
0x124: {  	v0 =	vadd.f32 v1, v0;
	_ =	sdelay $0x1  }
0x125: {  	[tilespmem:s1+$0x0] =	vst v0  }
0x126: {  	v0 =	vld [tilespmem:s30+$0x0]  }
0x127: {  	v1 =	vld [tilespmem:s3+$0x0];
	_ =	sdelay $0x4  }
0x128: {  	v0 =	vadd.f32 v1, v0;
	_ =	sdelay $0x1  }
0x129: {  	[tilespmem:s30+$0x0] =	vst v0  }
0x12a: {  	v0 =	vld [tilespmem:s4+$0x0]  }
0x12b: {  	v1 =	vld [tilespmem:s2+$0x0];
	_ =	sdelay $0x3  }
.Ltmp3:
0x12c: {  	(pc) =	sbr.rel @p1 .LBB2_8-.Ltmp3, $3  }
0x12d: {  	v0 =	vadd.f32 v1, v0;
	_ =	sdelay $0x1  }
0x12e: {  	s31 =	sadd.s32 $0x20, s31;
	s1 =	sadd.s32 $0x20, s1;
	s30 =	sadd.s32 $0x20, s30;
	[tilespmem:s4+$0x0] =	vst v0  }
0x12f: {  	s3 =	sadd.s32 $0x20, s3;
	s2 =	sadd.s32 $0x20, s2;
	s4 =	sadd.s32 $0x20, s4;
	v0 =	vld [tilespmem:s26+$0x0]  }
0x130: {  	v1 =	vld [tilespmem:s28+$0x0];
	_ =	sdelay $0x4  }
0x131: {  	s1 =	sadd.s32 @!p0 s17, s25;
	v0 =	vadd.f32 v1, v0  }
0x132: {  	s3 =	simm.s32 @!p0 $0x200;
	s1 =	sshrl.u32 @!p0 s1, $0x3  }
0x133: {  	s4 =	simm.s32 @!p0 $0x1800;
	s2 =	sadd.s32 @!p0 s6, s1;
	[tilespmem:s0+$0x0] =	vst v0;
	s0 =	simm.s32 @!p0 $0x80  }
0x134: {  	[tilespmem:s4], [sflag:$0x3] =	stream.strided.gather @!p0 [hbm4b:s2+s0], $0x200, s3, s0, $0x38;
	[tilespmem:$0x2A10] =	vst v63  }
0x135: {  	s2 =	sadd.s32 @!p0 s1, s7;
	s4 =	simm.s32 @!p0 $0x1A00  }
0x136: {  	[tilespmem:s4], [sflag:$0x3] =	stream.strided.gather @!p0 [hbm4b:s2+s0], $0x200, s3, s0, $0x38;
	[tilespmem:$0x2A10] =	vst v63  }
0x137: {  	s2 =	sadd.s32 @!p0 s1, s8;
	s4 =	simm.s32 @!p0 $0x1C00  }
0x138: {  	[tilespmem:s4], [sflag:$0x3] =	stream.strided.gather @!p0 [hbm4b:s2+s0], $0x200, s3, s0, $0x38;
	[tilespmem:$0x2A10] =	vst v63  }
0x139: {  	s1 =	sadd.s32 @!p0 s1, s9;
	s2 =	simm.s32 @!p0 $0x1E00  }
0x13a: {  	[tilespmem:s2], [sflag:$0x3] =	stream.strided.gather @!p0 [hbm4b:s1+s0], $0x200, s3, s0, $0x38;
	[tilespmem:$0x2A10] =	vst v63  }
0x13b: {  	_ =	swait.ge [sflag:s24], $0x200  }
0x13c: {  	[sflag:s24] =	ssyncset.done $0x0  }
0x13d: {  	[sflag:s24] =	ssyncadd.s32 $0xFFFFFE00  }
0x13e: {  	_ =	swait.ge [sflag:s24], $0x200  }
0x13f: {  	[sflag:s24] =	ssyncset.done $0x0  }
0x140: {  	[sflag:s24] =	ssyncadd.s32 $0xFFFFFE00  }
0x141: {  	_ =	swait.ge [sflag:s24], $0x200  }
0x142: {  	[sflag:s24] =	ssyncset.done $0x0  }
0x143: {  	[sflag:s24] =	ssyncadd.s32 $0xFFFFFE00  }
0x144: {  	_ =	swait.ge [sflag:s24], $0x200  }
0x145: {  	[sflag:s24] =	ssyncset.done $0x0  }
0x146: {  	s0 =	simm.s32 $0x10;
	[sflag:s24] =	ssyncadd.s32 $0xFFFFFE00  }
0x147: {  	s2 =	simm.s32 $0x2010;
	v0 =	vld [tilespmem:s0+$0xFFFFFFF0]  }
0x148: {  	v1 =	vld [tilespmem:s2+$0xFFFFFFF0];
	_ =	sdelay $0x4  }
0x149: {  	v0 =	vadd.f32 v1, v0;
	_ =	sdelay $0x1  }
0x14a: {  	s3 =	simm.s32 $0x2210;
	[tilespmem:s0+$0xFFFFFFF0] =	vst v0  }
0x14b: {  	s4 =	simm.s32 $0x210;
	v0 =	vld [tilespmem:s3+$0xFFFFFFF0]  }
0x14c: {  	v1 =	vld [tilespmem:s4+$0xFFFFFFF0];
	_ =	sdelay $0x4  }
0x14d: {  	v0 =	vadd.f32 v0, v1;
	_ =	sdelay $0x1  }
0x14e: {  	s31 =	simm.s32 $0x410;
	[tilespmem:s4+$0xFFFFFFF0] =	vst v0  }
0x14f: {  	s28 =	simm.s32 $0x2410;
	v0 =	vld [tilespmem:s31+$0xFFFFFFF0]  }
0x150: {  	v1 =	vld [tilespmem:s28+$0xFFFFFFF0];
	_ =	sdelay $0x4  }
0x151: {  	v0 =	vadd.f32 v1, v0;
	_ =	sdelay $0x1  }
0x152: {  	s25 =	simm.s32 $0x610;
	[tilespmem:s31+$0xFFFFFFF0] =	vst v0  }
0x153: {  	s26 =	simm.s32 $0x2610;
	v0 =	vld [tilespmem:s25+$0xFFFFFFF0]  }
0x154: {  	v1 =	vld [tilespmem:s26+$0xFFFFFFF0];
	_ =	sdelay $0x4  }
0x155: {  	v0 =	vadd.f32 v1, v0;
	_ =	sdelay $0x1  }
0x156: {  	[tilespmem:s25+$0xFFFFFFF0] =	vst v0  }
0x157: {  	v0 =	vld [tilespmem:s0+$0x0]  }
0x158: {  	v1 =	vld [tilespmem:s2+$0x0];
	_ =	sdelay $0x4  }
0x159: {  	v0 =	vadd.f32 v1, v0;
	_ =	sdelay $0x1  }
0x15a: {  	[tilespmem:s0+$0x0] =	vst v0  }
0x15b: {  	v0 =	vld [tilespmem:s4+$0x0]  }
0x15c: {  	v1 =	vld [tilespmem:s3+$0x0];
	_ =	sdelay $0x4  }
0x15d: {  	v0 =	vadd.f32 v1, v0;
	_ =	sdelay $0x1  }
0x15e: {  	[tilespmem:s4+$0x0] =	vst v0  }
0x15f: {  	v0 =	vld [tilespmem:s31+$0x0]  }
0x160: {  	v1 =	vld [tilespmem:s28+$0x0];
	_ =	sdelay $0x4  }
0x161: {  	v0 =	vadd.f32 v1, v0  }
0x162: {  	s29 =	simm.s32 $0x230;
	s30 =	simm.s32 $0x2030  }
0x163: {  	s1 =	simm.s32 $0x2430;
	s2 =	simm.s32 $0x610;
	s0 =	simm.s32 $0x30;
	[tilespmem:s31+$0x0] =	vst v0  }
0x164: {  	s3 =	simm.s32 $0x2230;
	s4 =	simm.s32 $0x430;
	s28 =	simm.s32 $0x0;
	v0 =	vld [tilespmem:s25+$0x0]  }
.LBB2_10:
0x165: {  	s28 =	sadd.s32 $0x2, s28;
	v1 =	vld [tilespmem:s26+$0x0];
	s26 =	sadd.s32 $0x20, s26;
	s25 =	sadd.s32 $0x20, s25  }
0x166: {  	p1 =	slt.u32 s28, $0x1E;
	_ =	sdelay $0x3  }
0x167: {  	v0 =	vadd.f32 v1, v0;
	_ =	sdelay $0x1  }
0x168: {  	[tilespmem:s2+$0x0] =	vst v0;
	s2 =	smov.u32 s25  }
0x169: {  	v0 =	vld [tilespmem:s0+$0xFFFFFFF0]  }
0x16a: {  	v1 =	vld [tilespmem:s30+$0xFFFFFFF0];
	_ =	sdelay $0x4  }
0x16b: {  	v0 =	vadd.f32 v1, v0;
	_ =	sdelay $0x1  }
0x16c: {  	[tilespmem:s0+$0xFFFFFFF0] =	vst v0  }
0x16d: {  	v0 =	vld [tilespmem:s3+$0xFFFFFFF0]  }
0x16e: {  	v1 =	vld [tilespmem:s29+$0xFFFFFFF0];
	_ =	sdelay $0x4  }
0x16f: {  	v0 =	vadd.f32 v0, v1;
	_ =	sdelay $0x1  }
0x170: {  	[tilespmem:s29+$0xFFFFFFF0] =	vst v0  }
0x171: {  	v0 =	vld [tilespmem:s4+$0xFFFFFFF0]  }
0x172: {  	v1 =	vld [tilespmem:s1+$0xFFFFFFF0];
	_ =	sdelay $0x4  }
0x173: {  	v0 =	vadd.f32 v1, v0;
	_ =	sdelay $0x1  }
0x174: {  	[tilespmem:s4+$0xFFFFFFF0] =	vst v0  }
0x175: {  	v0 =	vld [tilespmem:s25+$0xFFFFFFF0]  }
0x176: {  	v1 =	vld [tilespmem:s26+$0xFFFFFFF0];
	_ =	sdelay $0x4  }
0x177: {  	v0 =	vadd.f32 v1, v0;
	_ =	sdelay $0x1  }
0x178: {  	[tilespmem:s25+$0xFFFFFFF0] =	vst v0  }
0x179: {  	v0 =	vld [tilespmem:s0+$0x0]  }
0x17a: {  	v1 =	vld [tilespmem:s30+$0x0];
	_ =	sdelay $0x4  }
0x17b: {  	v0 =	vadd.f32 v1, v0;
	_ =	sdelay $0x1  }
0x17c: {  	[tilespmem:s0+$0x0] =	vst v0  }
0x17d: {  	v0 =	vld [tilespmem:s29+$0x0]  }
0x17e: {  	v1 =	vld [tilespmem:s3+$0x0];
	_ =	sdelay $0x4  }
0x17f: {  	v0 =	vadd.f32 v1, v0;
	_ =	sdelay $0x1  }
0x180: {  	[tilespmem:s29+$0x0] =	vst v0  }
0x181: {  	v0 =	vld [tilespmem:s4+$0x0]  }
0x182: {  	v1 =	vld [tilespmem:s1+$0x0];
	_ =	sdelay $0x3  }
.Ltmp4:
0x183: {  	(pc) =	sbr.rel @p1 .LBB2_10-.Ltmp4, $3  }
0x184: {  	v0 =	vadd.f32 v1, v0;
	_ =	sdelay $0x1  }
0x185: {  	s30 =	sadd.s32 $0x20, s30;
	s0 =	sadd.s32 $0x20, s0;
	s29 =	sadd.s32 $0x20, s29;
	[tilespmem:s4+$0x0] =	vst v0  }
0x186: {  	s3 =	sadd.s32 $0x20, s3;
	s1 =	sadd.s32 $0x20, s1;
	s4 =	sadd.s32 $0x20, s4;
	v0 =	vld [tilespmem:s25+$0x0]  }
0x187: {  	v1 =	vld [tilespmem:s26+$0x0];
	_ =	sdelay $0x2  }
.Ltmp5:
0x188: {  	_ = 	snop;
	(pc) =	sbr.rel @p0 .LBB2_12-.Ltmp5, $3  }
0x189: {  	_ = 	snop  }
0x18a: {  	v0 =	vadd.f32 v1, v0;
	_ =	sdelay $0x1  }
0x18b: {  	[tilespmem:s2+$0x0] =	vst v0  }
0x18c: {  	s0 =	sshll.u32 s20, $0x11  }
0x18d: {  	s0 =	sadd.s32 s19, s0  }
0x18e: {  	s0 =	sshrl.u32 s0, $0x3  }
0x18f: {  	s1 =	sadd.s32 s6, s0  }
0x190: {  	[tilespmem:s12], [sflag:$0x4] =	stream.strided.gather [hbm4b:s1+s10], $0x200, s11, s10, $0x38;
	[tilespmem:$0x2A10] =	vst v63  }
0x191: {  	s30 =	sadd.s32 s0, s7  }
0x192: {  	[tilespmem:s13], [sflag:$0x4] =	stream.strided.gather [hbm4b:s30+s10], $0x200, s11, s10, $0x38;
	[tilespmem:$0x2A10] =	vst v63  }
.Ltmp6:
0x193: {  	_ = 	snop;
	(pc) =	sbr.rel .LBB2_3-.Ltmp6, $4  }
0x194: {  	s31 =	sadd.s32 s0, s8  }
0x195: {  	[tilespmem:s15], [sflag:$0x4] =	stream.strided.gather [hbm4b:s31+s10], $0x200, s11, s10, $0x38;
	[tilespmem:$0x2A10] =	vst v63  }
0x196: {  	s20 =	sadd.s32 $0x1, s20;
	s0 =	sadd.s32 s0, s9  }
0x197: {  	[tilespmem:s18], [sflag:$0x4] =	stream.strided.gather [hbm4b:s0+s10], $0x200, s11, s10, $0x38;
	[tilespmem:$0x2A10] =	vst v63  }
.LBB2_12:
0x198: {  	s1 =	simm.s32 $0x0  }
0x199: {  	v2 =	vld [tilespmem:s1+$0x0]  }
0x19a: {  	v3 =	vld [tilespmem:s1+$0x200];
	_ =	sdelay $0x1  }
0x19b: {  	s0 =	simm.s32 $0x40  }
0x19c: {  	v0 =	vimm.f32 $0.0e+00;
	p0 =	slt.u32 s5, $0x1FE0;
	v4 =	vimm.f32 $0.0e+00;
	v1 =	vimm.f32 $0.0e+00;
	s7 =	rddreg [dreg:$0x2];
	s8 =	stileid.u32  }
.LBB2_13:
0x19d: {  	s1 =	sshra.s32 s0, $0x2;
	p1 =	sne.s32 s0, $0x7C0;
	s0 =	sadd.s32 $0x40, s0;
	v5 =	vpsel !p0, $0x0, v2  }
.Ltmp7:
0x19e: {  	v2 =	vld [tilespmem:s1+$0x0];
	v6 =	vpsel !p0, $0x0, v3;
	v7 =	vpsel p0, $0x0, v3;
	v0 =	vadd.f32 v5, v0;
	(pc) =	sbr.rel @p1 .LBB2_13-.Ltmp7, $3  }
0x19f: {  	v3 =	vld [tilespmem:s1+$0x200];
	v4 =	vadd.f32 v6, v4;
	v1 =	vadd.f32 v7, v1;
	_ =	sdelay $0x1  }
0x1a0: {  	s5 =	sadd.s32 $0x10, s5  }
0x1a1: {  	p0 =	slt.u32 s5, $0x1FE0  }
0x1a2: {  	_ = 	snop  }
0x1a3: {  	v5 =	vpsel !p0, $0x0, v3  }
0x1a4: {  	v2 =	vpsel !p0, $0x0, v2;
	v4 =	vadd.f32 v5, v4  }
0x1a5: {  	v0 =	vadd.f32 v2, v0  }
0x1a6: {  	v2 =	vpsel p0, $0x0, v3;
	(xrf2) =	vadd.scan.msk.f32 $0xffff, v4  }
0x1a7: {  	v1 =	vadd.f32 v2, v1;
	(xrf2) =	vadd.scan.msk.f32 $0xffff, v0;
	_ =	sdelay $0x1  }
0x1a8: {  	(xrf2) =	vadd.scan.msk.f32 $0xffff, v1;
	_ =	sdelay $0x6  }
0x1a9: {  	v0, _, _ =	vpop (xrf2)  }
0x1aa: {  	v1, _, _ =	vpop (xrf2)  }
0x1ab: {  	v0 =	vbroadcast v0, $0xF;
	v1 =	vbroadcast v1, $0xF  }
0x1ac: {  	vm0 =	vmmov $0x1;
	vm1 =	vcmask $0x704;
	v2, _, _ =	vpop (xrf2)  }
0x1ad: {  	v0 =	vnsel vm0, $0x0, v0;
	v2 =	vbroadcast v2, $0xF;
	v1 =	vnsel vm1, $0x0, v1  }
0x1ae: {  	vm1 =	vcmask $0xB08;
	v0 =	vadd.f32 v1, v0  }
0x1af: {  	v1 =	vnsel vm1, $0x0, v2  }
0x1b0: {  	v0 =	vadd.f32 v1, v0  }
0x1b1: {  	s0 =	sshll.u32 s8, $0x4  }
0x1b2: {  	s19 =	simm.s32 $0x2800;
	s20 =	simm.s32 $0x5;
	s5 =	sadd.s32 s0, s7;
	[tilespmem:$0x2800] =	vst v0  }
0x1b3: {  	[spmem:s5] =	stream.linear.scatter [tilespmem:s19], [sflag:$0x5], $0x10, $0x38;
	[tilespmem:$0x2A10] =	vst v63  }
0x1b4: {  	_ =	swait.ge [sflag:s20], $0x10  }
0x1b5: {  	[sflag:s20] =	ssyncset.done $0x0  }
0x1b6: {  	[sflag:s20] =	ssyncadd.s32 $0xFFFFFFF0  }
0x1b7: {  	s1 =	simm.s32 $0x2880;
	[bflag:$0x0] =	sbarrier.arrive $0xFFFF  }
0x1b8: {  	[tilespmem:s1], [sflag:$0x5] =	stream.linear.gather [spmem:s7], $0x100, $0x38;
	[tilespmem:$0x2A10] =	vst v63  }
0x1b9: {  	_ =	swait.ge [sflag:s20], $0x100  }
0x1ba: {  	[sflag:s20] =	ssyncset.done $0x0  }
0x1bb: {  	[sflag:s20] =	ssyncadd.s32 $0xFFFFFF00  }
0x1bc: {  	v0 =	vld [tilespmem:$0x2880];
	_ =	sdelay $0x1  }
0x1bd: {  	v1 =	vld [tilespmem:$0x2890];
	_ =	sdelay $0x1  }
0x1be: {  	v2 =	vld [tilespmem:$0x28A0]  }
0x1bf: {  	v0 =	vadd.f32 $0.0e+00, v0  }
0x1c0: {  	p2 =	seq.s32 s8, $0x0;
	p1 =	sgt.u32 s8, $0x1;
	v3 =	vld [tilespmem:$0x28B0]  }
0x1c1: {  	v4 =	vpsel p2, $0x0, v0;
	v0 =	vadd.f32 v1, v0;
	v1 =	vpsel !p1, $0x0, v1  }
0x1c2: {  	p3 =	sgt.u32 s8, $0x2;
	v1 =	vadd.f32 v1, v4;
	v4 =	vld [tilespmem:$0x28C0]  }
0x1c3: {  	v0 =	vadd.f32 v2, v0;
	v2 =	vpsel !p3, $0x0, v2  }
0x1c4: {  	p4 =	sgt.u32 s8, $0x3;
	v1 =	vadd.f32 v2, v1;
	v2 =	vld [tilespmem:$0x28D0]  }
0x1c5: {  	v0 =	vadd.f32 v3, v0;
	v3 =	vpsel !p4, $0x0, v3  }
0x1c6: {  	p5 =	sgt.u32 s8, $0x4;
	v1 =	vadd.f32 v3, v1;
	v3 =	vld [tilespmem:$0x28E0]  }
0x1c7: {  	v0 =	vadd.f32 v4, v0;
	v4 =	vpsel !p5, $0x0, v4  }
0x1c8: {  	p6 =	sgt.u32 s8, $0x5;
	v1 =	vadd.f32 v4, v1;
	v4 =	vld [tilespmem:$0x28F0]  }
0x1c9: {  	v0 =	vadd.f32 v2, v0;
	v2 =	vpsel !p6, $0x0, v2  }
0x1ca: {  	p1 =	sgt.u32 s8, $0x6;
	v1 =	vadd.f32 v2, v1;
	v2 =	vld [tilespmem:$0x2900]  }
0x1cb: {  	v0 =	vadd.f32 v3, v0;
	v3 =	vpsel !p1, $0x0, v3  }
0x1cc: {  	p2 =	sgt.u32 s8, $0x7;
	v1 =	vadd.f32 v3, v1;
	v3 =	vld [tilespmem:$0x2910]  }
0x1cd: {  	v0 =	vadd.f32 v4, v0;
	v4 =	vpsel !p2, $0x0, v4  }
0x1ce: {  	p3 =	sgt.u32 s8, $0x8;
	v1 =	vadd.f32 v4, v1;
	v4 =	vld [tilespmem:$0x2920]  }
0x1cf: {  	v0 =	vadd.f32 v2, v0;
	v2 =	vpsel !p3, $0x0, v2  }
0x1d0: {  	p4 =	sgt.u32 s8, $0x9;
	v1 =	vadd.f32 v2, v1;
	v2 =	vld [tilespmem:$0x2930]  }
0x1d1: {  	v0 =	vadd.f32 v3, v0;
	v3 =	vpsel !p4, $0x0, v3  }
0x1d2: {  	p5 =	sgt.u32 s8, $0xA;
	v1 =	vadd.f32 v3, v1;
	v3 =	vld [tilespmem:$0x2940]  }
0x1d3: {  	v0 =	vadd.f32 v4, v0;
	v4 =	vpsel !p5, $0x0, v4  }
0x1d4: {  	p6 =	sgt.u32 s8, $0xB;
	v1 =	vadd.f32 v4, v1;
	v4 =	vld [tilespmem:$0x2950]  }
0x1d5: {  	v0 =	vadd.f32 v2, v0;
	v2 =	vpsel !p6, $0x0, v2  }
0x1d6: {  	p1 =	sgt.u32 s8, $0xC;
	v1 =	vadd.f32 v2, v1;
	v2 =	vld [tilespmem:$0x2960]  }
0x1d7: {  	v0 =	vadd.f32 v3, v0;
	v3 =	vpsel !p1, $0x0, v3  }
0x1d8: {  	p2 =	sgt.u32 s8, $0xD;
	v1 =	vadd.f32 v3, v1;
	v3 =	vld [tilespmem:$0x2970]  }
0x1d9: {  	v0 =	vadd.f32 v4, v0;
	v4 =	vpsel !p2, $0x0, v4  }
0x1da: {  	p3 =	seq.s32 s8, $0xF;
	v1 =	vadd.f32 v4, v1  }
0x1db: {  	v0 =	vadd.f32 v2, v0;
	v2 =	vpsel !p3, $0x0, v2  }
0x1dc: {  	v1 =	vadd.f32 v2, v1  }
0x1dd: {  	v0 =	vadd.f32 v3, v0  }
0x1de: {  	vm1 =	vcmask $0x70C;
	v1 =	vadd.f32 $0.0e+00, v1  }
0x1df: {  	s21 =	simm.s32 $0x1F0;
	v0 =	vsel vm1, $0x0, v0  }
0x1e0: {  	v2 =	vld [tilespmem:s21+$0x0];
	vm1 =	vcmask $0x308;
	(xrf2) =	vadd.scan.msk.f32 $0xffff, v0;
	v0 =	vnsel vm0, $0x0, v1  }
0x1e1: {  	(xrf2) =	vadd.scan.msk.f32 $0xffff, v0;
	v0 =	vsel vm1, $0x0, v1;
	v1 =	vld [tilespmem:s21+$0x200]  }
0x1e2: {  	s22 =	rddreg [dreg:$0x4];
	(xrf2) =	vadd.scan.msk.f32 $0xffff, v0;
	v0 =	vlaneseq.u32  }
0x1e3: {  	s1 =	ssub.s32 $0x1FF0, s22;
	v0 =	vmul.u32 $0xFFFFFFFF, v0  }
0x1e4: {  	p4 =	slt.u32 s1, $0x1FE0  }
0x1e5: {  	v2 =	vpsel !p4, $0x0, v2;
	v0 =	vadd.s32 $0xF, v0  }
0x1e6: {  	v4 =	vperm.xlane v2, v0;
	v1 =	vpsel !p4, $0x0, v1  }
0x1e7: {  	v9 =	vperm.xlane v1, v0  }
0x1e8: {  	s2 =	simm.s32 $0x1E0;
	(xrf2) =	vadd.scan.msk.f32 $0xffff, v4  }
0x1e9: {  	v1 =	vld [tilespmem:s2+$0x200];
	(xrf2) =	vadd.scan.msk.f32 $0xffff, v9  }
0x1ea: {  	v2 =	vld [tilespmem:s2+$0x0];
	_ =	sdelay $0x1  }
0x1eb: {  	s1 =	sadd.s32 $0xFFFFFFF0, s1;
	v5, _, _ =	vpop (xrf2)  }
0x1ec: {  	p5 =	slt.u32 s1, $0x1FE0;
	v3, _, _ =	vpop (xrf2)  }
0x1ed: {  	s3 =	simm.s32 $0x1D0;
	(v2sf) =	vpush v3, $0xF;
	v3, _, _ =	vpop (xrf2);
	v1 =	vpsel !p5, $0x0, v1  }
0x1ee: {  	v2 =	vpsel !p5, $0x0, v2;
	(v2sf) =	vpush v3, $0xF;
	v17 =	vperm.xlane v1, v0;
	v1 =	vld [tilespmem:s3+$0x0]  }
0x1ef: {  	v16 =	vperm.xlane v2, v0;
	v2 =	vld [tilespmem:s3+$0x200];
	_ =	sdelay $0x1  }
0x1f0: {  	s1 =	sadd.s32 $0xFFFFFFF0, s1;
	v7, _, _ =	vpop (xrf2)  }
0x1f1: {  	p2 =	slt.u32 s1, $0x1FE0;
	v8, _, _ =	vpop (xrf2)  }
0x1f2: {  	v1 =	vpsel !p2, $0x0, v1;
	(v2sf) =	vpush v8, $0xF  }
0x1f3: {  	(xrf2) =	vadd.scan.msk.f32 $0xffff, v16;
	v3 =	vperm.xlane v1, v0;
	v1 =	vpsel !p2, $0x0, v2  }
0x1f4: {  	(xrf2) =	vadd.scan.msk.f32 $0xffff, v17;
	v6 =	vperm.xlane v1, v0;
	(v2sf) =	vpush v7, $0xF  }
0x1f5: {  	(xrf2) =	vadd.scan.msk.f32 $0xffff, v3  }
0x1f6: {  	s23 =	simm.s32 $0x1C0;
	v11 =	vld [tilespmem:s21+$0x600];
	(xrf2) =	vadd.scan.msk.f32 $0xffff, v6  }
0x1f7: {  	v13 =	vld [tilespmem:s23+$0x0]  }
0x1f8: {  	v14 =	vld [tilespmem:s23+$0x200]  }
0x1f9: {  	v15 =	vld [tilespmem:s2+$0x400]  }
0x1fa: {  	v18 =	vld [tilespmem:s2+$0x600]  }
0x1fb: {  	v2 =	vld [tilespmem:s21+$0x400];
	s4 =	spop (v2sf)  }
0x1fc: {  	v19 =	vld [tilespmem:s3+$0x400];
	s1 =	sadd.s32 $0xFFFFFFF0, s1;
	s6 =	spop (v2sf)  }
0x1fd: {  	s24 =	simm.s32 $0x1B0;
	v20 =	vld [tilespmem:s3+$0x600];
	p3 =	slt.u32 s1, $0x1FE0;
	v10, _, _ =	vpop (xrf2);
	v7 =	vadd.f32 s6, v7  }
0x1fe: {  	v21 =	vld [tilespmem:s24+$0x0];
	v26 =	vpsel !p4, $0x0, v11;
	v14 =	vpsel !p3, $0x0, v14;
	v1 =	vbroadcast v5, $0xF;
	v12, _, _ =	vpop (xrf2)  }
0x1ff: {  	v5 =	vpsel !p3, $0x0, v13;
	v13 =	vld [tilespmem:s23+$0x400];
	(v2sf) =	vpush v12, $0xF;
	v7 =	vsub.f32 v7, v4;
	v25, _, _ =	vpop (xrf2)  }
0x200: {  	v5 =	vperm.xlane v5, v0;
	v23 =	vpsel !p4, $0x0, v2;
	(v2sf) =	vpush v10, $0xF;
	v24, _, _ =	vpop (xrf2)  }
0x201: {  	s1 =	sadd.s32 $0xFFFFFFF0, s1;
	v2 =	vperm.xlane v14, v0;
	v22 =	vadd.f32 v7, v1;
	s25 =	spop (v2sf);
	(v2sf) =	vpush v24, $0xF  }
0x202: {  	p6 =	slt.u32 s1, $0x1FE0;
	v14 =	vpsel !p5, $0x0, v15;
	v15 =	vpsel !p5, $0x0, v18;
	v18 =	vld [tilespmem:s23+$0x600];
	v8 =	vadd.f32 s4, v8  }
0x203: {  	v11 =	vpsel !p2, $0x0, v20;
	v20 =	vpsel !p6, $0x0, v21;
	(xrf2) =	vadd.scan.msk.f32 $0xffff, v5;
	v27 =	vadd.f32 v22, v4;
	s0 =	sadd.f32 s25, s4;
	s26 =	spop (v2sf)  }
0x204: {  	v28 =	vld [tilespmem:s24+$0x200];
	(xrf2) =	vadd.scan.msk.f32 $0xffff, v2;
	v7 =	vpsel !p2, $0x0, v19;
	v19 =	vsub.f32 v8, v9;
	v4 =	vpsel !p3, $0x0, v13;
	s3 =	sadd.f32 s26, s6  }
0x205: {  	v8 =	vmax.f32 v22, $1.000000000e+00;
	v13 =	vmax.f32 v27, $1.000000000e+00;
	v12 =	vadd.f32 s0, v12  }
0x206: {  	(erf) = vrcp.f32 v8;
	v21 =	vmul.f32 v13, v8;
	v10 =	vadd.f32 s3, v10  }
0x207: {  	v22 =	vld [tilespmem:s24+$0x400];
	v8 =	vpsel !p3, $0x0, v18;
	v18 =	vsub.f32 v1, v19;
	v12 =	vsub.f32 v12, v17  }
0x208: {  	s29 =	simm.s32 $0x1A0;
	v27 =	vld [tilespmem:s24+$0x600];
	v13 =	vperm.xlane v20, v0;
	(erf) = vrcp.f32 v21;
	v19 =	vsub.f32 v10, v16  }
0x209: {  	v18 =	vsub.f32 v18, v9;
	v9 =	vpsel !p6, $0x0, v28;
	v28 =	vld [tilespmem:s29+$0x0];
	v21 =	vsub.f32 v1, v12  }
0x20a: {  	(xrf2) =	vadd.scan.msk.f32 $0xffff, v13;
	v29 =	vadd.f32 v19, v1  }
0x20b: {  	(v2sf) =	vpush v25, $0xF;
	v21 =	vsub.f32 v21, v17;
	v17 =	vperm.xlane v23, v0  }
0x20c: {  	v30 =	vld [tilespmem:s29+$0x200];
	v26 =	vperm.xlane v26, v0;
	s2 =	sadd.s32 $0xFFFFFFF0, s1;
	v10 =	vperm.xlane v9, v0;
	v16 =	vadd.f32 v29, v16  }
0x20d: {  	p0 =	slt.u32 s2, $0x1FE0;
	v9 =	vpsel !p6, $0x0, v22;
	v12 =	vpsel !p6, $0x0, v27;
	v19, _, _ =	vpop (xrf2);
	v23 =	vmax.f32 v29, $1.000000000e+00  }
0x20e: {  	s28 =	spop (v2sf);
	(xrf2) =	vadd.scan.msk.f32 $0xffff, v10;
	v27 =	vpsel !p0, $0x0, v28;
	v22, _, _ =	vpop (xrf2);
	v18 =	vmul.f32 v18, v17;
	v16 =	vmax.f32 v16, $1.000000000e+00  }
0x20f: {  	s0 =	sadd.f32 s28, s0;
	s30 =	spop (v2sf);
	(erf) = vrcp.f32 v23;
	(v2sf) =	vpush v22, $0xF;
	v17 =	vpop (erf);
	v16 =	vmul.f32 v16, v23  }
0x210: {  	s1 =	sadd.f32 s30, s3;
	v23 =	vperm.xlane v27, v0;
	v27 =	vmul.f32 v17, v26;
	v17 =	vld [tilespmem:s29+$0x400];
	s31 =	spop (v2sf);
	(v2sf) =	vpush v19, $0xF  }
0x211: {  	v24 =	vadd.f32 s0, v24;
	v26 =	vpsel !p0, $0x0, v30  }
0x212: {  	v28 =	vadd.f32 s1, v25;
	(erf) = vrcp.f32 v16;
	v16 =	vld [tilespmem:s29+$0x600]  }
0x213: {  	v20 =	vimm.f32 $0.0e+00;
	v24 =	vsub.f32 v24, v6;
	v25 =	vpop (erf)  }
0x214: {  	s3 =	simm.s32 $0x640;
	v28 =	vsub.f32 v28, v3;
	v25 =	vmul.f32 v25, v18;
	v18 =	vperm.xlane v26, v0;
	(xrf2) =	vadd.scan.msk.f32 $0xffff, v23;
	s0 =	sadd.f32 s31, s0;
	v26, _, _ =	vpop (xrf2)  }
.LBB2_15:
0x215: {  	v17 =	vpsel !p0, $0x0, v17;
	v24 =	vsub.f32 v1, v24;
	v20 =	vadd.f32 v27, v20;
	v27 =	vmovc v3;
	v3 =	vmovc v5  }
0x216: {  	s4 =	sshra.s32 s3, $0x2;
	p1 =	sne.s32 s3, $0x0;
	s3 =	sadd.s32 $0xFFFFFFC0, s3;
	v5 =	vmovc v13;
	v13 =	vmovc v23;
	v23 =	vmov v2;
	v2 =	vmov v10;
	v29 =	vmov v19  }
0x217: {  	v19 =	vmovc v26;
	v30 =	vld [tilespmem:s4+$0x0];
	v31 =	vpsel !p0, $0x0, v16;
	v16 =	vadd.f32 s0, v22;
	v28 =	vadd.f32 v28, v1;
	v10 =	vmovc v18  }
0x218: {  	(xrf2) =	vadd.scan.msk.f32 $0xffff, v10;
	v22, _, _ =	vpop (xrf2);
	v18 =	vsub.f32 v24, v6;
	v20 =	vadd.f32 v25, v20;
	v6 =	vmov v23  }
0x219: {  	v32 =	vperm.xlane v14, v0;
	v14 =	vmovc v7;
	v7 =	vmovc v4;
	v25 =	vld [tilespmem:s4+$0x200];
	(v2sf) =	vpush v22, $0xF;
	v23 =	vadd.f32 v28, v27  }
0x21a: {  	s2 =	sadd.s32 $0xFFFFFFF0, s2;
	v4 =	vmovc v9;
	v9 =	vmovc v17;
	v24 =	vsub.f32 v16, v6;
	v27 =	vperm.xlane v15, v0;
	v15 =	vmov v11;
	s6 =	spop (v2sf)  }
.Ltmp8:
0x21b: {  	p0 =	slt.u32 s2, $0x1FE0;
	v32 =	vmul.f32 v21, v32;
	v33 =	vmax.f32 v28, $1.000000000e+00;
	v17 =	vld [tilespmem:s4+$0x400];
	v23 =	vmax.f32 v23, $1.000000000e+00;
	s1 =	sadd.f32 s6, s1;
	v26 =	vpop (erf);
	(pc) =	sbr.rel @p1 .LBB2_15-.Ltmp8, $4  }
0x21c: {  	v11 =	vmovc v8;
	v8 =	vmovc v12;
	v28 =	vpsel !p0, $0x0, v30;
	v16 =	vld [tilespmem:s4+$0x600];
	v30 =	vmul.f32 v23, v33;
	(erf) = vrcp.f32 v33  }
0x21d: {  	v27 =	vmul.f32 v26, v27;
	v23 =	vperm.xlane v28, v0;
	v28 =	vadd.f32 s1, v29;
	v12 =	vpop (erf)  }
0x21e: {  	v21 =	vmovc v18;
	v29 =	vpsel !p0, $0x0, v25;
	s4 =	spop (v2sf);
	(erf) = vrcp.f32 v30;
	v25 =	vmul.f32 v12, v32;
	v12 =	vmovc v31  }
0x21f: {  	v18 =	vperm.xlane v29, v0;
	(xrf2) =	vadd.scan.msk.f32 $0xffff, v23;
	v26, _, _ =	vpop (xrf2);
	(v2sf) =	vpush v19, $0xF;
	v28 =	vsub.f32 v28, v3;
	s0 =	sadd.f32 s4, s0  }
0x220: {  	_ =	sdelay $0x1  }
0x221: {  	v29, _, _ =	vpop (xrf2)  }
0x222: {  	(v2sf) =	vpush v29, $0xF  }
0x223: {  	(v2sf) =	vpush v26, $0xF;
	_ =	sdelay $0x6  }
0x224: {  	s2 =	spop (v2sf)  }
0x225: {  	v20 =	vadd.f32 v27, v20;
	s1 =	sadd.f32 s2, s1  }
0x226: {  	v24 =	vsub.f32 v1, v24;
	v14 =	vperm.xlane v14, v0;
	v59 =	vadd.f32 v28, v1  }
0x227: {  	v15 =	vperm.xlane v15, v0;
	v34 =	vperm.xlane v7, v0;
	v19 =	vadd.f32 s1, v19;
	s25 =	spop (v2sf)  }
0x228: {  	v11 =	vperm.xlane v11, v0;
	v4 =	vperm.xlane v4, v0;
	v3 =	vadd.f32 v59, v3;
	s3 =	spop (v2sf)  }
0x229: {  	v42 =	vperm.xlane v8, v0;
	v22 =	vadd.f32 s0, v22;
	v19 =	vsub.f32 v19, v5;
	s1 =	sadd.f32 s3, s1  }
0x22a: {  	v6 =	vsub.f32 v24, v6;
	v60 =	vmax.f32 v59, $1.000000000e+00;
	v3 =	vmax.f32 v3, $1.000000000e+00  }
0x22b: {  	v3 =	vmul.f32 v3, v60;
	v19 =	vadd.f32 v19, v1;
	v62 =	vadd.f32 s1, v26;
	s26 =	spop (v2sf)  }
0x22c: {  	v20 =	vadd.f32 v25, v20;
	v22 =	vsub.f32 v22, v2;
	(erf) = vrcp.f32 v60;
	s29 =	spop (v2sf)  }
0x22d: {  	(erf) = vrcp.f32 v3;
	v27 =	vadd.f32 v19, v5;
	v25 =	vsub.f32 v62, v13;
	s1 =	sadd.f32 s29, s1  }
0x22e: {  	(xrf2) =	vadd.scan.msk.f32 $0xffff, v18;
	v14 =	vmul.f32 v21, v14;
	v63 =	vsub.f32 v1, v22;
	v28, _, _ =	vpop (xrf2);
	v19 =	vmax.f32 v19, $1.000000000e+00  }
0x22f: {  	v61 =	vpop (erf);
	v5 =	vmax.f32 v27, $1.000000000e+00;
	v21 =	vadd.f32 v25, v1;
	v31 =	vadd.f32 s1, v28  }
0x230: {  	v33 =	vsub.f32 v63, v2;
	s28 =	sadd.f32 s25, s0;
	v5 =	vmul.f32 v5, v19;
	v26 =	vpop (erf);
	(erf) = vrcp.f32 v19  }
0x231: {  	v15 =	vmul.f32 v61, v15;
	v32 =	vadd.f32 v21, v13;
	v35 =	vsub.f32 v31, v23  }
0x232: {  	v30 =	vadd.f32 s28, v29;
	v14 =	vmul.f32 v26, v14;
	(erf) = vrcp.f32 v5  }
0x233: {  	v36 =	vmax.f32 v21, $1.000000000e+00;
	v13 =	vmax.f32 v32, $1.000000000e+00;
	v7 =	vadd.f32 v35, v1  }
0x234: {  	v15 =	vadd.f32 v15, v20;
	(erf) = vrcp.f32 v36;
	v13 =	vmul.f32 v13, v36  }
0x235: {  	v3 =	vmul.f32 v6, v34;
	v41 =	vsub.f32 v30, v10;
	v37 =	vpop (erf);
	v40 =	vadd.f32 v7, v23  }
0x236: {  	v38 =	vmul.f32 v37, v11;
	v39 =	vpop (erf);
	v14 =	vadd.f32 v14, v15;
	(erf) = vrcp.f32 v13  }
0x237: {  	s0 =	sadd.f32 s26, s28;
	v3 =	vmul.f32 v39, v3;
	v7 =	vmax.f32 v7, $1.000000000e+00;
	v43 =	vmax.f32 v40, $1.000000000e+00  }
0x238: {  	v44, _, _ =	vpop (xrf2);
	v5 =	vadd.f32 v38, v14;
	(erf) = vrcp.f32 v7;
	v8 =	vmul.f32 v43, v7  }
0x239: {  	v2 =	vmul.f32 v33, v4;
	v45 =	vsub.f32 v1, v41;
	v46 =	vadd.f32 s0, v44;
	v47 =	vpop (erf)  }
0x23a: {  	v3 =	vadd.f32 v3, v5;
	v4 =	vmul.f32 v47, v42;
	(erf) = vrcp.f32 v8  }
0x23b: {  	v51 =	vperm.xlane v9, v0;
	v52 =	vperm.xlane v12, v0;
	v49 =	vsub.f32 v45, v10;
	v48 =	vpop (erf)  }
0x23c: {  	v50 =	vsub.f32 v46, v18;
	v2 =	vmul.f32 v48, v2;
	v3 =	vadd.f32 v4, v3  }
0x23d: {  	v56 =	vpsel !p0, $0x0, v17;
	v58 =	vpsel !p0, $0x0, v16;
	v6 =	vmul.f32 v49, v51;
	v53 =	vpop (erf)  }
0x23e: {  	v54 =	vsub.f32 v1, v50;
	v2 =	vadd.f32 v2, v3;
	v57 =	vmul.f32 v53, v52  }
0x23f: {  	v60 =	vperm.xlane v56, v0;
	v61 =	vperm.xlane v58, v0;
	v55 =	vpop (erf)  }
0x240: {  	v1 =	vsub.f32 v54, v18;
	v2 =	vadd.f32 v57, v2;
	v59 =	vmul.f32 v55, v6  }
0x241: {  	v62 =	vpop (erf)  }
0x242: {  	v1 =	vmul.f32 v1, v60;
	v0 =	vmul.f32 v62, v61;
	v2 =	vadd.f32 v59, v2  }
0x243: {  	v63 =	vpop (erf)  }
0x244: {  	v0 =	vadd.f32 v0, v2;
	v1 =	vmul.f32 v63, v1;
	_ =	sdelay $0x1  }
0x245: {  	v0 =	vadd.f32 v1, v0  }
0x246: {  	(v2sf) =	vpush v44, $0xF  }
0x247: {  	(xrf2) =	vadd.scan.msk.f32 $0xffff, v0  }
0x248: {  	(v2sf) =	vpush v28, $0xF;
	_ =	sdelay $0x8  }
0x249: {  	v0, _, _ =	vpop (xrf2)  }
0x24a: {  	v0 =	vbroadcast v0, $0xF;
	_ =	sdelay $0x1  }
0x24b: {  	v0 =	vnsel vm0, $0x0, v0  }
0x24c: {  	s0 =	simm.s32 $0x2800;
	s30 =	spop (v2sf);
	[tilespmem:$0x2800] =	vst v0  }
0x24d: {  	[spmem:s5] =	stream.linear.scatter [tilespmem:s0], [sflag:$0x5], $0x10, $0x38;
	[tilespmem:$0x2A10] =	vst v63  }
0x24e: {  	s31 =	spop (v2sf);
	s0 =	simm.s32 $0x5  }
0x24f: {  	_ =	swait.ge [sflag:s0], $0x10  }
0x250: {  	[sflag:s0] =	ssyncset.done $0x0  }
0x251: {  	[sflag:s0] =	ssyncadd.s32 $0xFFFFFFF0  }
0x252: {  	p0 =	sne.s32 s8, $0x0;
	[bflag:$0x0] =	sbarrier.arrive $0xFFFF  }
0x253: {  	_ =	sfence.sel @p0 $0x180000  }
0x254: {  	[bflag:$0x0] =	sbarrier.arrive @p0 $0xFFFF  }
0x255: {  	_ =	strace @p0 $0x9000004A  }
0x256: {  	s0 =	simm.s32 @!p0 $0x2880;
	[bflag:$0x2] =	sbarrier.arrive @p0 $0xFFFF  }
0x257: {  	[tilespmem:s0], [sflag:$0x5] =	stream.linear.gather @!p0 [spmem:s7], $0x100, $0x38;
	[tilespmem:$0x2A10] =	vst v63  }
0x258: {  	s0 =	simm.s32 @!p0 $0x5  }
0x259: {  	_ =	swait.ge @!p0 [sflag:s0], $0x100  }
0x25a: {  	[sflag:s0] =	ssyncset.done @!p0 $0x0  }
0x25b: {  	[sflag:s0] =	ssyncadd.s32 @!p0 $0xFFFFFF00  }
0x25c: {  	v0 =	vld @!p0 [tilespmem:$0x2880];
	_ =	sdelay $0x1  }
0x25d: {  	v1 =	vld @!p0 [tilespmem:$0x2890];
	_ =	sdelay $0x1  }
0x25e: {  	v2 =	vld @!p0 [tilespmem:$0x28A0]  }
0x25f: {  	v0 =	vadd.f32 @!p0 $0.0e+00, v0  }
0x260: {  	v3 =	vld @!p0 [tilespmem:$0x28B0]  }
0x261: {  	v0 =	vadd.f32 @!p0 v1, v0  }
0x262: {  	v1 =	vld @!p0 [tilespmem:$0x28C0]  }
0x263: {  	v0 =	vadd.f32 @!p0 v2, v0  }
0x264: {  	v2 =	vld @!p0 [tilespmem:$0x28D0]  }
0x265: {  	v0 =	vadd.f32 @!p0 v3, v0  }
0x266: {  	v3 =	vld @!p0 [tilespmem:$0x28E0]  }
0x267: {  	v0 =	vadd.f32 @!p0 v1, v0  }
0x268: {  	v1 =	vld @!p0 [tilespmem:$0x28F0]  }
0x269: {  	v0 =	vadd.f32 @!p0 v2, v0  }
0x26a: {  	v2 =	vld @!p0 [tilespmem:$0x2900]  }
0x26b: {  	v0 =	vadd.f32 @!p0 v3, v0  }
0x26c: {  	v3 =	vld @!p0 [tilespmem:$0x2910]  }
0x26d: {  	v0 =	vadd.f32 @!p0 v1, v0  }
0x26e: {  	v1 =	vld @!p0 [tilespmem:$0x2920]  }
0x26f: {  	v0 =	vadd.f32 @!p0 v2, v0  }
0x270: {  	v2 =	vld @!p0 [tilespmem:$0x2930]  }
0x271: {  	v0 =	vadd.f32 @!p0 v3, v0  }
0x272: {  	v3 =	vld @!p0 [tilespmem:$0x2940]  }
0x273: {  	v0 =	vadd.f32 @!p0 v1, v0  }
0x274: {  	v1 =	vld @!p0 [tilespmem:$0x2950]  }
0x275: {  	v0 =	vadd.f32 @!p0 v2, v0  }
0x276: {  	v2 =	vld @!p0 [tilespmem:$0x2960]  }
0x277: {  	v0 =	vadd.f32 @!p0 v3, v0  }
0x278: {  	v3 =	vld @!p0 [tilespmem:$0x2970]  }
0x279: {  	v0 =	vadd.f32 @!p0 v1, v0;
	_ =	sdelay $0x1  }
0x27a: {  	v0 =	vadd.f32 @!p0 v2, v0;
	_ =	sdelay $0x1  }
0x27b: {  	v0 =	vadd.f32 @!p0 v3, v0;
	_ =	sdelay $0x1  }
0x27c: {  	s2 =	simm.s32 @!p0 $0x2980;
	s1 =	simm.s32 @!p0 $0x0;
	s3 =	rddreg [dreg:$0x1];
	[tilespmem:$0x2980] =	vst @!p0 v0  }
0x27d: {  	[hbm4b:s3+s1] =	stream.linear.scatter @!p0 [tilespmem:s2], [sflag:$0x5], $0x80, $0x38;
	[tilespmem:$0x2A10] =	vst v63  }
0x27e: {  	_ =	swait.ge @!p0 [sflag:s0], $0x80  }
0x27f: {  	[sflag:s0] =	ssyncset.done @!p0 $0x0  }
0x280: {  	[sflag:s0] =	ssyncadd.s32 @!p0 $0xFFFFFF80  }
0x281: {  	_ =	sfence.sel @!p0 $0x180000  }
0x282: {  	[bflag:$0x0] =	sbarrier.arrive @!p0 $0xFFFF  }
0x283: {  	_ =	strace @!p0 $0x9000004A  }
0x284: {  	[bflag:$0x2] =	sbarrier.arrive @!p0 $0xFFFF  }
0x285: {  	s0 =	rddreg [dreg:$0x3]  }
0x286: {  	s0 =	sadd.s32 @!p0 $0x100000, s0  }
0x287: {  	[sflag:s0] =	ssyncadd.tile.s32 @!p0 $0x1;
	_ =	shalt  }
.Lfunc_end2:
_tile_overlayer_lowered:
.L_overlay_start_2:
0x288: {  	(tag) =	ssettag $0x2  }
0x289: {  	s0 =	rddreg [dreg:$0x0];
	s2 =	stileid.u32  }
0x28a: {  	s1 =	rddreg [dreg:$0x1];
	p0 =	sne.s32 s2, $0x0  }
0x28b: {  	s3 =	rddreg [dreg:$0x2];
	[bflag:$0x3] =	sbarrier.arrive $0xFFFF;
	s2 =	simm.s32 @!p0 $0x1C05  }
0x28c: {  	[timem:s3], [sflag:s2] =	dma.local @!p0 [hbm:s0], s1  }
0x28d: {  	s0 =	simm.s32 @!p0 $0x5  }
0x28e: {  	_ =	swait.ge @!p0 [sflag:s0], s1  }
0x28f: {  	s1 =	ssub.s32 @!p0 $0x0, s1;
	[sflag:s0] =	ssyncset.done @!p0 $0x0  }
0x290: {  	[sflag:s0] =	ssyncadd.s32 @!p0 s1  }
0x291: {  	[bflag:$0x3] =	sbarrier.arrive $0xFFFF  }
0x292: {  	_ =	shalt  }

</sc_bundles>
